<compile_context>
chip_gen: v7x
topology: tpu7x:2x2x1
jax: 0.10.2.dev20260603
libtpu: 0.0.44.dev20260713+nightly
codegen_flags: <defaults>
</compile_context>

<pallas_src>
import functools

import jax
import jax.numpy as jnp
from jax import lax
from jax.experimental import pallas as pl
from jax.experimental.pallas import tpu as pltpu
from jax.experimental.pallas import tpu_sc as plsc

N = 10000
NT = 10016
E = 160000
NCORE = 2
NSUB = 16
K1, NCH1 = 72, 144
K2, NCH2 = 128, 80
RSTEP = 624
RCOPY = 640
EPS = 1e-5
BR = 2000
GRID = N // BR

_MESH = dict(core_axis_name="c", subcore_axis_name="s")



@functools.lru_cache(maxsize=None)
def _sc_gather_scatter(dc, kk, nch, depth):
    @functools.partial(
        pl.kernel,
        out_type=jax.ShapeDtypeStruct((NCORE, N, dc), jnp.float32),
        mesh=plsc.VectorSubcoreMesh(**_MESH),
        scratch_types=[
            pltpu.VMEM((nch, kk), jnp.int32),
            pltpu.VMEM((nch, kk), jnp.int32),
        ] + [pltpu.VMEM((kk, dc), jnp.float32)] * depth + [
            pltpu.VMEM_SHARED((NT, dc), jnp.float32),
        ] + [pltpu.SemaphoreType.DMA] * (2 * depth),
        compiler_params=pltpu.CompilerParams(use_tc_tiling_on_sc=False),
    )
    def k(table, srcoff, dstr, out, src_v, dst_v, *rest):
        g = rest[:depth]
        acc = rest[depth]
        gsem = rest[depth + 1:depth + 1 + depth]
        ssem = rest[depth + 1 + depth:]
        c = lax.axis_index("c")
        s = lax.axis_index("s")
        base = s * RSTEP
        pltpu.sync_copy(srcoff.at[c, s], src_v)
        pltpu.sync_copy(dstr.at[s], dst_v)
        pltpu.sync_copy(table.at[pl.ds(c * N + base, RCOPY)],
                        acc.at[pl.ds(base, RCOPY)])
        plsc.subcore_barrier()

        for b in range(depth):
            pltpu.async_copy(table.at[src_v.at[b]], g[b], gsem[b])

        @pl.loop(0, nch, step=depth)
        def _(j):
            for b in range(depth):
                ch = j + b
                bp = (b - 1) % depth
                pltpu.make_async_copy(table.at[src_v.at[ch]], g[b],
                                      gsem[b]).wait()
                pltpu.async_copy(g[b], acc.at[dst_v.at[ch]], ssem[b], add=True)

                def _prefetch():
                    pltpu.make_async_copy(g[bp], acc.at[dst_v.at[0]],
                                          ssem[bp]).wait()
                    nxt = jnp.minimum(ch + depth - 1, nch - 1)
                    pltpu.async_copy(table.at[src_v.at[nxt]], g[bp], gsem[bp])

                if b == 0:
                    pl.when(j > 0)(_prefetch)
                else:
                    _prefetch()

        for b in range(depth - 1):
            pltpu.make_async_copy(table.at[src_v.at[0]], g[b], gsem[b]).wait()
        pltpu.make_async_copy(g[0], acc.at[dst_v.at[0]],
                              ssem[depth - 1]).wait()
        plsc.subcore_barrier()
        pltpu.sync_copy(acc.at[pl.ds(base, RCOPY)], out.at[c, pl.ds(base, RCOPY)])

    return k


@functools.lru_cache(maxsize=None)
def _sc_layer128():
    dc, kk, nch = 128, 80, 125

    @functools.partial(
        pl.kernel,
        out_type=jax.ShapeDtypeStruct((NCORE, N, dc), jnp.float32),
        mesh=plsc.VectorSubcoreMesh(**_MESH),
        scratch_types=[
            pltpu.VMEM((nch, kk), jnp.int32),
            pltpu.VMEM((nch, kk), jnp.int32),
            pltpu.VMEM((kk, dc), jnp.float32),
            pltpu.VMEM((kk, dc), jnp.float32),
            pltpu.VMEM_SHARED((NT, dc), jnp.float32),
            pltpu.SemaphoreType.DMA,
            pltpu.SemaphoreType.DMA,
        ],
        compiler_params=pltpu.CompilerParams(use_tc_tiling_on_sc=False),
    )
    def k(table, srcoff, dstr, out, src_v, dst_v, g0, g1, acc, sem0, sem1):
        c = lax.axis_index("c")
        s = lax.axis_index("s")
        base = s * RSTEP
        pltpu.sync_copy(srcoff.at[c, s], src_v)
        pltpu.sync_copy(dstr.at[s], dst_v)
        pltpu.sync_copy(table.at[pl.ds(c * N + base, RCOPY)],
                        acc.at[pl.ds(base, RCOPY)])
        plsc.subcore_barrier()
        pltpu.async_copy(table.at[src_v.at[0]], g0, sem0)

        @pl.loop(0, nch - 1, step=2)
        def _(j):
            pltpu.async_copy(table.at[src_v.at[j + 1]], g1, sem1)
            pltpu.make_async_copy(table.at[src_v.at[j]], g0, sem0).wait()
            pltpu.sync_copy(g0, acc.at[dst_v.at[j]], add=True)
            pltpu.async_copy(table.at[src_v.at[j + 2]], g0, sem0)
            pltpu.make_async_copy(table.at[src_v.at[j + 1]], g1, sem1).wait()
            pltpu.sync_copy(g1, acc.at[dst_v.at[j + 1]], add=True)

        pltpu.make_async_copy(table.at[src_v.at[nch - 1]], g0, sem0).wait()
        pltpu.sync_copy(g0, acc.at[dst_v.at[nch - 1]], add=True)
        plsc.subcore_barrier()
        pltpu.sync_copy(acc.at[pl.ds(base, RCOPY)], out.at[c, pl.ds(base, RCOPY)])

    return k


@functools.lru_cache(maxsize=None)
def _sc_degree():
    dc = 16
    depth = 5

    @functools.partial(
        pl.kernel,
        out_type=jax.ShapeDtypeStruct((NCORE, N, dc), jnp.float32),
        mesh=plsc.VectorSubcoreMesh(**_MESH),
        scratch_types=[
            pltpu.VMEM((NCH2, K2), jnp.int32),
            pltpu.VMEM((K2, dc), jnp.float32),
            pltpu.VMEM((K2, dc), jnp.float32),
            pltpu.VMEM_SHARED((NT, dc), jnp.float32),
        ] + [pltpu.SemaphoreType.DMA] * depth,
        compiler_params=pltpu.CompilerParams(use_tc_tiling_on_sc=False),
    )
    def k(cvals, dstr, out, dst_v, ones_v, zero_v, acc, *ssem):
        c = lax.axis_index("c")
        s = lax.axis_index("s")
        base = s * RSTEP
        pltpu.sync_copy(dstr.at[s], dst_v)
        pltpu.sync_copy(cvals.at[0], ones_v)
        pltpu.sync_copy(cvals.at[1], zero_v)

        for i in range(RCOPY // K2):
            pltpu.sync_copy(zero_v, acc.at[pl.ds(base + i * K2, K2)])
        plsc.subcore_barrier()

        for b in range(depth):
            pltpu.async_copy(ones_v, acc.at[dst_v.at[b]], ssem[b], add=True)

        @pl.loop(depth, NCH2, step=depth)
        def _(j):
            for b in range(depth):
                pltpu.make_async_copy(ones_v, acc.at[dst_v.at[0]],
                                      ssem[b]).wait()
                pltpu.async_copy(ones_v, acc.at[dst_v.at[j + b]], ssem[b],
                                 add=True)

        for b in range(depth):
            pltpu.make_async_copy(ones_v, acc.at[dst_v.at[0]], ssem[b]).wait()
        plsc.subcore_barrier()
        pltpu.sync_copy(acc.at[pl.ds(base, RCOPY)], out.at[c, pl.ds(base, RCOPY)])

    return k



def _group_mats(half_dim, group):
    ngrp = half_dim // group
    ri = lax.broadcasted_iota(jnp.int32, (half_dim, ngrp), 0) // group
    ci = lax.broadcasted_iota(jnp.int32, (half_dim, ngrp), 1)
    m = jnp.where(ri == ci, 1.0, 0.0).astype(jnp.float32)
    rit = lax.broadcasted_iota(jnp.int32, (ngrp, half_dim), 0)
    cit = lax.broadcasted_iota(jnp.int32, (ngrp, half_dim), 1) // group
    mt = jnp.where(rit == cit, 1.0, 0.0).astype(jnp.float32)
    return m, mt


def _bdot(a, w):
    return jnp.dot(a.astype(jnp.bfloat16), w.astype(jnp.bfloat16),
                   preferred_element_type=jnp.float32)


def _tc_pre_body(x_ref, w_ref, d_ref, o_ref):
    dis = lax.rsqrt(d_ref[:, 0:1] + 1.0)
    h = _bdot(x_ref[...], w_ref[...])
    hp = h * dis
    o_ref[0] = hp[:, :128]
    o_ref[1] = hp[:, 128:]


def _tc_pre(x, w1, degh):
    return pl.pallas_call(
        _tc_pre_body,
        grid=(GRID,),
        in_specs=[
            pl.BlockSpec((BR, 256), lambda i: (i, 0)),
            pl.BlockSpec((256, 256), lambda i: (0, 0)),
            pl.BlockSpec((BR, 16), lambda i: (i, 0)),
        ],
        out_specs=pl.BlockSpec((2, BR, 128), lambda i: (0, i, 0)),
        out_shape=jax.ShapeDtypeStruct((2, N, 128), jnp.float32),
    )(x, w1, degh)


def _tc_mid_body(dn, a_ref, d_ref, b_ref, gw_ref, gb_ref, w_ref, o_ref):
    dis = lax.rsqrt(d_ref[:, 0:1] + 1.0)
    m, mt = _group_mats(128, 32)
    ys = []
    for half in range(2):
        lo, hi = half * 128, half * 128 + 128
        u = a_ref[half] * dis + b_ref[:, lo:hi]
        s4 = jnp.dot(u, m, preferred_element_type=jnp.float32) * (1.0 / 32.0)
        mean = jnp.dot(s4, mt, preferred_element_type=jnp.float32)
        q4 = jnp.dot(u * u, m, preferred_element_type=jnp.float32) * (1.0 / 32.0)
        q = jnp.dot(q4, mt, preferred_element_type=jnp.float32)
        var = q - mean * mean
        y = (u - mean) * lax.rsqrt(var + EPS)
        y = y * gw_ref[:, lo:hi] + gb_ref[:, lo:hi]
        ys.append(jnp.maximum(y, 0.0))
    h = _bdot(ys[0], w_ref[:128, :]) + _bdot(ys[1], w_ref[128:, :])
    hp = h * dis
    hd = dn // 2
    o_ref[0] = hp[:, :hd]
    o_ref[1] = hp[:, hd:]


def _tc_mid(acc, degh, b, gw, gb, w, dn):
    return pl.pallas_call(
        functools.partial(_tc_mid_body, dn),
        grid=(GRID,),
        in_specs=[
            pl.BlockSpec((2, BR, 128), lambda i: (0, i, 0)),
            pl.BlockSpec((BR, 16), lambda i: (i, 0)),
            pl.BlockSpec((1, 256), lambda i: (0, 0)),
            pl.BlockSpec((1, 256), lambda i: (0, 0)),
            pl.BlockSpec((1, 256), lambda i: (0, 0)),
            pl.BlockSpec((256, dn), lambda i: (0, 0)),
        ],
        out_specs=pl.BlockSpec((2, BR, dn // 2), lambda i: (0, i, 0)),
        out_shape=jax.ShapeDtypeStruct((2, N, dn // 2), jnp.float32),
    )(acc, degh, b, gw, gb, w)


def _tc_final_body(a_ref, d_ref, b_ref, o_ref):
    dis = lax.rsqrt(d_ref[:, 0:1] + 1.0)
    u = jnp.concatenate([a_ref[0], a_ref[1]], axis=1)
    z = u * dis + b_ref[:, :]
    col = lax.broadcasted_iota(jnp.int32, (BR, 64), 1)
    mask = col < 40
    zm = jnp.where(mask, z, -jnp.inf)
    mx = jnp.max(zm, axis=1, keepdims=True)
    ez = jnp.where(mask, jnp.exp(z - mx), 0.0)
    se = jnp.sum(ez, axis=1, keepdims=True)
    ls = z - mx - jnp.log(se)
    o_ref[...] = ls[:, :40]


def _tc_final(acc3, degh, b3p):
    return pl.pallas_call(
        _tc_final_body,
        grid=(GRID,),
        in_specs=[
            pl.BlockSpec((2, BR, 32), lambda i: (0, i, 0)),
            pl.BlockSpec((BR, 16), lambda i: (i, 0)),
            pl.BlockSpec((1, 64), lambda i: (0, 0)),
        ],
        out_specs=pl.BlockSpec((BR, 40), lambda i: (i, 0)),
        out_shape=jax.ShapeDtypeStruct((N, 40), jnp.float32),
    )(acc3, degh, b3p)



def _chunked(idx, fill, nch, kk):
    pad = jnp.broadcast_to(fill, (NSUB, nch * kk - E // NSUB))
    return jnp.concatenate([idx.reshape(NSUB, E // NSUB), pad],
                           axis=1).reshape(NSUB, nch, kk)


def kernel(x, edge_index, W1, b1, g1w, g1b, W2, b2, g2w, g2b, W3, b3):
    tile = jnp.arange(NSUB, dtype=jnp.int32)[:, None]
    src1 = edge_index[0].reshape(NSUB, 125, 80)
    srco1 = jnp.stack([src1, src1 + N])
    dst1 = edge_index[1].reshape(NSUB, 125, 80)
    src2 = _chunked(edge_index[0], tile * RSTEP, NCH2, K2)
    srco2 = jnp.stack([src2, src2 + N])
    dst2 = _chunked(edge_index[1], N + tile, NCH2, K2)

    cvals = jnp.stack([jnp.ones((K2, 16), jnp.float32),
                       jnp.zeros((K2, 16), jnp.float32)])
    degh = _sc_degree()(cvals, dst2)[0]

    hp1 = _tc_pre(x, W1, degh)
    acc1 = _sc_layer128()(hp1.reshape(2 * N, 128), srco1, dst1)
    hp2 = _tc_mid(acc1, degh, b1.reshape(1, 256), g1w.reshape(1, 256),
                  g1b.reshape(1, 256), W2, 256)
    acc2 = _sc_layer128()(hp2.reshape(2 * N, 128), srco1, dst1)
    w3p = jnp.pad(W3, ((0, 0), (0, 24)))
    hp3 = _tc_mid(acc2, degh, b2.reshape(1, 256), g2w.reshape(1, 256),
                  g2b.reshape(1, 256), w3p, 64)
    acc3 = _sc_gather_scatter(32, K2, NCH2, 5)(
        hp3.reshape(2 * N, 32), srco2, dst2)
    b3p = jnp.pad(b3, (0, 24)).reshape(1, 64)
    return _tc_final(acc3, degh, b3p)

# --- scband reference (transcript-rebuilt; emitter-appended) ---
"""Pipeline reference for scband-simple-gcn-arxiv-19911468384537 (READ-ONLY COPY).

The authoritative reference and input builder live on the scoring server;
editing this copy changes nothing except your own understanding.
"""

import jax, jax.numpy as jnp
import numpy as np

N_NODES = 10000
D_IN = 256
D_HID = 256
D_OUT = 40
N_EDGES = 160000
GROUPS = 8
EPS = 1e-5


def gcn_conv(x, edge_index, W, b):
    N = x.shape[0]
    src = edge_index[0]
    dst = edge_index[1]
    loop = jnp.arange(N, dtype=src.dtype)
    src = jnp.concatenate([src, loop])
    dst = jnp.concatenate([dst, loop])
    deg = jnp.zeros((N,), dtype=x.dtype).at[dst].add(1.0)
    deg_inv_sqrt = jnp.where(deg > 0, jax.lax.rsqrt(jnp.maximum(deg, 1e-12)), 0.0)
    norm = deg_inv_sqrt[src] * deg_inv_sqrt[dst]
    h = x @ W
    msg = h[src] * norm[:, None]
    out = jnp.zeros((N, h.shape[1]), dtype=h.dtype).at[dst].add(msg)
    return out + b


def group_norm(x, gamma, beta, groups=GROUPS, eps=EPS):
    N, C = x.shape
    xg = x.reshape(N, groups, C // groups)
    mean = xg.mean(axis=2, keepdims=True)
    var = xg.var(axis=2, keepdims=True)
    xn = (xg - mean) / jnp.sqrt(var + eps)
    return xn.reshape(N, C) * gamma + beta


def setup_inputs(seed: int = 0) -> dict:
    key = jax.random.key(seed)
    ks = jax.random.split(key, 12)
    x = jax.random.normal(ks[0], (N_NODES, D_IN), dtype=jnp.float32)
    edge_index = jax.random.randint(ks[1], (2, N_EDGES), 0, N_NODES, dtype=jnp.int64 if jax.config.jax_enable_x64 else jnp.int32).astype(jnp.int32)
    s1 = 1.0 / np.sqrt(D_IN)
    s2 = 1.0 / np.sqrt(D_HID)
    W1 = jax.random.uniform(ks[2], (D_IN, D_HID), jnp.float32, -s1, s1)
    b1 = jnp.zeros((D_HID,), jnp.float32)
    g1w = jnp.ones((D_HID,), jnp.float32)
    g1b = jnp.zeros((D_HID,), jnp.float32)
    W2 = jax.random.uniform(ks[3], (D_HID, D_HID), jnp.float32, -s2, s2)
    b2 = jnp.zeros((D_HID,), jnp.float32)
    g2w = jnp.ones((D_HID,), jnp.float32)
    g2b = jnp.zeros((D_HID,), jnp.float32)
    W3 = jax.random.uniform(ks[4], (D_HID, D_OUT), jnp.float32, -s2, s2)
    b3 = jnp.zeros((D_OUT,), jnp.float32)
    return {"x": x, "edge_index": edge_index, "W1": W1, "b1": b1, "g1w": g1w, "g1b": g1b,
            "W2": W2, "b2": b2, "g2w": g2w, "g2b": g2b, "W3": W3, "b3": b3}


def reference(x, edge_index, W1, b1, g1w, g1b, W2, b2, g2w, g2b, W3, b3):
    h = gcn_conv(x, edge_index, W1, b1)
    h = group_norm(h, g1w, g1b)
    h = jax.nn.relu(h)
    # dropout is identity in eval mode
    h = gcn_conv(h, edge_index, W2, b2)
    h = group_norm(h, g2w, g2b)
    h = jax.nn.relu(h)
    h = gcn_conv(h, edge_index, W3, b3)
    return jax.nn.log_softmax(h, axis=1)

if __name__ == "__main__":
    import jax
    _d = setup_inputs()
    print(jax.jit(kernel)(*tuple(_d.values())))

</pallas_src>

<mosaic_0001>
#map = affine_map<(d0, d1) -> (0, 0, 0)>
module attributes {stable_mosaic.version = 14 : i64} {
  func.func @k(%arg0: i32, %arg1: i32, %arg2: memref<2x128x16xf32, #tpu.memory_space<hbm>>, %arg3: memref<16x80x128xi32, #tpu.memory_space<hbm>>, %arg4: memref<2x10000x16xf32, #tpu.memory_space<hbm>>, %arg5: memref<80x128xi32, #tpu.memory_space<vmem>>, %arg6: memref<128x16xf32, #tpu.memory_space<vmem>>, %arg7: memref<128x16xf32, #tpu.memory_space<vmem>>, %arg8: memref<10016x16xf32, #tpu.memory_space<vmem_shared>>, %arg9: memref<!tpu.dma_semaphore, #tpu.memory_space<semaphore_mem>>, %arg10: memref<!tpu.dma_semaphore, #tpu.memory_space<semaphore_mem>>, %arg11: memref<!tpu.dma_semaphore, #tpu.memory_space<semaphore_mem>>, %arg12: memref<!tpu.dma_semaphore, #tpu.memory_space<semaphore_mem>>, %arg13: memref<!tpu.dma_semaphore, #tpu.memory_space<semaphore_mem>>) attributes {dimension_semantics = [#tpu.dimension_semantics<core_parallel>, #tpu.dimension_semantics<subcore_parallel>], iteration_bounds = array<i64: 2, 16>, scalar_prefetch = 0 : i64, scratch_operands = 9 : i64, tpu.core_type = #tpu.core_type<sc_vector_subcore>, window_params = [{transform_indices = #map}, {transform_indices = #map}, {transform_indices = #map}]} {
    %mul3A = arith.constant 624 : i32
    %mul3A_0 = arith.muli %arg1, %mul3A : i32
    "tpu.region"() ({
      %run_scoped3A_84 = tpu.sem_alloc : memref<!tpu.dma_semaphore, #tpu.memory_space<semaphore_mem>>
      %dma_start3A_85 = arith.constant 0 : i32
      %dma_start3A_86 = arith.constant 0 : i32
      %dma_start3A_87 = tpu.memref_slice %arg3[%arg1, %dma_start3A_85, %dma_start3A_86] : memref<16x80x128xi32, #tpu.memory_space<hbm>> -> memref<1x80x128xi32, #tpu.memory_space<hbm>>
      %dma_start3A_88 = tpu.memref_squeeze %dma_start3A_87 : memref<1x80x128xi32, #tpu.memory_space<hbm>> -> memref<80x128xi32, #tpu.memory_space<hbm>>
      %dma_start3A_89 = arith.constant 0 : i32
      %dma_start3A_90 = arith.constant 0 : i32
      %dma_start3A_91 = tpu.memref_slice %arg3[%arg1, %dma_start3A_89, %dma_start3A_90] : memref<16x80x128xi32, #tpu.memory_space<hbm>> -> memref<1x80x128xi32, #tpu.memory_space<hbm>>
      %dma_start3A_92 = tpu.memref_squeeze %dma_start3A_91 : memref<1x80x128xi32, #tpu.memory_space<hbm>> -> memref<80x128xi32, #tpu.memory_space<hbm>>
      tpu.enqueue_dma source(%dma_start3A_92 : memref<80x128xi32, #tpu.memory_space<hbm>>) target(%arg5 : memref<80x128xi32, #tpu.memory_space<vmem>>) target_semaphore(%run_scoped3A_84 : memref<!tpu.dma_semaphore, #tpu.memory_space<semaphore_mem>>)
      %dma_wait3A_93 = arith.constant 0 : i32
      %dma_wait3A_94 = arith.constant 0 : i32
      %dma_wait3A_95 = tpu.memref_slice %arg3[%arg1, %dma_wait3A_93, %dma_wait3A_94] : memref<16x80x128xi32, #tpu.memory_space<hbm>> -> memref<1x80x128xi32, #tpu.memory_space<hbm>>
      %dma_wait3A_96 = tpu.memref_squeeze %dma_wait3A_95 : memref<1x80x128xi32, #tpu.memory_space<hbm>> -> memref<80x128xi32, #tpu.memory_space<hbm>>
      %dma_wait3A_97 = arith.constant 0 : i32
      %dma_wait3A_98 = arith.constant 0 : i32
      %dma_wait3A_99 = tpu.memref_slice %arg3[%arg1, %dma_wait3A_97, %dma_wait3A_98] : memref<16x80x128xi32, #tpu.memory_space<hbm>> -> memref<1x80x128xi32, #tpu.memory_space<hbm>>
      %dma_wait3A_100 = tpu.memref_squeeze %dma_wait3A_99 : memref<1x80x128xi32, #tpu.memory_space<hbm>> -> memref<80x128xi32, #tpu.memory_space<hbm>>
      tpu.wait_dma2 semaphore(%run_scoped3A_84 : memref<!tpu.dma_semaphore, #tpu.memory_space<semaphore_mem>>) src(%dma_wait3A_100 : memref<80x128xi32, #tpu.memory_space<hbm>>) dst(%arg5 : memref<80x128xi32, #tpu.memory_space<vmem>>)
      tpu.yield
    }) : () -> ()
    %run_scoped3A = arith.constant 0 : i32
    "tpu.region"() ({
      %run_scoped3A_84 = tpu.sem_alloc : memref<!tpu.dma_semaphore, #tpu.memory_space<semaphore_mem>>
      %dma_start3A_85 = arith.constant 0 : i32
      %dma_start3A_86 = arith.constant 0 : i32
      %dma_start3A_87 = tpu.memref_slice %arg2[%run_scoped3A, %dma_start3A_85, %dma_start3A_86] : memref<2x128x16xf32, #tpu.memory_space<hbm>> -> memref<1x128x16xf32, #tpu.memory_space<hbm>>
      %dma_start3A_88 = tpu.memref_squeeze %dma_start3A_87 : memref<1x128x16xf32, #tpu.memory_space<hbm>> -> memref<128x16xf32, #tpu.memory_space<hbm>>
      %dma_start3A_89 = arith.constant 0 : i32
      %dma_start3A_90 = arith.constant 0 : i32
      %dma_start3A_91 = tpu.memref_slice %arg2[%run_scoped3A, %dma_start3A_89, %dma_start3A_90] : memref<2x128x16xf32, #tpu.memory_space<hbm>> -> memref<1x128x16xf32, #tpu.memory_space<hbm>>
      %dma_start3A_92 = tpu.memref_squeeze %dma_start3A_91 : memref<1x128x16xf32, #tpu.memory_space<hbm>> -> memref<128x16xf32, #tpu.memory_space<hbm>>
      tpu.enqueue_dma source(%dma_start3A_92 : memref<128x16xf32, #tpu.memory_space<hbm>>) target(%arg6 : memref<128x16xf32, #tpu.memory_space<vmem>>) target_semaphore(%run_scoped3A_84 : memref<!tpu.dma_semaphore, #tpu.memory_space<semaphore_mem>>)
      %dma_wait3A_93 = arith.constant 0 : i32
      %dma_wait3A_94 = arith.constant 0 : i32
      %dma_wait3A_95 = tpu.memref_slice %arg2[%run_scoped3A, %dma_wait3A_93, %dma_wait3A_94] : memref<2x128x16xf32, #tpu.memory_space<hbm>> -> memref<1x128x16xf32, #tpu.memory_space<hbm>>
      %dma_wait3A_96 = tpu.memref_squeeze %dma_wait3A_95 : memref<1x128x16xf32, #tpu.memory_space<hbm>> -> memref<128x16xf32, #tpu.memory_space<hbm>>
      %dma_wait3A_97 = arith.constant 0 : i32
      %dma_wait3A_98 = arith.constant 0 : i32
      %dma_wait3A_99 = tpu.memref_slice %arg2[%run_scoped3A, %dma_wait3A_97, %dma_wait3A_98] : memref<2x128x16xf32, #tpu.memory_space<hbm>> -> memref<1x128x16xf32, #tpu.memory_space<hbm>>
      %dma_wait3A_100 = tpu.memref_squeeze %dma_wait3A_99 : memref<1x128x16xf32, #tpu.memory_space<hbm>> -> memref<128x16xf32, #tpu.memory_space<hbm>>
      tpu.wait_dma2 semaphore(%run_scoped3A_84 : memref<!tpu.dma_semaphore, #tpu.memory_space<semaphore_mem>>) src(%dma_wait3A_100 : memref<128x16xf32, #tpu.memory_space<hbm>>) dst(%arg6 : memref<128x16xf32, #tpu.memory_space<vmem>>)
      tpu.yield
    }) : () -> ()
    %run_scoped3A_1 = arith.constant 1 : i32
    "tpu.region"() ({
      %run_scoped3A_84 = tpu.sem_alloc : memref<!tpu.dma_semaphore, #tpu.memory_space<semaphore_mem>>
      %dma_start3A_85 = arith.constant 0 : i32
      %dma_start3A_86 = arith.constant 0 : i32
      %dma_start3A_87 = tpu.memref_slice %arg2[%run_scoped3A_1, %dma_start3A_85, %dma_start3A_86] : memref<2x128x16xf32, #tpu.memory_space<hbm>> -> memref<1x128x16xf32, #tpu.memory_space<hbm>>
      %dma_start3A_88 = tpu.memref_squeeze %dma_start3A_87 : memref<1x128x16xf32, #tpu.memory_space<hbm>> -> memref<128x16xf32, #tpu.memory_space<hbm>>
      %dma_start3A_89 = arith.constant 0 : i32
      %dma_start3A_90 = arith.constant 0 : i32
      %dma_start3A_91 = tpu.memref_slice %arg2[%run_scoped3A_1, %dma_start3A_89, %dma_start3A_90] : memref<2x128x16xf32, #tpu.memory_space<hbm>> -> memref<1x128x16xf32, #tpu.memory_space<hbm>>
      %dma_start3A_92 = tpu.memref_squeeze %dma_start3A_91 : memref<1x128x16xf32, #tpu.memory_space<hbm>> -> memref<128x16xf32, #tpu.memory_space<hbm>>
      tpu.enqueue_dma source(%dma_start3A_92 : memref<128x16xf32, #tpu.memory_space<hbm>>) target(%arg7 : memref<128x16xf32, #tpu.memory_space<vmem>>) target_semaphore(%run_scoped3A_84 : memref<!tpu.dma_semaphore, #tpu.memory_space<semaphore_mem>>)
      %dma_wait3A_93 = arith.constant 0 : i32
      %dma_wait3A_94 = arith.constant 0 : i32
      %dma_wait3A_95 = tpu.memref_slice %arg2[%run_scoped3A_1, %dma_wait3A_93, %dma_wait3A_94] : memref<2x128x16xf32, #tpu.memory_space<hbm>> -> memref<1x128x16xf32, #tpu.memory_space<hbm>>
      %dma_wait3A_96 = tpu.memref_squeeze %dma_wait3A_95 : memref<1x128x16xf32, #tpu.memory_space<hbm>> -> memref<128x16xf32, #tpu.memory_space<hbm>>
      %dma_wait3A_97 = arith.constant 0 : i32
      %dma_wait3A_98 = arith.constant 0 : i32
      %dma_wait3A_99 = tpu.memref_slice %arg2[%run_scoped3A_1, %dma_wait3A_97, %dma_wait3A_98] : memref<2x128x16xf32, #tpu.memory_space<hbm>> -> memref<1x128x16xf32, #tpu.memory_space<hbm>>
      %dma_wait3A_100 = tpu.memref_squeeze %dma_wait3A_99 : memref<1x128x16xf32, #tpu.memory_space<hbm>> -> memref<128x16xf32, #tpu.memory_space<hbm>>
      tpu.wait_dma2 semaphore(%run_scoped3A_84 : memref<!tpu.dma_semaphore, #tpu.memory_space<semaphore_mem>>) src(%dma_wait3A_100 : memref<128x16xf32, #tpu.memory_space<hbm>>) dst(%arg7 : memref<128x16xf32, #tpu.memory_space<vmem>>)
      tpu.yield
    }) : () -> ()
    %add3A = arith.constant 0 : i32
    %add3A_2 = arith.addi %mul3A_0, %add3A : i32
    "tpu.region"() ({
      %run_scoped3A_84 = tpu.sem_alloc : memref<!tpu.dma_semaphore, #tpu.memory_space<semaphore_mem>>
      %dma_start3A_85 = arith.constant 0 : i32
      %dma_start3A_86 = tpu.memref_slice %arg8[%add3A_2, %dma_start3A_85] : memref<10016x16xf32, #tpu.memory_space<vmem_shared>> -> memref<128x16xf32, #tpu.memory_space<vmem_shared>>
      %dma_start3A_87 = arith.constant 0 : i32
      %dma_start3A_88 = tpu.memref_slice %arg8[%add3A_2, %dma_start3A_87] : memref<10016x16xf32, #tpu.memory_space<vmem_shared>> -> memref<128x16xf32, #tpu.memory_space<vmem_shared>>
      tpu.enqueue_dma source(%arg7 : memref<128x16xf32, #tpu.memory_space<vmem>>) target(%dma_start3A_88 : memref<128x16xf32, #tpu.memory_space<vmem_shared>>) target_semaphore(%run_scoped3A_84 : memref<!tpu.dma_semaphore, #tpu.memory_space<semaphore_mem>>)
      %dma_wait3A_89 = arith.constant 0 : i32
      %dma_wait3A_90 = tpu.memref_slice %arg8[%add3A_2, %dma_wait3A_89] : memref<10016x16xf32, #tpu.memory_space<vmem_shared>> -> memref<128x16xf32, #tpu.memory_space<vmem_shared>>
      %dma_wait3A_91 = arith.constant 0 : i32
      %dma_wait3A_92 = tpu.memref_slice %arg8[%add3A_2, %dma_wait3A_91] : memref<10016x16xf32, #tpu.memory_space<vmem_shared>> -> memref<128x16xf32, #tpu.memory_space<vmem_shared>>
      tpu.wait_dma2 semaphore(%run_scoped3A_84 : memref<!tpu.dma_semaphore, #tpu.memory_space<semaphore_mem>>) src(%arg7 : memref<128x16xf32, #tpu.memory_space<vmem>>) dst(%dma_wait3A_92 : memref<128x16xf32, #tpu.memory_space<vmem_shared>>)
      tpu.yield
    }) : () -> ()
    %add3A_3 = arith.constant 128 : i32
    %add3A_4 = arith.addi %mul3A_0, %add3A_3 : i32
    "tpu.region"() ({
      %run_scoped3A_84 = tpu.sem_alloc : memref<!tpu.dma_semaphore, #tpu.memory_space<semaphore_mem>>
      %dma_start3A_85 = arith.constant 0 : i32
      %dma_start3A_86 = tpu.memref_slice %arg8[%add3A_4, %dma_start3A_85] : memref<10016x16xf32, #tpu.memory_space<vmem_shared>> -> memref<128x16xf32, #tpu.memory_space<vmem_shared>>
      %dma_start3A_87 = arith.constant 0 : i32
      %dma_start3A_88 = tpu.memref_slice %arg8[%add3A_4, %dma_start3A_87] : memref<10016x16xf32, #tpu.memory_space<vmem_shared>> -> memref<128x16xf32, #tpu.memory_space<vmem_shared>>
      tpu.enqueue_dma source(%arg7 : memref<128x16xf32, #tpu.memory_space<vmem>>) target(%dma_start3A_88 : memref<128x16xf32, #tpu.memory_space<vmem_shared>>) target_semaphore(%run_scoped3A_84 : memref<!tpu.dma_semaphore, #tpu.memory_space<semaphore_mem>>)
      %dma_wait3A_89 = arith.constant 0 : i32
      %dma_wait3A_90 = tpu.memref_slice %arg8[%add3A_4, %dma_wait3A_89] : memref<10016x16xf32, #tpu.memory_space<vmem_shared>> -> memref<128x16xf32, #tpu.memory_space<vmem_shared>>
      %dma_wait3A_91 = arith.constant 0 : i32
      %dma_wait3A_92 = tpu.memref_slice %arg8[%add3A_4, %dma_wait3A_91] : memref<10016x16xf32, #tpu.memory_space<vmem_shared>> -> memref<128x16xf32, #tpu.memory_space<vmem_shared>>
      tpu.wait_dma2 semaphore(%run_scoped3A_84 : memref<!tpu.dma_semaphore, #tpu.memory_space<semaphore_mem>>) src(%arg7 : memref<128x16xf32, #tpu.memory_space<vmem>>) dst(%dma_wait3A_92 : memref<128x16xf32, #tpu.memory_space<vmem_shared>>)
      tpu.yield
    }) : () -> ()
    %add3A_5 = arith.constant 256 : i32
    %add3A_6 = arith.addi %mul3A_0, %add3A_5 : i32
    "tpu.region"() ({
      %run_scoped3A_84 = tpu.sem_alloc : memref<!tpu.dma_semaphore, #tpu.memory_space<semaphore_mem>>
      %dma_start3A_85 = arith.constant 0 : i32
      %dma_start3A_86 = tpu.memref_slice %arg8[%add3A_6, %dma_start3A_85] : memref<10016x16xf32, #tpu.memory_space<vmem_shared>> -> memref<128x16xf32, #tpu.memory_space<vmem_shared>>
      %dma_start3A_87 = arith.constant 0 : i32
      %dma_start3A_88 = tpu.memref_slice %arg8[%add3A_6, %dma_start3A_87] : memref<10016x16xf32, #tpu.memory_space<vmem_shared>> -> memref<128x16xf32, #tpu.memory_space<vmem_shared>>
      tpu.enqueue_dma source(%arg7 : memref<128x16xf32, #tpu.memory_space<vmem>>) target(%dma_start3A_88 : memref<128x16xf32, #tpu.memory_space<vmem_shared>>) target_semaphore(%run_scoped3A_84 : memref<!tpu.dma_semaphore, #tpu.memory_space<semaphore_mem>>)
      %dma_wait3A_89 = arith.constant 0 : i32
      %dma_wait3A_90 = tpu.memref_slice %arg8[%add3A_6, %dma_wait3A_89] : memref<10016x16xf32, #tpu.memory_space<vmem_shared>> -> memref<128x16xf32, #tpu.memory_space<vmem_shared>>
      %dma_wait3A_91 = arith.constant 0 : i32
      %dma_wait3A_92 = tpu.memref_slice %arg8[%add3A_6, %dma_wait3A_91] : memref<10016x16xf32, #tpu.memory_space<vmem_shared>> -> memref<128x16xf32, #tpu.memory_space<vmem_shared>>
      tpu.wait_dma2 semaphore(%run_scoped3A_84 : memref<!tpu.dma_semaphore, #tpu.memory_space<semaphore_mem>>) src(%arg7 : memref<128x16xf32, #tpu.memory_space<vmem>>) dst(%dma_wait3A_92 : memref<128x16xf32, #tpu.memory_space<vmem_shared>>)
      tpu.yield
    }) : () -> ()
    %add3A_7 = arith.constant 384 : i32
    %add3A_8 = arith.addi %mul3A_0, %add3A_7 : i32
    "tpu.region"() ({
      %run_scoped3A_84 = tpu.sem_alloc : memref<!tpu.dma_semaphore, #tpu.memory_space<semaphore_mem>>
      %dma_start3A_85 = arith.constant 0 : i32
      %dma_start3A_86 = tpu.memref_slice %arg8[%add3A_8, %dma_start3A_85] : memref<10016x16xf32, #tpu.memory_space<vmem_shared>> -> memref<128x16xf32, #tpu.memory_space<vmem_shared>>
      %dma_start3A_87 = arith.constant 0 : i32
      %dma_start3A_88 = tpu.memref_slice %arg8[%add3A_8, %dma_start3A_87] : memref<10016x16xf32, #tpu.memory_space<vmem_shared>> -> memref<128x16xf32, #tpu.memory_space<vmem_shared>>
      tpu.enqueue_dma source(%arg7 : memref<128x16xf32, #tpu.memory_space<vmem>>) target(%dma_start3A_88 : memref<128x16xf32, #tpu.memory_space<vmem_shared>>) target_semaphore(%run_scoped3A_84 : memref<!tpu.dma_semaphore, #tpu.memory_space<semaphore_mem>>)
      %dma_wait3A_89 = arith.constant 0 : i32
      %dma_wait3A_90 = tpu.memref_slice %arg8[%add3A_8, %dma_wait3A_89] : memref<10016x16xf32, #tpu.memory_space<vmem_shared>> -> memref<128x16xf32, #tpu.memory_space<vmem_shared>>
      %dma_wait3A_91 = arith.constant 0 : i32
      %dma_wait3A_92 = tpu.memref_slice %arg8[%add3A_8, %dma_wait3A_91] : memref<10016x16xf32, #tpu.memory_space<vmem_shared>> -> memref<128x16xf32, #tpu.memory_space<vmem_shared>>
      tpu.wait_dma2 semaphore(%run_scoped3A_84 : memref<!tpu.dma_semaphore, #tpu.memory_space<semaphore_mem>>) src(%arg7 : memref<128x16xf32, #tpu.memory_space<vmem>>) dst(%dma_wait3A_92 : memref<128x16xf32, #tpu.memory_space<vmem_shared>>)
      tpu.yield
    }) : () -> ()
    %add3A_9 = arith.constant 512 : i32
    %add3A_10 = arith.addi %mul3A_0, %add3A_9 : i32
    "tpu.region"() ({
      %run_scoped3A_84 = tpu.sem_alloc : memref<!tpu.dma_semaphore, #tpu.memory_space<semaphore_mem>>
      %dma_start3A_85 = arith.constant 0 : i32
      %dma_start3A_86 = tpu.memref_slice %arg8[%add3A_10, %dma_start3A_85] : memref<10016x16xf32, #tpu.memory_space<vmem_shared>> -> memref<128x16xf32, #tpu.memory_space<vmem_shared>>
      %dma_start3A_87 = arith.constant 0 : i32
      %dma_start3A_88 = tpu.memref_slice %arg8[%add3A_10, %dma_start3A_87] : memref<10016x16xf32, #tpu.memory_space<vmem_shared>> -> memref<128x16xf32, #tpu.memory_space<vmem_shared>>
      tpu.enqueue_dma source(%arg7 : memref<128x16xf32, #tpu.memory_space<vmem>>) target(%dma_start3A_88 : memref<128x16xf32, #tpu.memory_space<vmem_shared>>) target_semaphore(%run_scoped3A_84 : memref<!tpu.dma_semaphore, #tpu.memory_space<semaphore_mem>>)
      %dma_wait3A_89 = arith.constant 0 : i32
      %dma_wait3A_90 = tpu.memref_slice %arg8[%add3A_10, %dma_wait3A_89] : memref<10016x16xf32, #tpu.memory_space<vmem_shared>> -> memref<128x16xf32, #tpu.memory_space<vmem_shared>>
      %dma_wait3A_91 = arith.constant 0 : i32
      %dma_wait3A_92 = tpu.memref_slice %arg8[%add3A_10, %dma_wait3A_91] : memref<10016x16xf32, #tpu.memory_space<vmem_shared>> -> memref<128x16xf32, #tpu.memory_space<vmem_shared>>
      tpu.wait_dma2 semaphore(%run_scoped3A_84 : memref<!tpu.dma_semaphore, #tpu.memory_space<semaphore_mem>>) src(%arg7 : memref<128x16xf32, #tpu.memory_space<vmem>>) dst(%dma_wait3A_92 : memref<128x16xf32, #tpu.memory_space<vmem_shared>>)
      tpu.yield
    }) : () -> ()
    %barrier3A = arith.constant 0 : index
    tpu.barrier barrier_id(%barrier3A)
    %dma_start3A = arith.constant 0 : i32
    %dma_start3A_11 = arith.constant 0 : i32
    %dma_start3A_12 = tpu.memref_slice %arg5[%dma_start3A, %dma_start3A_11] : memref<80x128xi32, #tpu.memory_space<vmem>> -> memref<1x128xi32, #tpu.memory_space<vmem>>
    %dma_start3A_13 = tpu.memref_squeeze %dma_start3A_12 : memref<1x128xi32, #tpu.memory_space<vmem>> -> memref<128xi32, #tpu.memory_space<vmem>>
    %dma_start3A_14 = arith.constant 0 : i32
    %dma_start3A_15 = arith.constant 0 : i32
    %dma_start3A_16 = tpu.memref_slice %arg8[%dma_start3A_14, %dma_start3A_15] : memref<10016x16xf32, #tpu.memory_space<vmem_shared>> -> memref<10016x16xf32, #tpu.memory_space<vmem_shared>>
    tpu.enqueue_indirect_dma source(%arg6 : memref<128x16xf32, #tpu.memory_space<vmem>>) target(%dma_start3A_16 : memref<10016x16xf32, #tpu.memory_space<vmem_shared>>) offsets(%dma_start3A_13 : memref<128xi32, #tpu.memory_space<vmem>>) semaphore(%arg9 : memref<!tpu.dma_semaphore, #tpu.memory_space<semaphore_mem>>) {add = true}
    %dma_start3A_17 = arith.constant 1 : i32
    %dma_start3A_18 = arith.constant 0 : i32
    %dma_start3A_19 = tpu.memref_slice %arg5[%dma_start3A_17, %dma_start3A_18] : memref<80x128xi32, #tpu.memory_space<vmem>> -> memref<1x128xi32, #tpu.memory_space<vmem>>
    %dma_start3A_20 = tpu.memref_squeeze %dma_start3A_19 : memref<1x128xi32, #tpu.memory_space<vmem>> -> memref<128xi32, #tpu.memory_space<vmem>>
    %dma_start3A_21 = arith.constant 0 : i32
    %dma_start3A_22 = arith.constant 0 : i32
    %dma_start3A_23 = tpu.memref_slice %arg8[%dma_start3A_21, %dma_start3A_22] : memref<10016x16xf32, #tpu.memory_space<vmem_shared>> -> memref<10016x16xf32, #tpu.memory_space<vmem_shared>>
    tpu.enqueue_indirect_dma source(%arg6 : memref<128x16xf32, #tpu.memory_space<vmem>>) target(%dma_start3A_23 : memref<10016x16xf32, #tpu.memory_space<vmem_shared>>) offsets(%dma_start3A_20 : memref<128xi32, #tpu.memory_space<vmem>>) semaphore(%arg10 : memref<!tpu.dma_semaphore, #tpu.memory_space<semaphore_mem>>) {add = true}
    %dma_start3A_24 = arith.constant 2 : i32
    %dma_start3A_25 = arith.constant 0 : i32
    %dma_start3A_26 = tpu.memref_slice %arg5[%dma_start3A_24, %dma_start3A_25] : memref<80x128xi32, #tpu.memory_space<vmem>> -> memref<1x128xi32, #tpu.memory_space<vmem>>
    %dma_start3A_27 = tpu.memref_squeeze %dma_start3A_26 : memref<1x128xi32, #tpu.memory_space<vmem>> -> memref<128xi32, #tpu.memory_space<vmem>>
    %dma_start3A_28 = arith.constant 0 : i32
    %dma_start3A_29 = arith.constant 0 : i32
    %dma_start3A_30 = tpu.memref_slice %arg8[%dma_start3A_28, %dma_start3A_29] : memref<10016x16xf32, #tpu.memory_space<vmem_shared>> -> memref<10016x16xf32, #tpu.memory_space<vmem_shared>>
    tpu.enqueue_indirect_dma source(%arg6 : memref<128x16xf32, #tpu.memory_space<vmem>>) target(%dma_start3A_30 : memref<10016x16xf32, #tpu.memory_space<vmem_shared>>) offsets(%dma_start3A_27 : memref<128xi32, #tpu.memory_space<vmem>>) semaphore(%arg11 : memref<!tpu.dma_semaphore, #tpu.memory_space<semaphore_mem>>) {add = true}
    %dma_start3A_31 = arith.constant 3 : i32
    %dma_start3A_32 = arith.constant 0 : i32
    %dma_start3A_33 = tpu.memref_slice %arg5[%dma_start3A_31, %dma_start3A_32] : memref<80x128xi32, #tpu.memory_space<vmem>> -> memref<1x128xi32, #tpu.memory_space<vmem>>
    %dma_start3A_34 = tpu.memref_squeeze %dma_start3A_33 : memref<1x128xi32, #tpu.memory_space<vmem>> -> memref<128xi32, #tpu.memory_space<vmem>>
    %dma_start3A_35 = arith.constant 0 : i32
    %dma_start3A_36 = arith.constant 0 : i32
    %dma_start3A_37 = tpu.memref_slice %arg8[%dma_start3A_35, %dma_start3A_36] : memref<10016x16xf32, #tpu.memory_space<vmem_shared>> -> memref<10016x16xf32, #tpu.memory_space<vmem_shared>>
    tpu.enqueue_indirect_dma source(%arg6 : memref<128x16xf32, #tpu.memory_space<vmem>>) target(%dma_start3A_37 : memref<10016x16xf32, #tpu.memory_space<vmem_shared>>) offsets(%dma_start3A_34 : memref<128xi32, #tpu.memory_space<vmem>>) semaphore(%arg12 : memref<!tpu.dma_semaphore, #tpu.memory_space<semaphore_mem>>) {add = true}
    %dma_start3A_38 = arith.constant 4 : i32
    %dma_start3A_39 = arith.constant 0 : i32
    %dma_start3A_40 = tpu.memref_slice %arg5[%dma_start3A_38, %dma_start3A_39] : memref<80x128xi32, #tpu.memory_space<vmem>> -> memref<1x128xi32, #tpu.memory_space<vmem>>
    %dma_start3A_41 = tpu.memref_squeeze %dma_start3A_40 : memref<1x128xi32, #tpu.memory_space<vmem>> -> memref<128xi32, #tpu.memory_space<vmem>>
    %dma_start3A_42 = arith.constant 0 : i32
    %dma_start3A_43 = arith.constant 0 : i32
    %dma_start3A_44 = tpu.memref_slice %arg8[%dma_start3A_42, %dma_start3A_43] : memref<10016x16xf32, #tpu.memory_space<vmem_shared>> -> memref<10016x16xf32, #tpu.memory_space<vmem_shared>>
    tpu.enqueue_indirect_dma source(%arg6 : memref<128x16xf32, #tpu.memory_space<vmem>>) target(%dma_start3A_44 : memref<10016x16xf32, #tpu.memory_space<vmem_shared>>) offsets(%dma_start3A_41 : memref<128xi32, #tpu.memory_space<vmem>>) semaphore(%arg13 : memref<!tpu.dma_semaphore, #tpu.memory_space<semaphore_mem>>) {add = true}
    %scan3A = arith.constant 0 : i32
    %scan3A_45 = arith.constant 15 : i32
    %scan3A_46 = arith.addi %scan3A, %scan3A_45 : i32
    %scan3A_47 = arith.constant 1 : i32
    scf.for %scan3A_84 = %scan3A to %scan3A_46 step %scan3A_47  : i32 {
      %mul3A_85 = arith.constant 5 : i32
      %mul3A_86 = arith.muli %scan3A_84, %mul3A_85 : i32
      %add3A_87 = arith.constant 5 : i32
      %add3A_88 = arith.addi %add3A_87, %mul3A_86 : i32
      %dma_wait3A_89 = arith.constant 0 : i32
      %dma_wait3A_90 = arith.constant 0 : i32
      %dma_wait3A_91 = tpu.memref_slice %arg5[%dma_wait3A_89, %dma_wait3A_90] : memref<80x128xi32, #tpu.memory_space<vmem>> -> memref<1x128xi32, #tpu.memory_space<vmem>>
      %dma_wait3A_92 = tpu.memref_squeeze %dma_wait3A_91 : memref<1x128xi32, #tpu.memory_space<vmem>> -> memref<128xi32, #tpu.memory_space<vmem>>
      %dma_wait3A_93 = arith.constant 0 : i32
      %dma_wait3A_94 = arith.constant 0 : i32
      %dma_wait3A_95 = tpu.memref_slice %arg8[%dma_wait3A_93, %dma_wait3A_94] : memref<10016x16xf32, #tpu.memory_space<vmem_shared>> -> memref<10016x16xf32, #tpu.memory_space<vmem_shared>>
      tpu.wait_indirect_dma semaphore(%arg9 : memref<!tpu.dma_semaphore, #tpu.memory_space<semaphore_mem>>) src(%arg6 : memref<128x16xf32, #tpu.memory_space<vmem>>) dst(%dma_wait3A_95 : memref<10016x16xf32, #tpu.memory_space<vmem_shared>>)
      %add3A_96 = arith.constant 0 : i32
      %add3A_97 = arith.addi %add3A_88, %add3A_96 : i32
      %dma_start3A_98 = arith.constant 0 : i32
      %dma_start3A_99 = tpu.memref_slice %arg5[%add3A_97, %dma_start3A_98] : memref<80x128xi32, #tpu.memory_space<vmem>> -> memref<1x128xi32, #tpu.memory_space<vmem>>
      %dma_start3A_100 = tpu.memref_squeeze %dma_start3A_99 : memref<1x128xi32, #tpu.memory_space<vmem>> -> memref<128xi32, #tpu.memory_space<vmem>>
      %dma_start3A_101 = arith.constant 0 : i32
      %dma_start3A_102 = arith.constant 0 : i32
      %dma_start3A_103 = tpu.memref_slice %arg8[%dma_start3A_101, %dma_start3A_102] : memref<10016x16xf32, #tpu.memory_space<vmem_shared>> -> memref<10016x16xf32, #tpu.memory_space<vmem_shared>>
      tpu.enqueue_indirect_dma source(%arg6 : memref<128x16xf32, #tpu.memory_space<vmem>>) target(%dma_start3A_103 : memref<10016x16xf32, #tpu.memory_space<vmem_shared>>) offsets(%dma_start3A_100 : memref<128xi32, #tpu.memory_space<vmem>>) semaphore(%arg9 : memref<!tpu.dma_semaphore, #tpu.memory_space<semaphore_mem>>) {add = true}
      %dma_wait3A_104 = arith.constant 0 : i32
      %dma_wait3A_105 = arith.constant 0 : i32
      %dma_wait3A_106 = tpu.memref_slice %arg5[%dma_wait3A_104, %dma_wait3A_105] : memref<80x128xi32, #tpu.memory_space<vmem>> -> memref<1x128xi32, #tpu.memory_space<vmem>>
      %dma_wait3A_107 = tpu.memref_squeeze %dma_wait3A_106 : memref<1x128xi32, #tpu.memory_space<vmem>> -> memref<128xi32, #tpu.memory_space<vmem>>
      %dma_wait3A_108 = arith.constant 0 : i32
      %dma_wait3A_109 = arith.constant 0 : i32
      %dma_wait3A_110 = tpu.memref_slice %arg8[%dma_wait3A_108, %dma_wait3A_109] : memref<10016x16xf32, #tpu.memory_space<vmem_shared>> -> memref<10016x16xf32, #tpu.memory_space<vmem_shared>>
      tpu.wait_indirect_dma semaphore(%arg10 : memref<!tpu.dma_semaphore, #tpu.memory_space<semaphore_mem>>) src(%arg6 : memref<128x16xf32, #tpu.memory_space<vmem>>) dst(%dma_wait3A_110 : memref<10016x16xf32, #tpu.memory_space<vmem_shared>>)
      %add3A_111 = arith.constant 1 : i32
      %add3A_112 = arith.addi %add3A_88, %add3A_111 : i32
      %dma_start3A_113 = arith.constant 0 : i32
      %dma_start3A_114 = tpu.memref_slice %arg5[%add3A_112, %dma_start3A_113] : memref<80x128xi32, #tpu.memory_space<vmem>> -> memref<1x128xi32, #tpu.memory_space<vmem>>
      %dma_start3A_115 = tpu.memref_squeeze %dma_start3A_114 : memref<1x128xi32, #tpu.memory_space<vmem>> -> memref<128xi32, #tpu.memory_space<vmem>>
      %dma_start3A_116 = arith.constant 0 : i32
      %dma_start3A_117 = arith.constant 0 : i32
      %dma_start3A_118 = tpu.memref_slice %arg8[%dma_start3A_116, %dma_start3A_117] : memref<10016x16xf32, #tpu.memory_space<vmem_shared>> -> memref<10016x16xf32, #tpu.memory_space<vmem_shared>>
      tpu.enqueue_indirect_dma source(%arg6 : memref<128x16xf32, #tpu.memory_space<vmem>>) target(%dma_start3A_118 : memref<10016x16xf32, #tpu.memory_space<vmem_shared>>) offsets(%dma_start3A_115 : memref<128xi32, #tpu.memory_space<vmem>>) semaphore(%arg10 : memref<!tpu.dma_semaphore, #tpu.memory_space<semaphore_mem>>) {add = true}
      %dma_wait3A_119 = arith.constant 0 : i32
      %dma_wait3A_120 = arith.constant 0 : i32
      %dma_wait3A_121 = tpu.memref_slice %arg5[%dma_wait3A_119, %dma_wait3A_120] : memref<80x128xi32, #tpu.memory_space<vmem>> -> memref<1x128xi32, #tpu.memory_space<vmem>>
      %dma_wait3A_122 = tpu.memref_squeeze %dma_wait3A_121 : memref<1x128xi32, #tpu.memory_space<vmem>> -> memref<128xi32, #tpu.memory_space<vmem>>
      %dma_wait3A_123 = arith.constant 0 : i32
      %dma_wait3A_124 = arith.constant 0 : i32
      %dma_wait3A_125 = tpu.memref_slice %arg8[%dma_wait3A_123, %dma_wait3A_124] : memref<10016x16xf32, #tpu.memory_space<vmem_shared>> -> memref<10016x16xf32, #tpu.memory_space<vmem_shared>>
      tpu.wait_indirect_dma semaphore(%arg11 : memref<!tpu.dma_semaphore, #tpu.memory_space<semaphore_mem>>) src(%arg6 : memref<128x16xf32, #tpu.memory_space<vmem>>) dst(%dma_wait3A_125 : memref<10016x16xf32, #tpu.memory_space<vmem_shared>>)
      %add3A_126 = arith.constant 2 : i32
      %add3A_127 = arith.addi %add3A_88, %add3A_126 : i32
      %dma_start3A_128 = arith.constant 0 : i32
      %dma_start3A_129 = tpu.memref_slice %arg5[%add3A_127, %dma_start3A_128] : memref<80x128xi32, #tpu.memory_space<vmem>> -> memref<1x128xi32, #tpu.memory_space<vmem>>
      %dma_start3A_130 = tpu.memref_squeeze %dma_start3A_129 : memref<1x128xi32, #tpu.memory_space<vmem>> -> memref<128xi32, #tpu.memory_space<vmem>>
      %dma_start3A_131 = arith.constant 0 : i32
      %dma_start3A_132 = arith.constant 0 : i32
      %dma_start3A_133 = tpu.memref_slice %arg8[%dma_start3A_131, %dma_start3A_132] : memref<10016x16xf32, #tpu.memory_space<vmem_shared>> -> memref<10016x16xf32, #tpu.memory_space<vmem_shared>>
      tpu.enqueue_indirect_dma source(%arg6 : memref<128x16xf32, #tpu.memory_space<vmem>>) target(%dma_start3A_133 : memref<10016x16xf32, #tpu.memory_space<vmem_shared>>) offsets(%dma_start3A_130 : memref<128xi32, #tpu.memory_space<vmem>>) semaphore(%arg11 : memref<!tpu.dma_semaphore, #tpu.memory_space<semaphore_mem>>) {add = true}
      %dma_wait3A_134 = arith.constant 0 : i32
      %dma_wait3A_135 = arith.constant 0 : i32
      %dma_wait3A_136 = tpu.memref_slice %arg5[%dma_wait3A_134, %dma_wait3A_135] : memref<80x128xi32, #tpu.memory_space<vmem>> -> memref<1x128xi32, #tpu.memory_space<vmem>>
      %dma_wait3A_137 = tpu.memref_squeeze %dma_wait3A_136 : memref<1x128xi32, #tpu.memory_space<vmem>> -> memref<128xi32, #tpu.memory_space<vmem>>
      %dma_wait3A_138 = arith.constant 0 : i32
      %dma_wait3A_139 = arith.constant 0 : i32
      %dma_wait3A_140 = tpu.memref_slice %arg8[%dma_wait3A_138, %dma_wait3A_139] : memref<10016x16xf32, #tpu.memory_space<vmem_shared>> -> memref<10016x16xf32, #tpu.memory_space<vmem_shared>>
      tpu.wait_indirect_dma semaphore(%arg12 : memref<!tpu.dma_semaphore, #tpu.memory_space<semaphore_mem>>) src(%arg6 : memref<128x16xf32, #tpu.memory_space<vmem>>) dst(%dma_wait3A_140 : memref<10016x16xf32, #tpu.memory_space<vmem_shared>>)
      %add3A_141 = arith.constant 3 : i32
      %add3A_142 = arith.addi %add3A_88, %add3A_141 : i32
      %dma_start3A_143 = arith.constant 0 : i32
      %dma_start3A_144 = tpu.memref_slice %arg5[%add3A_142, %dma_start3A_143] : memref<80x128xi32, #tpu.memory_space<vmem>> -> memref<1x128xi32, #tpu.memory_space<vmem>>
      %dma_start3A_145 = tpu.memref_squeeze %dma_start3A_144 : memref<1x128xi32, #tpu.memory_space<vmem>> -> memref<128xi32, #tpu.memory_space<vmem>>
      %dma_start3A_146 = arith.constant 0 : i32
      %dma_start3A_147 = arith.constant 0 : i32
      %dma_start3A_148 = tpu.memref_slice %arg8[%dma_start3A_146, %dma_start3A_147] : memref<10016x16xf32, #tpu.memory_space<vmem_shared>> -> memref<10016x16xf32, #tpu.memory_space<vmem_shared>>
      tpu.enqueue_indirect_dma source(%arg6 : memref<128x16xf32, #tpu.memory_space<vmem>>) target(%dma_start3A_148 : memref<10016x16xf32, #tpu.memory_space<vmem_shared>>) offsets(%dma_start3A_145 : memref<128xi32, #tpu.memory_space<vmem>>) semaphore(%arg12 : memref<!tpu.dma_semaphore, #tpu.memory_space<semaphore_mem>>) {add = true}
      %dma_wait3A_149 = arith.constant 0 : i32
      %dma_wait3A_150 = arith.constant 0 : i32
      %dma_wait3A_151 = tpu.memref_slice %arg5[%dma_wait3A_149, %dma_wait3A_150] : memref<80x128xi32, #tpu.memory_space<vmem>> -> memref<1x128xi32, #tpu.memory_space<vmem>>
      %dma_wait3A_152 = tpu.memref_squeeze %dma_wait3A_151 : memref<1x128xi32, #tpu.memory_space<vmem>> -> memref<128xi32, #tpu.memory_space<vmem>>
      %dma_wait3A_153 = arith.constant 0 : i32
      %dma_wait3A_154 = arith.constant 0 : i32
      %dma_wait3A_155 = tpu.memref_slice %arg8[%dma_wait3A_153, %dma_wait3A_154] : memref<10016x16xf32, #tpu.memory_space<vmem_shared>> -> memref<10016x16xf32, #tpu.memory_space<vmem_shared>>
      tpu.wait_indirect_dma semaphore(%arg13 : memref<!tpu.dma_semaphore, #tpu.memory_space<semaphore_mem>>) src(%arg6 : memref<128x16xf32, #tpu.memory_space<vmem>>) dst(%dma_wait3A_155 : memref<10016x16xf32, #tpu.memory_space<vmem_shared>>)
      %add3A_156 = arith.constant 4 : i32
      %add3A_157 = arith.addi %add3A_88, %add3A_156 : i32
      %dma_start3A_158 = arith.constant 0 : i32
      %dma_start3A_159 = tpu.memref_slice %arg5[%add3A_157, %dma_start3A_158] : memref<80x128xi32, #tpu.memory_space<vmem>> -> memref<1x128xi32, #tpu.memory_space<vmem>>
      %dma_start3A_160 = tpu.memref_squeeze %dma_start3A_159 : memref<1x128xi32, #tpu.memory_space<vmem>> -> memref<128xi32, #tpu.memory_space<vmem>>
      %dma_start3A_161 = arith.constant 0 : i32
      %dma_start3A_162 = arith.constant 0 : i32
      %dma_start3A_163 = tpu.memref_slice %arg8[%dma_start3A_161, %dma_start3A_162] : memref<10016x16xf32, #tpu.memory_space<vmem_shared>> -> memref<10016x16xf32, #tpu.memory_space<vmem_shared>>
      tpu.enqueue_indirect_dma source(%arg6 : memref<128x16xf32, #tpu.memory_space<vmem>>) target(%dma_start3A_163 : memref<10016x16xf32, #tpu.memory_space<vmem_shared>>) offsets(%dma_start3A_160 : memref<128xi32, #tpu.memory_space<vmem>>) semaphore(%arg13 : memref<!tpu.dma_semaphore, #tpu.memory_space<semaphore_mem>>) {add = true}
    }
    %scan3A_48 = arith.constant 15 : i32
    %dma_wait3A = arith.constant 0 : i32
    %dma_wait3A_49 = arith.constant 0 : i32
    %dma_wait3A_50 = tpu.memref_slice %arg5[%dma_wait3A, %dma_wait3A_49] : memref<80x128xi32, #tpu.memory_space<vmem>> -> memref<1x128xi32, #tpu.memory_space<vmem>>
    %dma_wait3A_51 = tpu.memref_squeeze %dma_wait3A_50 : memref<1x128xi32, #tpu.memory_space<vmem>> -> memref<128xi32, #tpu.memory_space<vmem>>
    %dma_wait3A_52 = arith.constant 0 : i32
    %dma_wait3A_53 = arith.constant 0 : i32
    %dma_wait3A_54 = tpu.memref_slice %arg8[%dma_wait3A_52, %dma_wait3A_53] : memref<10016x16xf32, #tpu.memory_space<vmem_shared>> -> memref<10016x16xf32, #tpu.memory_space<vmem_shared>>
    tpu.wait_indirect_dma semaphore(%arg9 : memref<!tpu.dma_semaphore, #tpu.memory_space<semaphore_mem>>) src(%arg6 : memref<128x16xf32, #tpu.memory_space<vmem>>) dst(%dma_wait3A_54 : memref<10016x16xf32, #tpu.memory_space<vmem_shared>>)
    %dma_wait3A_55 = arith.constant 0 : i32
    %dma_wait3A_56 = arith.constant 0 : i32
    %dma_wait3A_57 = tpu.memref_slice %arg5[%dma_wait3A_55, %dma_wait3A_56] : memref<80x128xi32, #tpu.memory_space<vmem>> -> memref<1x128xi32, #tpu.memory_space<vmem>>
    %dma_wait3A_58 = tpu.memref_squeeze %dma_wait3A_57 : memref<1x128xi32, #tpu.memory_space<vmem>> -> memref<128xi32, #tpu.memory_space<vmem>>
    %dma_wait3A_59 = arith.constant 0 : i32
    %dma_wait3A_60 = arith.constant 0 : i32
    %dma_wait3A_61 = tpu.memref_slice %arg8[%dma_wait3A_59, %dma_wait3A_60] : memref<10016x16xf32, #tpu.memory_space<vmem_shared>> -> memref<10016x16xf32, #tpu.memory_space<vmem_shared>>
    tpu.wait_indirect_dma semaphore(%arg10 : memref<!tpu.dma_semaphore, #tpu.memory_space<semaphore_mem>>) src(%arg6 : memref<128x16xf32, #tpu.memory_space<vmem>>) dst(%dma_wait3A_61 : memref<10016x16xf32, #tpu.memory_space<vmem_shared>>)
    %dma_wait3A_62 = arith.constant 0 : i32
    %dma_wait3A_63 = arith.constant 0 : i32
    %dma_wait3A_64 = tpu.memref_slice %arg5[%dma_wait3A_62, %dma_wait3A_63] : memref<80x128xi32, #tpu.memory_space<vmem>> -> memref<1x128xi32, #tpu.memory_space<vmem>>
    %dma_wait3A_65 = tpu.memref_squeeze %dma_wait3A_64 : memref<1x128xi32, #tpu.memory_space<vmem>> -> memref<128xi32, #tpu.memory_space<vmem>>
    %dma_wait3A_66 = arith.constant 0 : i32
    %dma_wait3A_67 = arith.constant 0 : i32
    %dma_wait3A_68 = tpu.memref_slice %arg8[%dma_wait3A_66, %dma_wait3A_67] : memref<10016x16xf32, #tpu.memory_space<vmem_shared>> -> memref<10016x16xf32, #tpu.memory_space<vmem_shared>>
    tpu.wait_indirect_dma semaphore(%arg11 : memref<!tpu.dma_semaphore, #tpu.memory_space<semaphore_mem>>) src(%arg6 : memref<128x16xf32, #tpu.memory_space<vmem>>) dst(%dma_wait3A_68 : memref<10016x16xf32, #tpu.memory_space<vmem_shared>>)
    %dma_wait3A_69 = arith.constant 0 : i32
    %dma_wait3A_70 = arith.constant 0 : i32
    %dma_wait3A_71 = tpu.memref_slice %arg5[%dma_wait3A_69, %dma_wait3A_70] : memref<80x128xi32, #tpu.memory_space<vmem>> -> memref<1x128xi32, #tpu.memory_space<vmem>>
    %dma_wait3A_72 = tpu.memref_squeeze %dma_wait3A_71 : memref<1x128xi32, #tpu.memory_space<vmem>> -> memref<128xi32, #tpu.memory_space<vmem>>
    %dma_wait3A_73 = arith.constant 0 : i32
    %dma_wait3A_74 = arith.constant 0 : i32
    %dma_wait3A_75 = tpu.memref_slice %arg8[%dma_wait3A_73, %dma_wait3A_74] : memref<10016x16xf32, #tpu.memory_space<vmem_shared>> -> memref<10016x16xf32, #tpu.memory_space<vmem_shared>>
    tpu.wait_indirect_dma semaphore(%arg12 : memref<!tpu.dma_semaphore, #tpu.memory_space<semaphore_mem>>) src(%arg6 : memref<128x16xf32, #tpu.memory_space<vmem>>) dst(%dma_wait3A_75 : memref<10016x16xf32, #tpu.memory_space<vmem_shared>>)
    %dma_wait3A_76 = arith.constant 0 : i32
    %dma_wait3A_77 = arith.constant 0 : i32
    %dma_wait3A_78 = tpu.memref_slice %arg5[%dma_wait3A_76, %dma_wait3A_77] : memref<80x128xi32, #tpu.memory_space<vmem>> -> memref<1x128xi32, #tpu.memory_space<vmem>>
    %dma_wait3A_79 = tpu.memref_squeeze %dma_wait3A_78 : memref<1x128xi32, #tpu.memory_space<vmem>> -> memref<128xi32, #tpu.memory_space<vmem>>
    %dma_wait3A_80 = arith.constant 0 : i32
    %dma_wait3A_81 = arith.constant 0 : i32
    %dma_wait3A_82 = tpu.memref_slice %arg8[%dma_wait3A_80, %dma_wait3A_81] : memref<10016x16xf32, #tpu.memory_space<vmem_shared>> -> memref<10016x16xf32, #tpu.memory_space<vmem_shared>>
    tpu.wait_indirect_dma semaphore(%arg13 : memref<!tpu.dma_semaphore, #tpu.memory_space<semaphore_mem>>) src(%arg6 : memref<128x16xf32, #tpu.memory_space<vmem>>) dst(%dma_wait3A_82 : memref<10016x16xf32, #tpu.memory_space<vmem_shared>>)
    %barrier3A_83 = arith.constant 0 : index
    tpu.barrier barrier_id(%barrier3A_83)
    "tpu.region"() ({
      %run_scoped3A_84 = tpu.sem_alloc : memref<!tpu.dma_semaphore, #tpu.memory_space<semaphore_mem>>
      %dma_start3A_85 = arith.constant 0 : i32
      %dma_start3A_86 = tpu.memref_slice %arg4[%arg0, %mul3A_0, %dma_start3A_85] : memref<2x10000x16xf32, #tpu.memory_space<hbm>> -> memref<1x640x16xf32, #tpu.memory_space<hbm>>
      %dma_start3A_87 = tpu.memref_squeeze %dma_start3A_86 : memref<1x640x16xf32, #tpu.memory_space<hbm>> -> memref<640x16xf32, #tpu.memory_space<hbm>>
      %dma_start3A_88 = arith.constant 0 : i32
      %dma_start3A_89 = tpu.memref_slice %arg8[%mul3A_0, %dma_start3A_88] : memref<10016x16xf32, #tpu.memory_space<vmem_shared>> -> memref<640x16xf32, #tpu.memory_space<vmem_shared>>
      tpu.enqueue_dma source(%dma_start3A_89 : memref<640x16xf32, #tpu.memory_space<vmem_shared>>) target(%dma_start3A_87 : memref<640x16xf32, #tpu.memory_space<hbm>>) target_semaphore(%run_scoped3A_84 : memref<!tpu.dma_semaphore, #tpu.memory_space<semaphore_mem>>)
      %dma_wait3A_90 = arith.constant 0 : i32
      %dma_wait3A_91 = tpu.memref_slice %arg4[%arg0, %mul3A_0, %dma_wait3A_90] : memref<2x10000x16xf32, #tpu.memory_space<hbm>> -> memref<1x640x16xf32, #tpu.memory_space<hbm>>
      %dma_wait3A_92 = tpu.memref_squeeze %dma_wait3A_91 : memref<1x640x16xf32, #tpu.memory_space<hbm>> -> memref<640x16xf32, #tpu.memory_space<hbm>>
      %dma_wait3A_93 = arith.constant 0 : i32
      %dma_wait3A_94 = tpu.memref_slice %arg8[%mul3A_0, %dma_wait3A_93] : memref<10016x16xf32, #tpu.memory_space<vmem_shared>> -> memref<640x16xf32, #tpu.memory_space<vmem_shared>>
      tpu.wait_dma2 semaphore(%run_scoped3A_84 : memref<!tpu.dma_semaphore, #tpu.memory_space<semaphore_mem>>) src(%dma_wait3A_94 : memref<640x16xf32, #tpu.memory_space<vmem_shared>>) dst(%dma_wait3A_92 : memref<640x16xf32, #tpu.memory_space<hbm>>)
      tpu.yield
    }) : () -> ()
    return
  }
}

#map = affine_map<(d0, d1) -> (0, 0)>
#map1 = affine_map<(d0, d1) -> (0, 0, 0, 0)>
#map2 = affine_map<(d0, d1) -> (0, 0, 0)>
module attributes {stable_mosaic.version = 14 : i64} {
  func.func @k(%arg0: i32, %arg1: i32, %arg2: memref<20000x128xf32, #tpu.memory_space<hbm>>, %arg3: memref<2x16x125x80xi32, #tpu.memory_space<hbm>>, %arg4: memref<16x125x80xi32, #tpu.memory_space<hbm>>, %arg5: memref<2x10000x128xf32, #tpu.memory_space<hbm>>, %arg6: memref<125x80xi32, #tpu.memory_space<vmem>>, %arg7: memref<125x80xi32, #tpu.memory_space<vmem>>, %arg8: memref<80x128xf32, #tpu.memory_space<vmem>>, %arg9: memref<80x128xf32, #tpu.memory_space<vmem>>, %arg10: memref<10016x128xf32, #tpu.memory_space<vmem_shared>>, %arg11: memref<!tpu.dma_semaphore, #tpu.memory_space<semaphore_mem>>, %arg12: memref<!tpu.dma_semaphore, #tpu.memory_space<semaphore_mem>>) attributes {dimension_semantics = [#tpu.dimension_semantics<core_parallel>, #tpu.dimension_semantics<subcore_parallel>], iteration_bounds = array<i64: 2, 16>, scalar_prefetch = 0 : i64, scratch_operands = 7 : i64, tpu.core_type = #tpu.core_type<sc_vector_subcore>, window_params = [{transform_indices = #map}, {transform_indices = #map1}, {transform_indices = #map2}, {transform_indices = #map2}]} {
    %mul3A = arith.constant 624 : i32
    %mul3A_0 = arith.muli %arg1, %mul3A : i32
    "tpu.region"() ({
      %run_scoped3A_20 = tpu.sem_alloc : memref<!tpu.dma_semaphore, #tpu.memory_space<semaphore_mem>>
      %dma_start3A_21 = arith.constant 0 : i32
      %dma_start3A_22 = arith.constant 0 : i32
      %dma_start3A_23 = tpu.memref_slice %arg3[%arg0, %arg1, %dma_start3A_21, %dma_start3A_22] : memref<2x16x125x80xi32, #tpu.memory_space<hbm>> -> memref<1x1x125x80xi32, #tpu.memory_space<hbm>>
      %dma_start3A_24 = tpu.memref_squeeze %dma_start3A_23 : memref<1x1x125x80xi32, #tpu.memory_space<hbm>> -> memref<125x80xi32, #tpu.memory_space<hbm>>
      %dma_start3A_25 = arith.constant 0 : i32
      %dma_start3A_26 = arith.constant 0 : i32
      %dma_start3A_27 = tpu.memref_slice %arg3[%arg0, %arg1, %dma_start3A_25, %dma_start3A_26] : memref<2x16x125x80xi32, #tpu.memory_space<hbm>> -> memref<1x1x125x80xi32, #tpu.memory_space<hbm>>
      %dma_start3A_28 = tpu.memref_squeeze %dma_start3A_27 : memref<1x1x125x80xi32, #tpu.memory_space<hbm>> -> memref<125x80xi32, #tpu.memory_space<hbm>>
      tpu.enqueue_dma source(%dma_start3A_28 : memref<125x80xi32, #tpu.memory_space<hbm>>) target(%arg6 : memref<125x80xi32, #tpu.memory_space<vmem>>) target_semaphore(%run_scoped3A_20 : memref<!tpu.dma_semaphore, #tpu.memory_space<semaphore_mem>>)
      %dma_wait3A_29 = arith.constant 0 : i32
      %dma_wait3A_30 = arith.constant 0 : i32
      %dma_wait3A_31 = tpu.memref_slice %arg3[%arg0, %arg1, %dma_wait3A_29, %dma_wait3A_30] : memref<2x16x125x80xi32, #tpu.memory_space<hbm>> -> memref<1x1x125x80xi32, #tpu.memory_space<hbm>>
      %dma_wait3A_32 = tpu.memref_squeeze %dma_wait3A_31 : memref<1x1x125x80xi32, #tpu.memory_space<hbm>> -> memref<125x80xi32, #tpu.memory_space<hbm>>
      %dma_wait3A_33 = arith.constant 0 : i32
      %dma_wait3A_34 = arith.constant 0 : i32
      %dma_wait3A_35 = tpu.memref_slice %arg3[%arg0, %arg1, %dma_wait3A_33, %dma_wait3A_34] : memref<2x16x125x80xi32, #tpu.memory_space<hbm>> -> memref<1x1x125x80xi32, #tpu.memory_space<hbm>>
      %dma_wait3A_36 = tpu.memref_squeeze %dma_wait3A_35 : memref<1x1x125x80xi32, #tpu.memory_space<hbm>> -> memref<125x80xi32, #tpu.memory_space<hbm>>
      tpu.wait_dma2 semaphore(%run_scoped3A_20 : memref<!tpu.dma_semaphore, #tpu.memory_space<semaphore_mem>>) src(%dma_wait3A_36 : memref<125x80xi32, #tpu.memory_space<hbm>>) dst(%arg6 : memref<125x80xi32, #tpu.memory_space<vmem>>)
      tpu.yield
    }) : () -> ()
    "tpu.region"() ({
      %run_scoped3A_20 = tpu.sem_alloc : memref<!tpu.dma_semaphore, #tpu.memory_space<semaphore_mem>>
      %dma_start3A_21 = arith.constant 0 : i32
      %dma_start3A_22 = arith.constant 0 : i32
      %dma_start3A_23 = tpu.memref_slice %arg4[%arg1, %dma_start3A_21, %dma_start3A_22] : memref<16x125x80xi32, #tpu.memory_space<hbm>> -> memref<1x125x80xi32, #tpu.memory_space<hbm>>
      %dma_start3A_24 = tpu.memref_squeeze %dma_start3A_23 : memref<1x125x80xi32, #tpu.memory_space<hbm>> -> memref<125x80xi32, #tpu.memory_space<hbm>>
      %dma_start3A_25 = arith.constant 0 : i32
      %dma_start3A_26 = arith.constant 0 : i32
      %dma_start3A_27 = tpu.memref_slice %arg4[%arg1, %dma_start3A_25, %dma_start3A_26] : memref<16x125x80xi32, #tpu.memory_space<hbm>> -> memref<1x125x80xi32, #tpu.memory_space<hbm>>
      %dma_start3A_28 = tpu.memref_squeeze %dma_start3A_27 : memref<1x125x80xi32, #tpu.memory_space<hbm>> -> memref<125x80xi32, #tpu.memory_space<hbm>>
      tpu.enqueue_dma source(%dma_start3A_28 : memref<125x80xi32, #tpu.memory_space<hbm>>) target(%arg7 : memref<125x80xi32, #tpu.memory_space<vmem>>) target_semaphore(%run_scoped3A_20 : memref<!tpu.dma_semaphore, #tpu.memory_space<semaphore_mem>>)
      %dma_wait3A_29 = arith.constant 0 : i32
      %dma_wait3A_30 = arith.constant 0 : i32
      %dma_wait3A_31 = tpu.memref_slice %arg4[%arg1, %dma_wait3A_29, %dma_wait3A_30] : memref<16x125x80xi32, #tpu.memory_space<hbm>> -> memref<1x125x80xi32, #tpu.memory_space<hbm>>
      %dma_wait3A_32 = tpu.memref_squeeze %dma_wait3A_31 : memref<1x125x80xi32, #tpu.memory_space<hbm>> -> memref<125x80xi32, #tpu.memory_space<hbm>>
      %dma_wait3A_33 = arith.constant 0 : i32
      %dma_wait3A_34 = arith.constant 0 : i32
      %dma_wait3A_35 = tpu.memref_slice %arg4[%arg1, %dma_wait3A_33, %dma_wait3A_34] : memref<16x125x80xi32, #tpu.memory_space<hbm>> -> memref<1x125x80xi32, #tpu.memory_space<hbm>>
      %dma_wait3A_36 = tpu.memref_squeeze %dma_wait3A_35 : memref<1x125x80xi32, #tpu.memory_space<hbm>> -> memref<125x80xi32, #tpu.memory_space<hbm>>
      tpu.wait_dma2 semaphore(%run_scoped3A_20 : memref<!tpu.dma_semaphore, #tpu.memory_space<semaphore_mem>>) src(%dma_wait3A_36 : memref<125x80xi32, #tpu.memory_space<hbm>>) dst(%arg7 : memref<125x80xi32, #tpu.memory_space<vmem>>)
      tpu.yield
    }) : () -> ()
    %mul3A_1 = arith.constant 10000 : i32
    %mul3A_2 = arith.muli %arg0, %mul3A_1 : i32
    %add3A = arith.addi %mul3A_2, %mul3A_0 : i32
    "tpu.region"() ({
      %run_scoped3A_20 = tpu.sem_alloc : memref<!tpu.dma_semaphore, #tpu.memory_space<semaphore_mem>>
      %dma_start3A_21 = arith.constant 0 : i32
      %dma_start3A_22 = tpu.memref_slice %arg10[%mul3A_0, %dma_start3A_21] : memref<10016x128xf32, #tpu.memory_space<vmem_shared>> -> memref<640x128xf32, #tpu.memory_space<vmem_shared>>
      %dma_start3A_23 = arith.constant 0 : i32
      %dma_start3A_24 = tpu.memref_slice %arg2[%add3A, %dma_start3A_23] : memref<20000x128xf32, #tpu.memory_space<hbm>> -> memref<640x128xf32, #tpu.memory_space<hbm>>
      tpu.enqueue_dma source(%dma_start3A_24 : memref<640x128xf32, #tpu.memory_space<hbm>>) target(%dma_start3A_22 : memref<640x128xf32, #tpu.memory_space<vmem_shared>>) target_semaphore(%run_scoped3A_20 : memref<!tpu.dma_semaphore, #tpu.memory_space<semaphore_mem>>)
      %dma_wait3A_25 = arith.constant 0 : i32
      %dma_wait3A_26 = tpu.memref_slice %arg10[%mul3A_0, %dma_wait3A_25] : memref<10016x128xf32, #tpu.memory_space<vmem_shared>> -> memref<640x128xf32, #tpu.memory_space<vmem_shared>>
      %dma_wait3A_27 = arith.constant 0 : i32
      %dma_wait3A_28 = tpu.memref_slice %arg2[%add3A, %dma_wait3A_27] : memref<20000x128xf32, #tpu.memory_space<hbm>> -> memref<640x128xf32, #tpu.memory_space<hbm>>
      tpu.wait_dma2 semaphore(%run_scoped3A_20 : memref<!tpu.dma_semaphore, #tpu.memory_space<semaphore_mem>>) src(%dma_wait3A_28 : memref<640x128xf32, #tpu.memory_space<hbm>>) dst(%dma_wait3A_26 : memref<640x128xf32, #tpu.memory_space<vmem_shared>>)
      tpu.yield
    }) : () -> ()
    %barrier3A = arith.constant 0 : index
    tpu.barrier barrier_id(%barrier3A)
    %dma_start3A = arith.constant 0 : i32
    %dma_start3A_3 = arith.constant 0 : i32
    %dma_start3A_4 = tpu.memref_slice %arg6[%dma_start3A, %dma_start3A_3] : memref<125x80xi32, #tpu.memory_space<vmem>> -> memref<1x80xi32, #tpu.memory_space<vmem>>
    %dma_start3A_5 = tpu.memref_squeeze %dma_start3A_4 : memref<1x80xi32, #tpu.memory_space<vmem>> -> memref<80xi32, #tpu.memory_space<vmem>>
    %dma_start3A_6 = arith.constant 0 : i32
    %dma_start3A_7 = arith.constant 0 : i32
    %dma_start3A_8 = tpu.memref_slice %arg2[%dma_start3A_6, %dma_start3A_7] : memref<20000x128xf32, #tpu.memory_space<hbm>> -> memref<20000x128xf32, #tpu.memory_space<hbm>>
    tpu.enqueue_indirect_dma source(%dma_start3A_8 : memref<20000x128xf32, #tpu.memory_space<hbm>>) target(%arg8 : memref<80x128xf32, #tpu.memory_space<vmem>>) offsets(%dma_start3A_5 : memref<80xi32, #tpu.memory_space<vmem>>) semaphore(%arg11 : memref<!tpu.dma_semaphore, #tpu.memory_space<semaphore_mem>>)
    %scan3A = arith.constant 0 : i32
    %scan3A_9 = arith.constant 62 : i32
    %scan3A_10 = arith.addi %scan3A, %scan3A_9 : i32
    %scan3A_11 = arith.constant 1 : i32
    scf.for %scan3A_20 = %scan3A to %scan3A_10 step %scan3A_11  : i32 {
      %mul3A_21 = arith.constant 2 : i32
      %mul3A_22 = arith.muli %scan3A_20, %mul3A_21 : i32
      %add3A_23 = arith.constant 0 : i32
      %add3A_24 = arith.addi %add3A_23, %mul3A_22 : i32
      %add3A_25 = arith.constant 1 : i32
      %add3A_26 = arith.addi %add3A_24, %add3A_25 : i32
      %dma_start3A_27 = arith.constant 0 : i32
      %dma_start3A_28 = tpu.memref_slice %arg6[%add3A_26, %dma_start3A_27] : memref<125x80xi32, #tpu.memory_space<vmem>> -> memref<1x80xi32, #tpu.memory_space<vmem>>
      %dma_start3A_29 = tpu.memref_squeeze %dma_start3A_28 : memref<1x80xi32, #tpu.memory_space<vmem>> -> memref<80xi32, #tpu.memory_space<vmem>>
      %dma_start3A_30 = arith.constant 0 : i32
      %dma_start3A_31 = arith.constant 0 : i32
      %dma_start3A_32 = tpu.memref_slice %arg2[%dma_start3A_30, %dma_start3A_31] : memref<20000x128xf32, #tpu.memory_space<hbm>> -> memref<20000x128xf32, #tpu.memory_space<hbm>>
      tpu.enqueue_indirect_dma source(%dma_start3A_32 : memref<20000x128xf32, #tpu.memory_space<hbm>>) target(%arg9 : memref<80x128xf32, #tpu.memory_space<vmem>>) offsets(%dma_start3A_29 : memref<80xi32, #tpu.memory_space<vmem>>) semaphore(%arg12 : memref<!tpu.dma_semaphore, #tpu.memory_space<semaphore_mem>>)
      %dma_wait3A_33 = arith.constant 0 : i32
      %dma_wait3A_34 = tpu.memref_slice %arg6[%add3A_24, %dma_wait3A_33] : memref<125x80xi32, #tpu.memory_space<vmem>> -> memref<1x80xi32, #tpu.memory_space<vmem>>
      %dma_wait3A_35 = tpu.memref_squeeze %dma_wait3A_34 : memref<1x80xi32, #tpu.memory_space<vmem>> -> memref<80xi32, #tpu.memory_space<vmem>>
      %dma_wait3A_36 = arith.constant 0 : i32
      %dma_wait3A_37 = arith.constant 0 : i32
      %dma_wait3A_38 = tpu.memref_slice %arg2[%dma_wait3A_36, %dma_wait3A_37] : memref<20000x128xf32, #tpu.memory_space<hbm>> -> memref<20000x128xf32, #tpu.memory_space<hbm>>
      tpu.wait_indirect_dma semaphore(%arg11 : memref<!tpu.dma_semaphore, #tpu.memory_space<semaphore_mem>>) src(%dma_wait3A_38 : memref<20000x128xf32, #tpu.memory_space<hbm>>) dst(%arg8 : memref<80x128xf32, #tpu.memory_space<vmem>>)
      "tpu.region"() ({
        %run_scoped3A_57 = tpu.sem_alloc : memref<!tpu.dma_semaphore, #tpu.memory_space<semaphore_mem>>
        %dma_start3A_58 = arith.constant 0 : i32
        %dma_start3A_59 = tpu.memref_slice %arg7[%add3A_24, %dma_start3A_58] : memref<125x80xi32, #tpu.memory_space<vmem>> -> memref<1x80xi32, #tpu.memory_space<vmem>>
        %dma_start3A_60 = tpu.memref_squeeze %dma_start3A_59 : memref<1x80xi32, #tpu.memory_space<vmem>> -> memref<80xi32, #tpu.memory_space<vmem>>
        %dma_start3A_61 = arith.constant 0 : i32
        %dma_start3A_62 = arith.constant 0 : i32
        %dma_start3A_63 = tpu.memref_slice %arg10[%dma_start3A_61, %dma_start3A_62] : memref<10016x128xf32, #tpu.memory_space<vmem_shared>> -> memref<10016x128xf32, #tpu.memory_space<vmem_shared>>
        tpu.enqueue_indirect_dma source(%arg8 : memref<80x128xf32, #tpu.memory_space<vmem>>) target(%dma_start3A_63 : memref<10016x128xf32, #tpu.memory_space<vmem_shared>>) offsets(%dma_start3A_60 : memref<80xi32, #tpu.memory_space<vmem>>) semaphore(%run_scoped3A_57 : memref<!tpu.dma_semaphore, #tpu.memory_space<semaphore_mem>>) {add = true}
        %dma_wait3A_64 = arith.constant 0 : i32
        %dma_wait3A_65 = tpu.memref_slice %arg7[%add3A_24, %dma_wait3A_64] : memref<125x80xi32, #tpu.memory_space<vmem>> -> memref<1x80xi32, #tpu.memory_space<vmem>>
        %dma_wait3A_66 = tpu.memref_squeeze %dma_wait3A_65 : memref<1x80xi32, #tpu.memory_space<vmem>> -> memref<80xi32, #tpu.memory_space<vmem>>
        %dma_wait3A_67 = arith.constant 0 : i32
        %dma_wait3A_68 = arith.constant 0 : i32
        %dma_wait3A_69 = tpu.memref_slice %arg10[%dma_wait3A_67, %dma_wait3A_68] : memref<10016x128xf32, #tpu.memory_space<vmem_shared>> -> memref<10016x128xf32, #tpu.memory_space<vmem_shared>>
        tpu.wait_indirect_dma semaphore(%run_scoped3A_57 : memref<!tpu.dma_semaphore, #tpu.memory_space<semaphore_mem>>) src(%arg8 : memref<80x128xf32, #tpu.memory_space<vmem>>) dst(%dma_wait3A_69 : memref<10016x128xf32, #tpu.memory_space<vmem_shared>>)
        tpu.yield
      }) : () -> ()
      %add3A_39 = arith.constant 2 : i32
      %add3A_40 = arith.addi %add3A_24, %add3A_39 : i32
      %dma_start3A_41 = arith.constant 0 : i32
      %dma_start3A_42 = tpu.memref_slice %arg6[%add3A_40, %dma_start3A_41] : memref<125x80xi32, #tpu.memory_space<vmem>> -> memref<1x80xi32, #tpu.memory_space<vmem>>
      %dma_start3A_43 = tpu.memref_squeeze %dma_start3A_42 : memref<1x80xi32, #tpu.memory_space<vmem>> -> memref<80xi32, #tpu.memory_space<vmem>>
      %dma_start3A_44 = arith.constant 0 : i32
      %dma_start3A_45 = arith.constant 0 : i32
      %dma_start3A_46 = tpu.memref_slice %arg2[%dma_start3A_44, %dma_start3A_45] : memref<20000x128xf32, #tpu.memory_space<hbm>> -> memref<20000x128xf32, #tpu.memory_space<hbm>>
      tpu.enqueue_indirect_dma source(%dma_start3A_46 : memref<20000x128xf32, #tpu.memory_space<hbm>>) target(%arg8 : memref<80x128xf32, #tpu.memory_space<vmem>>) offsets(%dma_start3A_43 : memref<80xi32, #tpu.memory_space<vmem>>) semaphore(%arg11 : memref<!tpu.dma_semaphore, #tpu.memory_space<semaphore_mem>>)
      %add3A_47 = arith.constant 1 : i32
      %add3A_48 = arith.addi %add3A_24, %add3A_47 : i32
      %dma_wait3A_49 = arith.constant 0 : i32
      %dma_wait3A_50 = tpu.memref_slice %arg6[%add3A_48, %dma_wait3A_49] : memref<125x80xi32, #tpu.memory_space<vmem>> -> memref<1x80xi32, #tpu.memory_space<vmem>>
      %dma_wait3A_51 = tpu.memref_squeeze %dma_wait3A_50 : memref<1x80xi32, #tpu.memory_space<vmem>> -> memref<80xi32, #tpu.memory_space<vmem>>
      %dma_wait3A_52 = arith.constant 0 : i32
      %dma_wait3A_53 = arith.constant 0 : i32
      %dma_wait3A_54 = tpu.memref_slice %arg2[%dma_wait3A_52, %dma_wait3A_53] : memref<20000x128xf32, #tpu.memory_space<hbm>> -> memref<20000x128xf32, #tpu.memory_space<hbm>>
      tpu.wait_indirect_dma semaphore(%arg12 : memref<!tpu.dma_semaphore, #tpu.memory_space<semaphore_mem>>) src(%dma_wait3A_54 : memref<20000x128xf32, #tpu.memory_space<hbm>>) dst(%arg9 : memref<80x128xf32, #tpu.memory_space<vmem>>)
      %add3A_55 = arith.constant 1 : i32
      %add3A_56 = arith.addi %add3A_24, %add3A_55 : i32
      "tpu.region"() ({
        %run_scoped3A_57 = tpu.sem_alloc : memref<!tpu.dma_semaphore, #tpu.memory_space<semaphore_mem>>
        %dma_start3A_58 = arith.constant 0 : i32
        %dma_start3A_59 = tpu.memref_slice %arg7[%add3A_56, %dma_start3A_58] : memref<125x80xi32, #tpu.memory_space<vmem>> -> memref<1x80xi32, #tpu.memory_space<vmem>>
        %dma_start3A_60 = tpu.memref_squeeze %dma_start3A_59 : memref<1x80xi32, #tpu.memory_space<vmem>> -> memref<80xi32, #tpu.memory_space<vmem>>
        %dma_start3A_61 = arith.constant 0 : i32
        %dma_start3A_62 = arith.constant 0 : i32
        %dma_start3A_63 = tpu.memref_slice %arg10[%dma_start3A_61, %dma_start3A_62] : memref<10016x128xf32, #tpu.memory_space<vmem_shared>> -> memref<10016x128xf32, #tpu.memory_space<vmem_shared>>
        tpu.enqueue_indirect_dma source(%arg9 : memref<80x128xf32, #tpu.memory_space<vmem>>) target(%dma_start3A_63 : memref<10016x128xf32, #tpu.memory_space<vmem_shared>>) offsets(%dma_start3A_60 : memref<80xi32, #tpu.memory_space<vmem>>) semaphore(%run_scoped3A_57 : memref<!tpu.dma_semaphore, #tpu.memory_space<semaphore_mem>>) {add = true}
        %dma_wait3A_64 = arith.constant 0 : i32
        %dma_wait3A_65 = tpu.memref_slice %arg7[%add3A_56, %dma_wait3A_64] : memref<125x80xi32, #tpu.memory_space<vmem>> -> memref<1x80xi32, #tpu.memory_space<vmem>>
        %dma_wait3A_66 = tpu.memref_squeeze %dma_wait3A_65 : memref<1x80xi32, #tpu.memory_space<vmem>> -> memref<80xi32, #tpu.memory_space<vmem>>
        %dma_wait3A_67 = arith.constant 0 : i32
        %dma_wait3A_68 = arith.constant 0 : i32
        %dma_wait3A_69 = tpu.memref_slice %arg10[%dma_wait3A_67, %dma_wait3A_68] : memref<10016x128xf32, #tpu.memory_space<vmem_shared>> -> memref<10016x128xf32, #tpu.memory_space<vmem_shared>>
        tpu.wait_indirect_dma semaphore(%run_scoped3A_57 : memref<!tpu.dma_semaphore, #tpu.memory_space<semaphore_mem>>) src(%arg9 : memref<80x128xf32, #tpu.memory_space<vmem>>) dst(%dma_wait3A_69 : memref<10016x128xf32, #tpu.memory_space<vmem_shared>>)
        tpu.yield
      }) : () -> ()
    }
    %scan3A_12 = arith.constant 62 : i32
    %dma_wait3A = arith.constant 124 : i32
    %dma_wait3A_13 = arith.constant 0 : i32
    %dma_wait3A_14 = tpu.memref_slice %arg6[%dma_wait3A, %dma_wait3A_13] : memref<125x80xi32, #tpu.memory_space<vmem>> -> memref<1x80xi32, #tpu.memory_space<vmem>>
    %dma_wait3A_15 = tpu.memref_squeeze %dma_wait3A_14 : memref<1x80xi32, #tpu.memory_space<vmem>> -> memref<80xi32, #tpu.memory_space<vmem>>
    %dma_wait3A_16 = arith.constant 0 : i32
    %dma_wait3A_17 = arith.constant 0 : i32
    %dma_wait3A_18 = tpu.memref_slice %arg2[%dma_wait3A_16, %dma_wait3A_17] : memref<20000x128xf32, #tpu.memory_space<hbm>> -> memref<20000x128xf32, #tpu.memory_space<hbm>>
    tpu.wait_indirect_dma semaphore(%arg11 : memref<!tpu.dma_semaphore, #tpu.memory_space<semaphore_mem>>) src(%dma_wait3A_18 : memref<20000x128xf32, #tpu.memory_space<hbm>>) dst(%arg8 : memref<80x128xf32, #tpu.memory_space<vmem>>)
    %run_scoped3A = arith.constant 124 : i32
    "tpu.region"() ({
      %run_scoped3A_20 = tpu.sem_alloc : memref<!tpu.dma_semaphore, #tpu.memory_space<semaphore_mem>>
      %dma_start3A_21 = arith.constant 0 : i32
      %dma_start3A_22 = tpu.memref_slice %arg7[%run_scoped3A, %dma_start3A_21] : memref<125x80xi32, #tpu.memory_space<vmem>> -> memref<1x80xi32, #tpu.memory_space<vmem>>
      %dma_start3A_23 = tpu.memref_squeeze %dma_start3A_22 : memref<1x80xi32, #tpu.memory_space<vmem>> -> memref<80xi32, #tpu.memory_space<vmem>>
      %dma_start3A_24 = arith.constant 0 : i32
      %dma_start3A_25 = arith.constant 0 : i32
      %dma_start3A_26 = tpu.memref_slice %arg10[%dma_start3A_24, %dma_start3A_25] : memref<10016x128xf32, #tpu.memory_space<vmem_shared>> -> memref<10016x128xf32, #tpu.memory_space<vmem_shared>>
      tpu.enqueue_indirect_dma source(%arg8 : memref<80x128xf32, #tpu.memory_space<vmem>>) target(%dma_start3A_26 : memref<10016x128xf32, #tpu.memory_space<vmem_shared>>) offsets(%dma_start3A_23 : memref<80xi32, #tpu.memory_space<vmem>>) semaphore(%run_scoped3A_20 : memref<!tpu.dma_semaphore, #tpu.memory_space<semaphore_mem>>) {add = true}
      %dma_wait3A_27 = arith.constant 0 : i32
      %dma_wait3A_28 = tpu.memref_slice %arg7[%run_scoped3A, %dma_wait3A_27] : memref<125x80xi32, #tpu.memory_space<vmem>> -> memref<1x80xi32, #tpu.memory_space<vmem>>
      %dma_wait3A_29 = tpu.memref_squeeze %dma_wait3A_28 : memref<1x80xi32, #tpu.memory_space<vmem>> -> memref<80xi32, #tpu.memory_space<vmem>>
      %dma_wait3A_30 = arith.constant 0 : i32
      %dma_wait3A_31 = arith.constant 0 : i32
      %dma_wait3A_32 = tpu.memref_slice %arg10[%dma_wait3A_30, %dma_wait3A_31] : memref<10016x128xf32, #tpu.memory_space<vmem_shared>> -> memref<10016x128xf32, #tpu.memory_space<vmem_shared>>
      tpu.wait_indirect_dma semaphore(%run_scoped3A_20 : memref<!tpu.dma_semaphore, #tpu.memory_space<semaphore_mem>>) src(%arg8 : memref<80x128xf32, #tpu.memory_space<vmem>>) dst(%dma_wait3A_32 : memref<10016x128xf32, #tpu.memory_space<vmem_shared>>)
      tpu.yield
    }) : () -> ()
    %barrier3A_19 = arith.constant 0 : index
    tpu.barrier barrier_id(%barrier3A_19)
    "tpu.region"() ({
      %run_scoped3A_20 = tpu.sem_alloc : memref<!tpu.dma_semaphore, #tpu.memory_space<semaphore_mem>>
      %dma_start3A_21 = arith.constant 0 : i32
      %dma_start3A_22 = tpu.memref_slice %arg5[%arg0, %mul3A_0, %dma_start3A_21] : memref<2x10000x128xf32, #tpu.memory_space<hbm>> -> memref<1x640x128xf32, #tpu.memory_space<hbm>>
      %dma_start3A_23 = tpu.memref_squeeze %dma_start3A_22 : memref<1x640x128xf32, #tpu.memory_space<hbm>> -> memref<640x128xf32, #tpu.memory_space<hbm>>
      %dma_start3A_24 = arith.constant 0 : i32
      %dma_start3A_25 = tpu.memref_slice %arg10[%mul3A_0, %dma_start3A_24] : memref<10016x128xf32, #tpu.memory_space<vmem_shared>> -> memref<640x128xf32, #tpu.memory_space<vmem_shared>>
      tpu.enqueue_dma source(%dma_start3A_25 : memref<640x128xf32, #tpu.memory_space<vmem_shared>>) target(%dma_start3A_23 : memref<640x128xf32, #tpu.memory_space<hbm>>) target_semaphore(%run_scoped3A_20 : memref<!tpu.dma_semaphore, #tpu.memory_space<semaphore_mem>>)
      %dma_wait3A_26 = arith.constant 0 : i32
      %dma_wait3A_27 = tpu.memref_slice %arg5[%arg0, %mul3A_0, %dma_wait3A_26] : memref<2x10000x128xf32, #tpu.memory_space<hbm>> -> memref<1x640x128xf32, #tpu.memory_space<hbm>>
      %dma_wait3A_28 = tpu.memref_squeeze %dma_wait3A_27 : memref<1x640x128xf32, #tpu.memory_space<hbm>> -> memref<640x128xf32, #tpu.memory_space<hbm>>
      %dma_wait3A_29 = arith.constant 0 : i32
      %dma_wait3A_30 = tpu.memref_slice %arg10[%mul3A_0, %dma_wait3A_29] : memref<10016x128xf32, #tpu.memory_space<vmem_shared>> -> memref<640x128xf32, #tpu.memory_space<vmem_shared>>
      tpu.wait_dma2 semaphore(%run_scoped3A_20 : memref<!tpu.dma_semaphore, #tpu.memory_space<semaphore_mem>>) src(%dma_wait3A_30 : memref<640x128xf32, #tpu.memory_space<vmem_shared>>) dst(%dma_wait3A_28 : memref<640x128xf32, #tpu.memory_space<hbm>>)
      tpu.yield
    }) : () -> ()
    return
  }
}

#map = affine_map<(d0, d1) -> (0, 0)>
#map1 = affine_map<(d0, d1) -> (0, 0, 0, 0)>
#map2 = affine_map<(d0, d1) -> (0, 0, 0)>
module attributes {stable_mosaic.version = 14 : i64} {
  func.func @k(%arg0: i32, %arg1: i32, %arg2: memref<20000x128xf32, #tpu.memory_space<hbm>>, %arg3: memref<2x16x125x80xi32, #tpu.memory_space<hbm>>, %arg4: memref<16x125x80xi32, #tpu.memory_space<hbm>>, %arg5: memref<2x10000x128xf32, #tpu.memory_space<hbm>>, %arg6: memref<125x80xi32, #tpu.memory_space<vmem>>, %arg7: memref<125x80xi32, #tpu.memory_space<vmem>>, %arg8: memref<80x128xf32, #tpu.memory_space<vmem>>, %arg9: memref<80x128xf32, #tpu.memory_space<vmem>>, %arg10: memref<10016x128xf32, #tpu.memory_space<vmem_shared>>, %arg11: memref<!tpu.dma_semaphore, #tpu.memory_space<semaphore_mem>>, %arg12: memref<!tpu.dma_semaphore, #tpu.memory_space<semaphore_mem>>) attributes {dimension_semantics = [#tpu.dimension_semantics<core_parallel>, #tpu.dimension_semantics<subcore_parallel>], iteration_bounds = array<i64: 2, 16>, scalar_prefetch = 0 : i64, scratch_operands = 7 : i64, tpu.core_type = #tpu.core_type<sc_vector_subcore>, window_params = [{transform_indices = #map}, {transform_indices = #map1}, {transform_indices = #map2}, {transform_indices = #map2}]} {
    %mul3A = arith.constant 624 : i32
    %mul3A_0 = arith.muli %arg1, %mul3A : i32
    "tpu.region"() ({
      %run_scoped3A_20 = tpu.sem_alloc : memref<!tpu.dma_semaphore, #tpu.memory_space<semaphore_mem>>
      %dma_start3A_21 = arith.constant 0 : i32
      %dma_start3A_22 = arith.constant 0 : i32
      %dma_start3A_23 = tpu.memref_slice %arg3[%arg0, %arg1, %dma_start3A_21, %dma_start3A_22] : memref<2x16x125x80xi32, #tpu.memory_space<hbm>> -> memref<1x1x125x80xi32, #tpu.memory_space<hbm>>
      %dma_start3A_24 = tpu.memref_squeeze %dma_start3A_23 : memref<1x1x125x80xi32, #tpu.memory_space<hbm>> -> memref<125x80xi32, #tpu.memory_space<hbm>>
      %dma_start3A_25 = arith.constant 0 : i32
      %dma_start3A_26 = arith.constant 0 : i32
      %dma_start3A_27 = tpu.memref_slice %arg3[%arg0, %arg1, %dma_start3A_25, %dma_start3A_26] : memref<2x16x125x80xi32, #tpu.memory_space<hbm>> -> memref<1x1x125x80xi32, #tpu.memory_space<hbm>>
      %dma_start3A_28 = tpu.memref_squeeze %dma_start3A_27 : memref<1x1x125x80xi32, #tpu.memory_space<hbm>> -> memref<125x80xi32, #tpu.memory_space<hbm>>
      tpu.enqueue_dma source(%dma_start3A_28 : memref<125x80xi32, #tpu.memory_space<hbm>>) target(%arg6 : memref<125x80xi32, #tpu.memory_space<vmem>>) target_semaphore(%run_scoped3A_20 : memref<!tpu.dma_semaphore, #tpu.memory_space<semaphore_mem>>)
      %dma_wait3A_29 = arith.constant 0 : i32
      %dma_wait3A_30 = arith.constant 0 : i32
      %dma_wait3A_31 = tpu.memref_slice %arg3[%arg0, %arg1, %dma_wait3A_29, %dma_wait3A_30] : memref<2x16x125x80xi32, #tpu.memory_space<hbm>> -> memref<1x1x125x80xi32, #tpu.memory_space<hbm>>
      %dma_wait3A_32 = tpu.memref_squeeze %dma_wait3A_31 : memref<1x1x125x80xi32, #tpu.memory_space<hbm>> -> memref<125x80xi32, #tpu.memory_space<hbm>>
      %dma_wait3A_33 = arith.constant 0 : i32
      %dma_wait3A_34 = arith.constant 0 : i32
      %dma_wait3A_35 = tpu.memref_slice %arg3[%arg0, %arg1, %dma_wait3A_33, %dma_wait3A_34] : memref<2x16x125x80xi32, #tpu.memory_space<hbm>> -> memref<1x1x125x80xi32, #tpu.memory_space<hbm>>
      %dma_wait3A_36 = tpu.memref_squeeze %dma_wait3A_35 : memref<1x1x125x80xi32, #tpu.memory_space<hbm>> -> memref<125x80xi32, #tpu.memory_space<hbm>>
      tpu.wait_dma2 semaphore(%run_scoped3A_20 : memref<!tpu.dma_semaphore, #tpu.memory_space<semaphore_mem>>) src(%dma_wait3A_36 : memref<125x80xi32, #tpu.memory_space<hbm>>) dst(%arg6 : memref<125x80xi32, #tpu.memory_space<vmem>>)
      tpu.yield
    }) : () -> ()
    "tpu.region"() ({
      %run_scoped3A_20 = tpu.sem_alloc : memref<!tpu.dma_semaphore, #tpu.memory_space<semaphore_mem>>
      %dma_start3A_21 = arith.constant 0 : i32
      %dma_start3A_22 = arith.constant 0 : i32
      %dma_start3A_23 = tpu.memref_slice %arg4[%arg1, %dma_start3A_21, %dma_start3A_22] : memref<16x125x80xi32, #tpu.memory_space<hbm>> -> memref<1x125x80xi32, #tpu.memory_space<hbm>>
      %dma_start3A_24 = tpu.memref_squeeze %dma_start3A_23 : memref<1x125x80xi32, #tpu.memory_space<hbm>> -> memref<125x80xi32, #tpu.memory_space<hbm>>
      %dma_start3A_25 = arith.constant 0 : i32
      %dma_start3A_26 = arith.constant 0 : i32
      %dma_start3A_27 = tpu.memref_slice %arg4[%arg1, %dma_start3A_25, %dma_start3A_26] : memref<16x125x80xi32, #tpu.memory_space<hbm>> -> memref<1x125x80xi32, #tpu.memory_space<hbm>>
      %dma_start3A_28 = tpu.memref_squeeze %dma_start3A_27 : memref<1x125x80xi32, #tpu.memory_space<hbm>> -> memref<125x80xi32, #tpu.memory_space<hbm>>
      tpu.enqueue_dma source(%dma_start3A_28 : memref<125x80xi32, #tpu.memory_space<hbm>>) target(%arg7 : memref<125x80xi32, #tpu.memory_space<vmem>>) target_semaphore(%run_scoped3A_20 : memref<!tpu.dma_semaphore, #tpu.memory_space<semaphore_mem>>)
      %dma_wait3A_29 = arith.constant 0 : i32
      %dma_wait3A_30 = arith.constant 0 : i32
      %dma_wait3A_31 = tpu.memref_slice %arg4[%arg1, %dma_wait3A_29, %dma_wait3A_30] : memref<16x125x80xi32, #tpu.memory_space<hbm>> -> memref<1x125x80xi32, #tpu.memory_space<hbm>>
      %dma_wait3A_32 = tpu.memref_squeeze %dma_wait3A_31 : memref<1x125x80xi32, #tpu.memory_space<hbm>> -> memref<125x80xi32, #tpu.memory_space<hbm>>
      %dma_wait3A_33 = arith.constant 0 : i32
      %dma_wait3A_34 = arith.constant 0 : i32
      %dma_wait3A_35 = tpu.memref_slice %arg4[%arg1, %dma_wait3A_33, %dma_wait3A_34] : memref<16x125x80xi32, #tpu.memory_space<hbm>> -> memref<1x125x80xi32, #tpu.memory_space<hbm>>
      %dma_wait3A_36 = tpu.memref_squeeze %dma_wait3A_35 : memref<1x125x80xi32, #tpu.memory_space<hbm>> -> memref<125x80xi32, #tpu.memory_space<hbm>>
      tpu.wait_dma2 semaphore(%run_scoped3A_20 : memref<!tpu.dma_semaphore, #tpu.memory_space<semaphore_mem>>) src(%dma_wait3A_36 : memref<125x80xi32, #tpu.memory_space<hbm>>) dst(%arg7 : memref<125x80xi32, #tpu.memory_space<vmem>>)
      tpu.yield
    }) : () -> ()
    %mul3A_1 = arith.constant 10000 : i32
    %mul3A_2 = arith.muli %arg0, %mul3A_1 : i32
    %add3A = arith.addi %mul3A_2, %mul3A_0 : i32
    "tpu.region"() ({
      %run_scoped3A_20 = tpu.sem_alloc : memref<!tpu.dma_semaphore, #tpu.memory_space<semaphore_mem>>
      %dma_start3A_21 = arith.constant 0 : i32
      %dma_start3A_22 = tpu.memref_slice %arg10[%mul3A_0, %dma_start3A_21] : memref<10016x128xf32, #tpu.memory_space<vmem_shared>> -> memref<640x128xf32, #tpu.memory_space<vmem_shared>>
      %dma_start3A_23 = arith.constant 0 : i32
      %dma_start3A_24 = tpu.memref_slice %arg2[%add3A, %dma_start3A_23] : memref<20000x128xf32, #tpu.memory_space<hbm>> -> memref<640x128xf32, #tpu.memory_space<hbm>>
      tpu.enqueue_dma source(%dma_start3A_24 : memref<640x128xf32, #tpu.memory_space<hbm>>) target(%dma_start3A_22 : memref<640x128xf32, #tpu.memory_space<vmem_shared>>) target_semaphore(%run_scoped3A_20 : memref<!tpu.dma_semaphore, #tpu.memory_space<semaphore_mem>>)
      %dma_wait3A_25 = arith.constant 0 : i32
      %dma_wait3A_26 = tpu.memref_slice %arg10[%mul3A_0, %dma_wait3A_25] : memref<10016x128xf32, #tpu.memory_space<vmem_shared>> -> memref<640x128xf32, #tpu.memory_space<vmem_shared>>
      %dma_wait3A_27 = arith.constant 0 : i32
      %dma_wait3A_28 = tpu.memref_slice %arg2[%add3A, %dma_wait3A_27] : memref<20000x128xf32, #tpu.memory_space<hbm>> -> memref<640x128xf32, #tpu.memory_space<hbm>>
      tpu.wait_dma2 semaphore(%run_scoped3A_20 : memref<!tpu.dma_semaphore, #tpu.memory_space<semaphore_mem>>) src(%dma_wait3A_28 : memref<640x128xf32, #tpu.memory_space<hbm>>) dst(%dma_wait3A_26 : memref<640x128xf32, #tpu.memory_space<vmem_shared>>)
      tpu.yield
    }) : () -> ()
    %barrier3A = arith.constant 0 : index
    tpu.barrier barrier_id(%barrier3A)
    %dma_start3A = arith.constant 0 : i32
    %dma_start3A_3 = arith.constant 0 : i32
    %dma_start3A_4 = tpu.memref_slice %arg6[%dma_start3A, %dma_start3A_3] : memref<125x80xi32, #tpu.memory_space<vmem>> -> memref<1x80xi32, #tpu.memory_space<vmem>>
    %dma_start3A_5 = tpu.memref_squeeze %dma_start3A_4 : memref<1x80xi32, #tpu.memory_space<vmem>> -> memref<80xi32, #tpu.memory_space<vmem>>
    %dma_start3A_6 = arith.constant 0 : i32
    %dma_start3A_7 = arith.constant 0 : i32
    %dma_start3A_8 = tpu.memref_slice %arg2[%dma_start3A_6, %dma_start3A_7] : memref<20000x128xf32, #tpu.memory_space<hbm>> -> memref<20000x128xf32, #tpu.memory_space<hbm>>
    tpu.enqueue_indirect_dma source(%dma_start3A_8 : memref<20000x128xf32, #tpu.memory_space<hbm>>) target(%arg8 : memref<80x128xf32, #tpu.memory_space<vmem>>) offsets(%dma_start3A_5 : memref<80xi32, #tpu.memory_space<vmem>>) semaphore(%arg11 : memref<!tpu.dma_semaphore, #tpu.memory_space<semaphore_mem>>)
    %scan3A = arith.constant 0 : i32
    %scan3A_9 = arith.constant 62 : i32
    %scan3A_10 = arith.addi %scan3A, %scan3A_9 : i32
    %scan3A_11 = arith.constant 1 : i32
    scf.for %scan3A_20 = %scan3A to %scan3A_10 step %scan3A_11  : i32 {
      %mul3A_21 = arith.constant 2 : i32
      %mul3A_22 = arith.muli %scan3A_20, %mul3A_21 : i32
      %add3A_23 = arith.constant 0 : i32
      %add3A_24 = arith.addi %add3A_23, %mul3A_22 : i32
      %add3A_25 = arith.constant 1 : i32
      %add3A_26 = arith.addi %add3A_24, %add3A_25 : i32
      %dma_start3A_27 = arith.constant 0 : i32
      %dma_start3A_28 = tpu.memref_slice %arg6[%add3A_26, %dma_start3A_27] : memref<125x80xi32, #tpu.memory_space<vmem>> -> memref<1x80xi32, #tpu.memory_space<vmem>>
      %dma_start3A_29 = tpu.memref_squeeze %dma_start3A_28 : memref<1x80xi32, #tpu.memory_space<vmem>> -> memref<80xi32, #tpu.memory_space<vmem>>
      %dma_start3A_30 = arith.constant 0 : i32
      %dma_start3A_31 = arith.constant 0 : i32
      %dma_start3A_32 = tpu.memref_slice %arg2[%dma_start3A_30, %dma_start3A_31] : memref<20000x128xf32, #tpu.memory_space<hbm>> -> memref<20000x128xf32, #tpu.memory_space<hbm>>
      tpu.enqueue_indirect_dma source(%dma_start3A_32 : memref<20000x128xf32, #tpu.memory_space<hbm>>) target(%arg9 : memref<80x128xf32, #tpu.memory_space<vmem>>) offsets(%dma_start3A_29 : memref<80xi32, #tpu.memory_space<vmem>>) semaphore(%arg12 : memref<!tpu.dma_semaphore, #tpu.memory_space<semaphore_mem>>)
      %dma_wait3A_33 = arith.constant 0 : i32
      %dma_wait3A_34 = tpu.memref_slice %arg6[%add3A_24, %dma_wait3A_33] : memref<125x80xi32, #tpu.memory_space<vmem>> -> memref<1x80xi32, #tpu.memory_space<vmem>>
      %dma_wait3A_35 = tpu.memref_squeeze %dma_wait3A_34 : memref<1x80xi32, #tpu.memory_space<vmem>> -> memref<80xi32, #tpu.memory_space<vmem>>
      %dma_wait3A_36 = arith.constant 0 : i32
      %dma_wait3A_37 = arith.constant 0 : i32
      %dma_wait3A_38 = tpu.memref_slice %arg2[%dma_wait3A_36, %dma_wait3A_37] : memref<20000x128xf32, #tpu.memory_space<hbm>> -> memref<20000x128xf32, #tpu.memory_space<hbm>>
      tpu.wait_indirect_dma semaphore(%arg11 : memref<!tpu.dma_semaphore, #tpu.memory_space<semaphore_mem>>) src(%dma_wait3A_38 : memref<20000x128xf32, #tpu.memory_space<hbm>>) dst(%arg8 : memref<80x128xf32, #tpu.memory_space<vmem>>)
      "tpu.region"() ({
        %run_scoped3A_57 = tpu.sem_alloc : memref<!tpu.dma_semaphore, #tpu.memory_space<semaphore_mem>>
        %dma_start3A_58 = arith.constant 0 : i32
        %dma_start3A_59 = tpu.memref_slice %arg7[%add3A_24, %dma_start3A_58] : memref<125x80xi32, #tpu.memory_space<vmem>> -> memref<1x80xi32, #tpu.memory_space<vmem>>
        %dma_start3A_60 = tpu.memref_squeeze %dma_start3A_59 : memref<1x80xi32, #tpu.memory_space<vmem>> -> memref<80xi32, #tpu.memory_space<vmem>>
        %dma_start3A_61 = arith.constant 0 : i32
        %dma_start3A_62 = arith.constant 0 : i32
        %dma_start3A_63 = tpu.memref_slice %arg10[%dma_start3A_61, %dma_start3A_62] : memref<10016x128xf32, #tpu.memory_space<vmem_shared>> -> memref<10016x128xf32, #tpu.memory_space<vmem_shared>>
        tpu.enqueue_indirect_dma source(%arg8 : memref<80x128xf32, #tpu.memory_space<vmem>>) target(%dma_start3A_63 : memref<10016x128xf32, #tpu.memory_space<vmem_shared>>) offsets(%dma_start3A_60 : memref<80xi32, #tpu.memory_space<vmem>>) semaphore(%run_scoped3A_57 : memref<!tpu.dma_semaphore, #tpu.memory_space<semaphore_mem>>) {add = true}
        %dma_wait3A_64 = arith.constant 0 : i32
        %dma_wait3A_65 = tpu.memref_slice %arg7[%add3A_24, %dma_wait3A_64] : memref<125x80xi32, #tpu.memory_space<vmem>> -> memref<1x80xi32, #tpu.memory_space<vmem>>
        %dma_wait3A_66 = tpu.memref_squeeze %dma_wait3A_65 : memref<1x80xi32, #tpu.memory_space<vmem>> -> memref<80xi32, #tpu.memory_space<vmem>>
        %dma_wait3A_67 = arith.constant 0 : i32
        %dma_wait3A_68 = arith.constant 0 : i32
        %dma_wait3A_69 = tpu.memref_slice %arg10[%dma_wait3A_67, %dma_wait3A_68] : memref<10016x128xf32, #tpu.memory_space<vmem_shared>> -> memref<10016x128xf32, #tpu.memory_space<vmem_shared>>
        tpu.wait_indirect_dma semaphore(%run_scoped3A_57 : memref<!tpu.dma_semaphore, #tpu.memory_space<semaphore_mem>>) src(%arg8 : memref<80x128xf32, #tpu.memory_space<vmem>>) dst(%dma_wait3A_69 : memref<10016x128xf32, #tpu.memory_space<vmem_shared>>)
        tpu.yield
      }) : () -> ()
      %add3A_39 = arith.constant 2 : i32
      %add3A_40 = arith.addi %add3A_24, %add3A_39 : i32
      %dma_start3A_41 = arith.constant 0 : i32
      %dma_start3A_42 = tpu.memref_slice %arg6[%add3A_40, %dma_start3A_41] : memref<125x80xi32, #tpu.memory_space<vmem>> -> memref<1x80xi32, #tpu.memory_space<vmem>>
      %dma_start3A_43 = tpu.memref_squeeze %dma_start3A_42 : memref<1x80xi32, #tpu.memory_space<vmem>> -> memref<80xi32, #tpu.memory_space<vmem>>
      %dma_start3A_44 = arith.constant 0 : i32
      %dma_start3A_45 = arith.constant 0 : i32
      %dma_start3A_46 = tpu.memref_slice %arg2[%dma_start3A_44, %dma_start3A_45] : memref<20000x128xf32, #tpu.memory_space<hbm>> -> memref<20000x128xf32, #tpu.memory_space<hbm>>
      tpu.enqueue_indirect_dma source(%dma_start3A_46 : memref<20000x128xf32, #tpu.memory_space<hbm>>) target(%arg8 : memref<80x128xf32, #tpu.memory_space<vmem>>) offsets(%dma_start3A_43 : memref<80xi32, #tpu.memory_space<vmem>>) semaphore(%arg11 : memref<!tpu.dma_semaphore, #tpu.memory_space<semaphore_mem>>)
      %add3A_47 = arith.constant 1 : i32
      %add3A_48 = arith.addi %add3A_24, %add3A_47 : i32
      %dma_wait3A_49 = arith.constant 0 : i32
      %dma_wait3A_50 = tpu.memref_slice %arg6[%add3A_48, %dma_wait3A_49] : memref<125x80xi32, #tpu.memory_space<vmem>> -> memref<1x80xi32, #tpu.memory_space<vmem>>
      %dma_wait3A_51 = tpu.memref_squeeze %dma_wait3A_50 : memref<1x80xi32, #tpu.memory_space<vmem>> -> memref<80xi32, #tpu.memory_space<vmem>>
      %dma_wait3A_52 = arith.constant 0 : i32
      %dma_wait3A_53 = arith.constant 0 : i32
      %dma_wait3A_54 = tpu.memref_slice %arg2[%dma_wait3A_52, %dma_wait3A_53] : memref<20000x128xf32, #tpu.memory_space<hbm>> -> memref<20000x128xf32, #tpu.memory_space<hbm>>
      tpu.wait_indirect_dma semaphore(%arg12 : memref<!tpu.dma_semaphore, #tpu.memory_space<semaphore_mem>>) src(%dma_wait3A_54 : memref<20000x128xf32, #tpu.memory_space<hbm>>) dst(%arg9 : memref<80x128xf32, #tpu.memory_space<vmem>>)
      %add3A_55 = arith.constant 1 : i32
      %add3A_56 = arith.addi %add3A_24, %add3A_55 : i32
      "tpu.region"() ({
        %run_scoped3A_57 = tpu.sem_alloc : memref<!tpu.dma_semaphore, #tpu.memory_space<semaphore_mem>>
        %dma_start3A_58 = arith.constant 0 : i32
        %dma_start3A_59 = tpu.memref_slice %arg7[%add3A_56, %dma_start3A_58] : memref<125x80xi32, #tpu.memory_space<vmem>> -> memref<1x80xi32, #tpu.memory_space<vmem>>
        %dma_start3A_60 = tpu.memref_squeeze %dma_start3A_59 : memref<1x80xi32, #tpu.memory_space<vmem>> -> memref<80xi32, #tpu.memory_space<vmem>>
        %dma_start3A_61 = arith.constant 0 : i32
        %dma_start3A_62 = arith.constant 0 : i32
        %dma_start3A_63 = tpu.memref_slice %arg10[%dma_start3A_61, %dma_start3A_62] : memref<10016x128xf32, #tpu.memory_space<vmem_shared>> -> memref<10016x128xf32, #tpu.memory_space<vmem_shared>>
        tpu.enqueue_indirect_dma source(%arg9 : memref<80x128xf32, #tpu.memory_space<vmem>>) target(%dma_start3A_63 : memref<10016x128xf32, #tpu.memory_space<vmem_shared>>) offsets(%dma_start3A_60 : memref<80xi32, #tpu.memory_space<vmem>>) semaphore(%run_scoped3A_57 : memref<!tpu.dma_semaphore, #tpu.memory_space<semaphore_mem>>) {add = true}
        %dma_wait3A_64 = arith.constant 0 : i32
        %dma_wait3A_65 = tpu.memref_slice %arg7[%add3A_56, %dma_wait3A_64] : memref<125x80xi32, #tpu.memory_space<vmem>> -> memref<1x80xi32, #tpu.memory_space<vmem>>
        %dma_wait3A_66 = tpu.memref_squeeze %dma_wait3A_65 : memref<1x80xi32, #tpu.memory_space<vmem>> -> memref<80xi32, #tpu.memory_space<vmem>>
        %dma_wait3A_67 = arith.constant 0 : i32
        %dma_wait3A_68 = arith.constant 0 : i32
        %dma_wait3A_69 = tpu.memref_slice %arg10[%dma_wait3A_67, %dma_wait3A_68] : memref<10016x128xf32, #tpu.memory_space<vmem_shared>> -> memref<10016x128xf32, #tpu.memory_space<vmem_shared>>
        tpu.wait_indirect_dma semaphore(%run_scoped3A_57 : memref<!tpu.dma_semaphore, #tpu.memory_space<semaphore_mem>>) src(%arg9 : memref<80x128xf32, #tpu.memory_space<vmem>>) dst(%dma_wait3A_69 : memref<10016x128xf32, #tpu.memory_space<vmem_shared>>)
        tpu.yield
      }) : () -> ()
    }
    %scan3A_12 = arith.constant 62 : i32
    %dma_wait3A = arith.constant 124 : i32
    %dma_wait3A_13 = arith.constant 0 : i32
    %dma_wait3A_14 = tpu.memref_slice %arg6[%dma_wait3A, %dma_wait3A_13] : memref<125x80xi32, #tpu.memory_space<vmem>> -> memref<1x80xi32, #tpu.memory_space<vmem>>
    %dma_wait3A_15 = tpu.memref_squeeze %dma_wait3A_14 : memref<1x80xi32, #tpu.memory_space<vmem>> -> memref<80xi32, #tpu.memory_space<vmem>>
    %dma_wait3A_16 = arith.constant 0 : i32
    %dma_wait3A_17 = arith.constant 0 : i32
    %dma_wait3A_18 = tpu.memref_slice %arg2[%dma_wait3A_16, %dma_wait3A_17] : memref<20000x128xf32, #tpu.memory_space<hbm>> -> memref<20000x128xf32, #tpu.memory_space<hbm>>
    tpu.wait_indirect_dma semaphore(%arg11 : memref<!tpu.dma_semaphore, #tpu.memory_space<semaphore_mem>>) src(%dma_wait3A_18 : memref<20000x128xf32, #tpu.memory_space<hbm>>) dst(%arg8 : memref<80x128xf32, #tpu.memory_space<vmem>>)
    %run_scoped3A = arith.constant 124 : i32
    "tpu.region"() ({
      %run_scoped3A_20 = tpu.sem_alloc : memref<!tpu.dma_semaphore, #tpu.memory_space<semaphore_mem>>
      %dma_start3A_21 = arith.constant 0 : i32
      %dma_start3A_22 = tpu.memref_slice %arg7[%run_scoped3A, %dma_start3A_21] : memref<125x80xi32, #tpu.memory_space<vmem>> -> memref<1x80xi32, #tpu.memory_space<vmem>>
      %dma_start3A_23 = tpu.memref_squeeze %dma_start3A_22 : memref<1x80xi32, #tpu.memory_space<vmem>> -> memref<80xi32, #tpu.memory_space<vmem>>
      %dma_start3A_24 = arith.constant 0 : i32
      %dma_start3A_25 = arith.constant 0 : i32
      %dma_start3A_26 = tpu.memref_slice %arg10[%dma_start3A_24, %dma_start3A_25] : memref<10016x128xf32, #tpu.memory_space<vmem_shared>> -> memref<10016x128xf32, #tpu.memory_space<vmem_shared>>
      tpu.enqueue_indirect_dma source(%arg8 : memref<80x128xf32, #tpu.memory_space<vmem>>) target(%dma_start3A_26 : memref<10016x128xf32, #tpu.memory_space<vmem_shared>>) offsets(%dma_start3A_23 : memref<80xi32, #tpu.memory_space<vmem>>) semaphore(%run_scoped3A_20 : memref<!tpu.dma_semaphore, #tpu.memory_space<semaphore_mem>>) {add = true}
      %dma_wait3A_27 = arith.constant 0 : i32
      %dma_wait3A_28 = tpu.memref_slice %arg7[%run_scoped3A, %dma_wait3A_27] : memref<125x80xi32, #tpu.memory_space<vmem>> -> memref<1x80xi32, #tpu.memory_space<vmem>>
      %dma_wait3A_29 = tpu.memref_squeeze %dma_wait3A_28 : memref<1x80xi32, #tpu.memory_space<vmem>> -> memref<80xi32, #tpu.memory_space<vmem>>
      %dma_wait3A_30 = arith.constant 0 : i32
      %dma_wait3A_31 = arith.constant 0 : i32
      %dma_wait3A_32 = tpu.memref_slice %arg10[%dma_wait3A_30, %dma_wait3A_31] : memref<10016x128xf32, #tpu.memory_space<vmem_shared>> -> memref<10016x128xf32, #tpu.memory_space<vmem_shared>>
      tpu.wait_indirect_dma semaphore(%run_scoped3A_20 : memref<!tpu.dma_semaphore, #tpu.memory_space<semaphore_mem>>) src(%arg8 : memref<80x128xf32, #tpu.memory_space<vmem>>) dst(%dma_wait3A_32 : memref<10016x128xf32, #tpu.memory_space<vmem_shared>>)
      tpu.yield
    }) : () -> ()
    %barrier3A_19 = arith.constant 0 : index
    tpu.barrier barrier_id(%barrier3A_19)
    "tpu.region"() ({
      %run_scoped3A_20 = tpu.sem_alloc : memref<!tpu.dma_semaphore, #tpu.memory_space<semaphore_mem>>
      %dma_start3A_21 = arith.constant 0 : i32
      %dma_start3A_22 = tpu.memref_slice %arg5[%arg0, %mul3A_0, %dma_start3A_21] : memref<2x10000x128xf32, #tpu.memory_space<hbm>> -> memref<1x640x128xf32, #tpu.memory_space<hbm>>
      %dma_start3A_23 = tpu.memref_squeeze %dma_start3A_22 : memref<1x640x128xf32, #tpu.memory_space<hbm>> -> memref<640x128xf32, #tpu.memory_space<hbm>>
      %dma_start3A_24 = arith.constant 0 : i32
      %dma_start3A_25 = tpu.memref_slice %arg10[%mul3A_0, %dma_start3A_24] : memref<10016x128xf32, #tpu.memory_space<vmem_shared>> -> memref<640x128xf32, #tpu.memory_space<vmem_shared>>
      tpu.enqueue_dma source(%dma_start3A_25 : memref<640x128xf32, #tpu.memory_space<vmem_shared>>) target(%dma_start3A_23 : memref<640x128xf32, #tpu.memory_space<hbm>>) target_semaphore(%run_scoped3A_20 : memref<!tpu.dma_semaphore, #tpu.memory_space<semaphore_mem>>)
      %dma_wait3A_26 = arith.constant 0 : i32
      %dma_wait3A_27 = tpu.memref_slice %arg5[%arg0, %mul3A_0, %dma_wait3A_26] : memref<2x10000x128xf32, #tpu.memory_space<hbm>> -> memref<1x640x128xf32, #tpu.memory_space<hbm>>
      %dma_wait3A_28 = tpu.memref_squeeze %dma_wait3A_27 : memref<1x640x128xf32, #tpu.memory_space<hbm>> -> memref<640x128xf32, #tpu.memory_space<hbm>>
      %dma_wait3A_29 = arith.constant 0 : i32
      %dma_wait3A_30 = tpu.memref_slice %arg10[%mul3A_0, %dma_wait3A_29] : memref<10016x128xf32, #tpu.memory_space<vmem_shared>> -> memref<640x128xf32, #tpu.memory_space<vmem_shared>>
      tpu.wait_dma2 semaphore(%run_scoped3A_20 : memref<!tpu.dma_semaphore, #tpu.memory_space<semaphore_mem>>) src(%dma_wait3A_30 : memref<640x128xf32, #tpu.memory_space<vmem_shared>>) dst(%dma_wait3A_28 : memref<640x128xf32, #tpu.memory_space<hbm>>)
      tpu.yield
    }) : () -> ()
    return
  }
}

#map = affine_map<(d0, d1) -> (0, 0)>
#map1 = affine_map<(d0, d1) -> (0, 0, 0, 0)>
#map2 = affine_map<(d0, d1) -> (0, 0, 0)>
module attributes {stable_mosaic.version = 14 : i64} {
  func.func @k(%arg0: i32, %arg1: i32, %arg2: memref<20000x32xf32, #tpu.memory_space<hbm>>, %arg3: memref<2x16x80x128xi32, #tpu.memory_space<hbm>>, %arg4: memref<16x80x128xi32, #tpu.memory_space<hbm>>, %arg5: memref<2x10000x32xf32, #tpu.memory_space<hbm>>, %arg6: memref<80x128xi32, #tpu.memory_space<vmem>>, %arg7: memref<80x128xi32, #tpu.memory_space<vmem>>, %arg8: memref<128x32xf32, #tpu.memory_space<vmem>>, %arg9: memref<128x32xf32, #tpu.memory_space<vmem>>, %arg10: memref<128x32xf32, #tpu.memory_space<vmem>>, %arg11: memref<128x32xf32, #tpu.memory_space<vmem>>, %arg12: memref<128x32xf32, #tpu.memory_space<vmem>>, %arg13: memref<10016x32xf32, #tpu.memory_space<vmem_shared>>, %arg14: memref<!tpu.dma_semaphore, #tpu.memory_space<semaphore_mem>>, %arg15: memref<!tpu.dma_semaphore, #tpu.memory_space<semaphore_mem>>, %arg16: memref<!tpu.dma_semaphore, #tpu.memory_space<semaphore_mem>>, %arg17: memref<!tpu.dma_semaphore, #tpu.memory_space<semaphore_mem>>, %arg18: memref<!tpu.dma_semaphore, #tpu.memory_space<semaphore_mem>>, %arg19: memref<!tpu.dma_semaphore, #tpu.memory_space<semaphore_mem>>, %arg20: memref<!tpu.dma_semaphore, #tpu.memory_space<semaphore_mem>>, %arg21: memref<!tpu.dma_semaphore, #tpu.memory_space<semaphore_mem>>, %arg22: memref<!tpu.dma_semaphore, #tpu.memory_space<semaphore_mem>>, %arg23: memref<!tpu.dma_semaphore, #tpu.memory_space<semaphore_mem>>) attributes {dimension_semantics = [#tpu.dimension_semantics<core_parallel>, #tpu.dimension_semantics<subcore_parallel>], iteration_bounds = array<i64: 2, 16>, scalar_prefetch = 0 : i64, scratch_operands = 18 : i64, tpu.core_type = #tpu.core_type<sc_vector_subcore>, window_params = [{transform_indices = #map}, {transform_indices = #map1}, {transform_indices = #map2}, {transform_indices = #map2}]} {
    %mul3A = arith.constant 624 : i32
    %mul3A_0 = arith.muli %arg1, %mul3A : i32
    "tpu.region"() ({
      %run_scoped3A = tpu.sem_alloc : memref<!tpu.dma_semaphore, #tpu.memory_space<semaphore_mem>>
      %dma_start3A_76 = arith.constant 0 : i32
      %dma_start3A_77 = arith.constant 0 : i32
      %dma_start3A_78 = tpu.memref_slice %arg3[%arg0, %arg1, %dma_start3A_76, %dma_start3A_77] : memref<2x16x80x128xi32, #tpu.memory_space<hbm>> -> memref<1x1x80x128xi32, #tpu.memory_space<hbm>>
      %dma_start3A_79 = tpu.memref_squeeze %dma_start3A_78 : memref<1x1x80x128xi32, #tpu.memory_space<hbm>> -> memref<80x128xi32, #tpu.memory_space<hbm>>
      %dma_start3A_80 = arith.constant 0 : i32
      %dma_start3A_81 = arith.constant 0 : i32
      %dma_start3A_82 = tpu.memref_slice %arg3[%arg0, %arg1, %dma_start3A_80, %dma_start3A_81] : memref<2x16x80x128xi32, #tpu.memory_space<hbm>> -> memref<1x1x80x128xi32, #tpu.memory_space<hbm>>
      %dma_start3A_83 = tpu.memref_squeeze %dma_start3A_82 : memref<1x1x80x128xi32, #tpu.memory_space<hbm>> -> memref<80x128xi32, #tpu.memory_space<hbm>>
      tpu.enqueue_dma source(%dma_start3A_83 : memref<80x128xi32, #tpu.memory_space<hbm>>) target(%arg6 : memref<80x128xi32, #tpu.memory_space<vmem>>) target_semaphore(%run_scoped3A : memref<!tpu.dma_semaphore, #tpu.memory_space<semaphore_mem>>)
      %dma_wait3A_84 = arith.constant 0 : i32
      %dma_wait3A_85 = arith.constant 0 : i32
      %dma_wait3A_86 = tpu.memref_slice %arg3[%arg0, %arg1, %dma_wait3A_84, %dma_wait3A_85] : memref<2x16x80x128xi32, #tpu.memory_space<hbm>> -> memref<1x1x80x128xi32, #tpu.memory_space<hbm>>
      %dma_wait3A_87 = tpu.memref_squeeze %dma_wait3A_86 : memref<1x1x80x128xi32, #tpu.memory_space<hbm>> -> memref<80x128xi32, #tpu.memory_space<hbm>>
      %dma_wait3A_88 = arith.constant 0 : i32
      %dma_wait3A_89 = arith.constant 0 : i32
      %dma_wait3A_90 = tpu.memref_slice %arg3[%arg0, %arg1, %dma_wait3A_88, %dma_wait3A_89] : memref<2x16x80x128xi32, #tpu.memory_space<hbm>> -> memref<1x1x80x128xi32, #tpu.memory_space<hbm>>
      %dma_wait3A_91 = tpu.memref_squeeze %dma_wait3A_90 : memref<1x1x80x128xi32, #tpu.memory_space<hbm>> -> memref<80x128xi32, #tpu.memory_space<hbm>>
      tpu.wait_dma2 semaphore(%run_scoped3A : memref<!tpu.dma_semaphore, #tpu.memory_space<semaphore_mem>>) src(%dma_wait3A_91 : memref<80x128xi32, #tpu.memory_space<hbm>>) dst(%arg6 : memref<80x128xi32, #tpu.memory_space<vmem>>)
      tpu.yield
    }) : () -> ()
    "tpu.region"() ({
      %run_scoped3A = tpu.sem_alloc : memref<!tpu.dma_semaphore, #tpu.memory_space<semaphore_mem>>
      %dma_start3A_76 = arith.constant 0 : i32
      %dma_start3A_77 = arith.constant 0 : i32
      %dma_start3A_78 = tpu.memref_slice %arg4[%arg1, %dma_start3A_76, %dma_start3A_77] : memref<16x80x128xi32, #tpu.memory_space<hbm>> -> memref<1x80x128xi32, #tpu.memory_space<hbm>>
      %dma_start3A_79 = tpu.memref_squeeze %dma_start3A_78 : memref<1x80x128xi32, #tpu.memory_space<hbm>> -> memref<80x128xi32, #tpu.memory_space<hbm>>
      %dma_start3A_80 = arith.constant 0 : i32
      %dma_start3A_81 = arith.constant 0 : i32
      %dma_start3A_82 = tpu.memref_slice %arg4[%arg1, %dma_start3A_80, %dma_start3A_81] : memref<16x80x128xi32, #tpu.memory_space<hbm>> -> memref<1x80x128xi32, #tpu.memory_space<hbm>>
      %dma_start3A_83 = tpu.memref_squeeze %dma_start3A_82 : memref<1x80x128xi32, #tpu.memory_space<hbm>> -> memref<80x128xi32, #tpu.memory_space<hbm>>
      tpu.enqueue_dma source(%dma_start3A_83 : memref<80x128xi32, #tpu.memory_space<hbm>>) target(%arg7 : memref<80x128xi32, #tpu.memory_space<vmem>>) target_semaphore(%run_scoped3A : memref<!tpu.dma_semaphore, #tpu.memory_space<semaphore_mem>>)
      %dma_wait3A_84 = arith.constant 0 : i32
      %dma_wait3A_85 = arith.constant 0 : i32
      %dma_wait3A_86 = tpu.memref_slice %arg4[%arg1, %dma_wait3A_84, %dma_wait3A_85] : memref<16x80x128xi32, #tpu.memory_space<hbm>> -> memref<1x80x128xi32, #tpu.memory_space<hbm>>
      %dma_wait3A_87 = tpu.memref_squeeze %dma_wait3A_86 : memref<1x80x128xi32, #tpu.memory_space<hbm>> -> memref<80x128xi32, #tpu.memory_space<hbm>>
      %dma_wait3A_88 = arith.constant 0 : i32
      %dma_wait3A_89 = arith.constant 0 : i32
      %dma_wait3A_90 = tpu.memref_slice %arg4[%arg1, %dma_wait3A_88, %dma_wait3A_89] : memref<16x80x128xi32, #tpu.memory_space<hbm>> -> memref<1x80x128xi32, #tpu.memory_space<hbm>>
      %dma_wait3A_91 = tpu.memref_squeeze %dma_wait3A_90 : memref<1x80x128xi32, #tpu.memory_space<hbm>> -> memref<80x128xi32, #tpu.memory_space<hbm>>
      tpu.wait_dma2 semaphore(%run_scoped3A : memref<!tpu.dma_semaphore, #tpu.memory_space<semaphore_mem>>) src(%dma_wait3A_91 : memref<80x128xi32, #tpu.memory_space<hbm>>) dst(%arg7 : memref<80x128xi32, #tpu.memory_space<vmem>>)
      tpu.yield
    }) : () -> ()
    %mul3A_1 = arith.constant 10000 : i32
    %mul3A_2 = arith.muli %arg0, %mul3A_1 : i32
    %add3A = arith.addi %mul3A_2, %mul3A_0 : i32
    "tpu.region"() ({
      %run_scoped3A = tpu.sem_alloc : memref<!tpu.dma_semaphore, #tpu.memory_space<semaphore_mem>>
      %dma_start3A_76 = arith.constant 0 : i32
      %dma_start3A_77 = tpu.memref_slice %arg13[%mul3A_0, %dma_start3A_76] : memref<10016x32xf32, #tpu.memory_space<vmem_shared>> -> memref<640x32xf32, #tpu.memory_space<vmem_shared>>
      %dma_start3A_78 = arith.constant 0 : i32
      %dma_start3A_79 = tpu.memref_slice %arg2[%add3A, %dma_start3A_78] : memref<20000x32xf32, #tpu.memory_space<hbm>> -> memref<640x32xf32, #tpu.memory_space<hbm>>
      tpu.enqueue_dma source(%dma_start3A_79 : memref<640x32xf32, #tpu.memory_space<hbm>>) target(%dma_start3A_77 : memref<640x32xf32, #tpu.memory_space<vmem_shared>>) target_semaphore(%run_scoped3A : memref<!tpu.dma_semaphore, #tpu.memory_space<semaphore_mem>>)
      %dma_wait3A_80 = arith.constant 0 : i32
      %dma_wait3A_81 = tpu.memref_slice %arg13[%mul3A_0, %dma_wait3A_80] : memref<10016x32xf32, #tpu.memory_space<vmem_shared>> -> memref<640x32xf32, #tpu.memory_space<vmem_shared>>
      %dma_wait3A_82 = arith.constant 0 : i32
      %dma_wait3A_83 = tpu.memref_slice %arg2[%add3A, %dma_wait3A_82] : memref<20000x32xf32, #tpu.memory_space<hbm>> -> memref<640x32xf32, #tpu.memory_space<hbm>>
      tpu.wait_dma2 semaphore(%run_scoped3A : memref<!tpu.dma_semaphore, #tpu.memory_space<semaphore_mem>>) src(%dma_wait3A_83 : memref<640x32xf32, #tpu.memory_space<hbm>>) dst(%dma_wait3A_81 : memref<640x32xf32, #tpu.memory_space<vmem_shared>>)
      tpu.yield
    }) : () -> ()
    %barrier3A = arith.constant 0 : index
    tpu.barrier barrier_id(%barrier3A)
    %dma_start3A = arith.constant 0 : i32
    %dma_start3A_3 = arith.constant 0 : i32
    %dma_start3A_4 = tpu.memref_slice %arg6[%dma_start3A, %dma_start3A_3] : memref<80x128xi32, #tpu.memory_space<vmem>> -> memref<1x128xi32, #tpu.memory_space<vmem>>
    %dma_start3A_5 = tpu.memref_squeeze %dma_start3A_4 : memref<1x128xi32, #tpu.memory_space<vmem>> -> memref<128xi32, #tpu.memory_space<vmem>>
    %dma_start3A_6 = arith.constant 0 : i32
    %dma_start3A_7 = arith.constant 0 : i32
    %dma_start3A_8 = tpu.memref_slice %arg2[%dma_start3A_6, %dma_start3A_7] : memref<20000x32xf32, #tpu.memory_space<hbm>> -> memref<20000x32xf32, #tpu.memory_space<hbm>>
    tpu.enqueue_indirect_dma source(%dma_start3A_8 : memref<20000x32xf32, #tpu.memory_space<hbm>>) target(%arg8 : memref<128x32xf32, #tpu.memory_space<vmem>>) offsets(%dma_start3A_5 : memref<128xi32, #tpu.memory_space<vmem>>) semaphore(%arg14 : memref<!tpu.dma_semaphore, #tpu.memory_space<semaphore_mem>>)
    %dma_start3A_9 = arith.constant 1 : i32
    %dma_start3A_10 = arith.constant 0 : i32
    %dma_start3A_11 = tpu.memref_slice %arg6[%dma_start3A_9, %dma_start3A_10] : memref<80x128xi32, #tpu.memory_space<vmem>> -> memref<1x128xi32, #tpu.memory_space<vmem>>
    %dma_start3A_12 = tpu.memref_squeeze %dma_start3A_11 : memref<1x128xi32, #tpu.memory_space<vmem>> -> memref<128xi32, #tpu.memory_space<vmem>>
    %dma_start3A_13 = arith.constant 0 : i32
    %dma_start3A_14 = arith.constant 0 : i32
    %dma_start3A_15 = tpu.memref_slice %arg2[%dma_start3A_13, %dma_start3A_14] : memref<20000x32xf32, #tpu.memory_space<hbm>> -> memref<20000x32xf32, #tpu.memory_space<hbm>>
    tpu.enqueue_indirect_dma source(%dma_start3A_15 : memref<20000x32xf32, #tpu.memory_space<hbm>>) target(%arg9 : memref<128x32xf32, #tpu.memory_space<vmem>>) offsets(%dma_start3A_12 : memref<128xi32, #tpu.memory_space<vmem>>) semaphore(%arg15 : memref<!tpu.dma_semaphore, #tpu.memory_space<semaphore_mem>>)
    %dma_start3A_16 = arith.constant 2 : i32
    %dma_start3A_17 = arith.constant 0 : i32
    %dma_start3A_18 = tpu.memref_slice %arg6[%dma_start3A_16, %dma_start3A_17] : memref<80x128xi32, #tpu.memory_space<vmem>> -> memref<1x128xi32, #tpu.memory_space<vmem>>
    %dma_start3A_19 = tpu.memref_squeeze %dma_start3A_18 : memref<1x128xi32, #tpu.memory_space<vmem>> -> memref<128xi32, #tpu.memory_space<vmem>>
    %dma_start3A_20 = arith.constant 0 : i32
    %dma_start3A_21 = arith.constant 0 : i32
    %dma_start3A_22 = tpu.memref_slice %arg2[%dma_start3A_20, %dma_start3A_21] : memref<20000x32xf32, #tpu.memory_space<hbm>> -> memref<20000x32xf32, #tpu.memory_space<hbm>>
    tpu.enqueue_indirect_dma source(%dma_start3A_22 : memref<20000x32xf32, #tpu.memory_space<hbm>>) target(%arg10 : memref<128x32xf32, #tpu.memory_space<vmem>>) offsets(%dma_start3A_19 : memref<128xi32, #tpu.memory_space<vmem>>) semaphore(%arg16 : memref<!tpu.dma_semaphore, #tpu.memory_space<semaphore_mem>>)
    %dma_start3A_23 = arith.constant 3 : i32
    %dma_start3A_24 = arith.constant 0 : i32
    %dma_start3A_25 = tpu.memref_slice %arg6[%dma_start3A_23, %dma_start3A_24] : memref<80x128xi32, #tpu.memory_space<vmem>> -> memref<1x128xi32, #tpu.memory_space<vmem>>
    %dma_start3A_26 = tpu.memref_squeeze %dma_start3A_25 : memref<1x128xi32, #tpu.memory_space<vmem>> -> memref<128xi32, #tpu.memory_space<vmem>>
    %dma_start3A_27 = arith.constant 0 : i32
    %dma_start3A_28 = arith.constant 0 : i32
    %dma_start3A_29 = tpu.memref_slice %arg2[%dma_start3A_27, %dma_start3A_28] : memref<20000x32xf32, #tpu.memory_space<hbm>> -> memref<20000x32xf32, #tpu.memory_space<hbm>>
    tpu.enqueue_indirect_dma source(%dma_start3A_29 : memref<20000x32xf32, #tpu.memory_space<hbm>>) target(%arg11 : memref<128x32xf32, #tpu.memory_space<vmem>>) offsets(%dma_start3A_26 : memref<128xi32, #tpu.memory_space<vmem>>) semaphore(%arg17 : memref<!tpu.dma_semaphore, #tpu.memory_space<semaphore_mem>>)
    %dma_start3A_30 = arith.constant 4 : i32
    %dma_start3A_31 = arith.constant 0 : i32
    %dma_start3A_32 = tpu.memref_slice %arg6[%dma_start3A_30, %dma_start3A_31] : memref<80x128xi32, #tpu.memory_space<vmem>> -> memref<1x128xi32, #tpu.memory_space<vmem>>
    %dma_start3A_33 = tpu.memref_squeeze %dma_start3A_32 : memref<1x128xi32, #tpu.memory_space<vmem>> -> memref<128xi32, #tpu.memory_space<vmem>>
    %dma_start3A_34 = arith.constant 0 : i32
    %dma_start3A_35 = arith.constant 0 : i32
    %dma_start3A_36 = tpu.memref_slice %arg2[%dma_start3A_34, %dma_start3A_35] : memref<20000x32xf32, #tpu.memory_space<hbm>> -> memref<20000x32xf32, #tpu.memory_space<hbm>>
    tpu.enqueue_indirect_dma source(%dma_start3A_36 : memref<20000x32xf32, #tpu.memory_space<hbm>>) target(%arg12 : memref<128x32xf32, #tpu.memory_space<vmem>>) offsets(%dma_start3A_33 : memref<128xi32, #tpu.memory_space<vmem>>) semaphore(%arg18 : memref<!tpu.dma_semaphore, #tpu.memory_space<semaphore_mem>>)
    %scan3A = arith.constant 0 : i32
    %scan3A_37 = arith.constant 16 : i32
    %scan3A_38 = arith.addi %scan3A, %scan3A_37 : i32
    %scan3A_39 = arith.constant 1 : i32
    scf.for %scan3A_76 = %scan3A to %scan3A_38 step %scan3A_39  : i32 {
      %mul3A_77 = arith.constant 5 : i32
      %mul3A_78 = arith.muli %scan3A_76, %mul3A_77 : i32
      %add3A_79 = arith.constant 0 : i32
      %add3A_80 = arith.addi %add3A_79, %mul3A_78 : i32
      %add3A_81 = arith.constant 0 : i32
      %add3A_82 = arith.addi %add3A_80, %add3A_81 : i32
      %dma_wait3A_83 = arith.constant 0 : i32
      %dma_wait3A_84 = tpu.memref_slice %arg6[%add3A_82, %dma_wait3A_83] : memref<80x128xi32, #tpu.memory_space<vmem>> -> memref<1x128xi32, #tpu.memory_space<vmem>>
      %dma_wait3A_85 = tpu.memref_squeeze %dma_wait3A_84 : memref<1x128xi32, #tpu.memory_space<vmem>> -> memref<128xi32, #tpu.memory_space<vmem>>
      %dma_wait3A_86 = arith.constant 0 : i32
      %dma_wait3A_87 = arith.constant 0 : i32
      %dma_wait3A_88 = tpu.memref_slice %arg2[%dma_wait3A_86, %dma_wait3A_87] : memref<20000x32xf32, #tpu.memory_space<hbm>> -> memref<20000x32xf32, #tpu.memory_space<hbm>>
      tpu.wait_indirect_dma semaphore(%arg14 : memref<!tpu.dma_semaphore, #tpu.memory_space<semaphore_mem>>) src(%dma_wait3A_88 : memref<20000x32xf32, #tpu.memory_space<hbm>>) dst(%arg8 : memref<128x32xf32, #tpu.memory_space<vmem>>)
      %dma_start3A_89 = arith.constant 0 : i32
      %dma_start3A_90 = tpu.memref_slice %arg7[%add3A_82, %dma_start3A_89] : memref<80x128xi32, #tpu.memory_space<vmem>> -> memref<1x128xi32, #tpu.memory_space<vmem>>
      %dma_start3A_91 = tpu.memref_squeeze %dma_start3A_90 : memref<1x128xi32, #tpu.memory_space<vmem>> -> memref<128xi32, #tpu.memory_space<vmem>>
      %dma_start3A_92 = arith.constant 0 : i32
      %dma_start3A_93 = arith.constant 0 : i32
      %dma_start3A_94 = tpu.memref_slice %arg13[%dma_start3A_92, %dma_start3A_93] : memref<10016x32xf32, #tpu.memory_space<vmem_shared>> -> memref<10016x32xf32, #tpu.memory_space<vmem_shared>>
      tpu.enqueue_indirect_dma source(%arg8 : memref<128x32xf32, #tpu.memory_space<vmem>>) target(%dma_start3A_94 : memref<10016x32xf32, #tpu.memory_space<vmem_shared>>) offsets(%dma_start3A_91 : memref<128xi32, #tpu.memory_space<vmem>>) semaphore(%arg19 : memref<!tpu.dma_semaphore, #tpu.memory_space<semaphore_mem>>) {add = true}
      %gt3A = arith.constant 0 : i32
      %gt3A_95 = arith.cmpi sgt, %add3A_80, %gt3A : i32
      %convert_element_type3A = arith.extui %gt3A_95 : i1 to i32
      %cond3A = arith.constant 0 : i32
      %cond3A_96 = arith.cmpi ne, %convert_element_type3A, %cond3A : i32
      scf.if %cond3A_96 {
        %dma_wait3A_227 = arith.constant 0 : i32
        %dma_wait3A_228 = arith.constant 0 : i32
        %dma_wait3A_229 = tpu.memref_slice %arg7[%dma_wait3A_227, %dma_wait3A_228] : memref<80x128xi32, #tpu.memory_space<vmem>> -> memref<1x128xi32, #tpu.memory_space<vmem>>
        %dma_wait3A_230 = tpu.memref_squeeze %dma_wait3A_229 : memref<1x128xi32, #tpu.memory_space<vmem>> -> memref<128xi32, #tpu.memory_space<vmem>>
        %dma_wait3A_231 = arith.constant 0 : i32
        %dma_wait3A_232 = arith.constant 0 : i32
        %dma_wait3A_233 = tpu.memref_slice %arg13[%dma_wait3A_231, %dma_wait3A_232] : memref<10016x32xf32, #tpu.memory_space<vmem_shared>> -> memref<10016x32xf32, #tpu.memory_space<vmem_shared>>
        tpu.wait_indirect_dma semaphore(%arg23 : memref<!tpu.dma_semaphore, #tpu.memory_space<semaphore_mem>>) src(%arg12 : memref<128x32xf32, #tpu.memory_space<vmem>>) dst(%dma_wait3A_233 : memref<10016x32xf32, #tpu.memory_space<vmem_shared>>)
        %add3A_234 = arith.constant 5 : i32
        %add3A_235 = arith.addi %add3A_82, %add3A_234 : i32
        %sub3A_236 = arith.constant 1 : i32
        %sub3A_237 = arith.subi %add3A_235, %sub3A_236 : i32
        %min3A_238 = arith.constant 79 : i32
        %min3A_239 = arith.minsi %sub3A_237, %min3A_238 : i32
        %dma_start3A_240 = arith.constant 0 : i32
        %dma_start3A_241 = tpu.memref_slice %arg6[%min3A_239, %dma_start3A_240] : memref<80x128xi32, #tpu.memory_space<vmem>> -> memref<1x128xi32, #tpu.memory_space<vmem>>
        %dma_start3A_242 = tpu.memref_squeeze %dma_start3A_241 : memref<1x128xi32, #tpu.memory_space<vmem>> -> memref<128xi32, #tpu.memory_space<vmem>>
        %dma_start3A_243 = arith.constant 0 : i32
        %dma_start3A_244 = arith.constant 0 : i32
        %dma_start3A_245 = tpu.memref_slice %arg2[%dma_start3A_243, %dma_start3A_244] : memref<20000x32xf32, #tpu.memory_space<hbm>> -> memref<20000x32xf32, #tpu.memory_space<hbm>>
        tpu.enqueue_indirect_dma source(%dma_start3A_245 : memref<20000x32xf32, #tpu.memory_space<hbm>>) target(%arg12 : memref<128x32xf32, #tpu.memory_space<vmem>>) offsets(%dma_start3A_242 : memref<128xi32, #tpu.memory_space<vmem>>) semaphore(%arg18 : memref<!tpu.dma_semaphore, #tpu.memory_space<semaphore_mem>>)
      } else {
      }
      %add3A_97 = arith.constant 1 : i32
      %add3A_98 = arith.addi %add3A_80, %add3A_97 : i32
      %dma_wait3A_99 = arith.constant 0 : i32
      %dma_wait3A_100 = tpu.memref_slice %arg6[%add3A_98, %dma_wait3A_99] : memref<80x128xi32, #tpu.memory_space<vmem>> -> memref<1x128xi32, #tpu.memory_space<vmem>>
      %dma_wait3A_101 = tpu.memref_squeeze %dma_wait3A_100 : memref<1x128xi32, #tpu.memory_space<vmem>> -> memref<128xi32, #tpu.memory_space<vmem>>
      %dma_wait3A_102 = arith.constant 0 : i32
      %dma_wait3A_103 = arith.constant 0 : i32
      %dma_wait3A_104 = tpu.memref_slice %arg2[%dma_wait3A_102, %dma_wait3A_103] : memref<20000x32xf32, #tpu.memory_space<hbm>> -> memref<20000x32xf32, #tpu.memory_space<hbm>>
      tpu.wait_indirect_dma semaphore(%arg15 : memref<!tpu.dma_semaphore, #tpu.memory_space<semaphore_mem>>) src(%dma_wait3A_104 : memref<20000x32xf32, #tpu.memory_space<hbm>>) dst(%arg9 : memref<128x32xf32, #tpu.memory_space<vmem>>)
      %dma_start3A_105 = arith.constant 0 : i32
      %dma_start3A_106 = tpu.memref_slice %arg7[%add3A_98, %dma_start3A_105] : memref<80x128xi32, #tpu.memory_space<vmem>> -> memref<1x128xi32, #tpu.memory_space<vmem>>
      %dma_start3A_107 = tpu.memref_squeeze %dma_start3A_106 : memref<1x128xi32, #tpu.memory_space<vmem>> -> memref<128xi32, #tpu.memory_space<vmem>>
      %dma_start3A_108 = arith.constant 0 : i32
      %dma_start3A_109 = arith.constant 0 : i32
      %dma_start3A_110 = tpu.memref_slice %arg13[%dma_start3A_108, %dma_start3A_109] : memref<10016x32xf32, #tpu.memory_space<vmem_shared>> -> memref<10016x32xf32, #tpu.memory_space<vmem_shared>>
      tpu.enqueue_indirect_dma source(%arg9 : memref<128x32xf32, #tpu.memory_space<vmem>>) target(%dma_start3A_110 : memref<10016x32xf32, #tpu.memory_space<vmem_shared>>) offsets(%dma_start3A_107 : memref<128xi32, #tpu.memory_space<vmem>>) semaphore(%arg20 : memref<!tpu.dma_semaphore, #tpu.memory_space<semaphore_mem>>) {add = true}
      %dma_wait3A_111 = arith.constant 0 : i32
      %dma_wait3A_112 = arith.constant 0 : i32
      %dma_wait3A_113 = tpu.memref_slice %arg7[%dma_wait3A_111, %dma_wait3A_112] : memref<80x128xi32, #tpu.memory_space<vmem>> -> memref<1x128xi32, #tpu.memory_space<vmem>>
      %dma_wait3A_114 = tpu.memref_squeeze %dma_wait3A_113 : memref<1x128xi32, #tpu.memory_space<vmem>> -> memref<128xi32, #tpu.memory_space<vmem>>
      %dma_wait3A_115 = arith.constant 0 : i32
      %dma_wait3A_116 = arith.constant 0 : i32
      %dma_wait3A_117 = tpu.memref_slice %arg13[%dma_wait3A_115, %dma_wait3A_116] : memref<10016x32xf32, #tpu.memory_space<vmem_shared>> -> memref<10016x32xf32, #tpu.memory_space<vmem_shared>>
      tpu.wait_indirect_dma semaphore(%arg19 : memref<!tpu.dma_semaphore, #tpu.memory_space<semaphore_mem>>) src(%arg8 : memref<128x32xf32, #tpu.memory_space<vmem>>) dst(%dma_wait3A_117 : memref<10016x32xf32, #tpu.memory_space<vmem_shared>>)
      %add3A_118 = arith.constant 5 : i32
      %add3A_119 = arith.addi %add3A_98, %add3A_118 : i32
      %sub3A = arith.constant 1 : i32
      %sub3A_120 = arith.subi %add3A_119, %sub3A : i32
      %min3A = arith.constant 79 : i32
      %min3A_121 = arith.minsi %sub3A_120, %min3A : i32
      %dma_start3A_122 = arith.constant 0 : i32
      %dma_start3A_123 = tpu.memref_slice %arg6[%min3A_121, %dma_start3A_122] : memref<80x128xi32, #tpu.memory_space<vmem>> -> memref<1x128xi32, #tpu.memory_space<vmem>>
      %dma_start3A_124 = tpu.memref_squeeze %dma_start3A_123 : memref<1x128xi32, #tpu.memory_space<vmem>> -> memref<128xi32, #tpu.memory_space<vmem>>
      %dma_start3A_125 = arith.constant 0 : i32
      %dma_start3A_126 = arith.constant 0 : i32
      %dma_start3A_127 = tpu.memref_slice %arg2[%dma_start3A_125, %dma_start3A_126] : memref<20000x32xf32, #tpu.memory_space<hbm>> -> memref<20000x32xf32, #tpu.memory_space<hbm>>
      tpu.enqueue_indirect_dma source(%dma_start3A_127 : memref<20000x32xf32, #tpu.memory_space<hbm>>) target(%arg8 : memref<128x32xf32, #tpu.memory_space<vmem>>) offsets(%dma_start3A_124 : memref<128xi32, #tpu.memory_space<vmem>>) semaphore(%arg14 : memref<!tpu.dma_semaphore, #tpu.memory_space<semaphore_mem>>)
      %add3A_128 = arith.constant 2 : i32
      %add3A_129 = arith.addi %add3A_80, %add3A_128 : i32
      %dma_wait3A_130 = arith.constant 0 : i32
      %dma_wait3A_131 = tpu.memref_slice %arg6[%add3A_129, %dma_wait3A_130] : memref<80x128xi32, #tpu.memory_space<vmem>> -> memref<1x128xi32, #tpu.memory_space<vmem>>
      %dma_wait3A_132 = tpu.memref_squeeze %dma_wait3A_131 : memref<1x128xi32, #tpu.memory_space<vmem>> -> memref<128xi32, #tpu.memory_space<vmem>>
      %dma_wait3A_133 = arith.constant 0 : i32
      %dma_wait3A_134 = arith.constant 0 : i32
      %dma_wait3A_135 = tpu.memref_slice %arg2[%dma_wait3A_133, %dma_wait3A_134] : memref<20000x32xf32, #tpu.memory_space<hbm>> -> memref<20000x32xf32, #tpu.memory_space<hbm>>
      tpu.wait_indirect_dma semaphore(%arg16 : memref<!tpu.dma_semaphore, #tpu.memory_space<semaphore_mem>>) src(%dma_wait3A_135 : memref<20000x32xf32, #tpu.memory_space<hbm>>) dst(%arg10 : memref<128x32xf32, #tpu.memory_space<vmem>>)
      %dma_start3A_136 = arith.constant 0 : i32
      %dma_start3A_137 = tpu.memref_slice %arg7[%add3A_129, %dma_start3A_136] : memref<80x128xi32, #tpu.memory_space<vmem>> -> memref<1x128xi32, #tpu.memory_space<vmem>>
      %dma_start3A_138 = tpu.memref_squeeze %dma_start3A_137 : memref<1x128xi32, #tpu.memory_space<vmem>> -> memref<128xi32, #tpu.memory_space<vmem>>
      %dma_start3A_139 = arith.constant 0 : i32
      %dma_start3A_140 = arith.constant 0 : i32
      %dma_start3A_141 = tpu.memref_slice %arg13[%dma_start3A_139, %dma_start3A_140] : memref<10016x32xf32, #tpu.memory_space<vmem_shared>> -> memref<10016x32xf32, #tpu.memory_space<vmem_shared>>
      tpu.enqueue_indirect_dma source(%arg10 : memref<128x32xf32, #tpu.memory_space<vmem>>) target(%dma_start3A_141 : memref<10016x32xf32, #tpu.memory_space<vmem_shared>>) offsets(%dma_start3A_138 : memref<128xi32, #tpu.memory_space<vmem>>) semaphore(%arg21 : memref<!tpu.dma_semaphore, #tpu.memory_space<semaphore_mem>>) {add = true}
      %dma_wait3A_142 = arith.constant 0 : i32
      %dma_wait3A_143 = arith.constant 0 : i32
      %dma_wait3A_144 = tpu.memref_slice %arg7[%dma_wait3A_142, %dma_wait3A_143] : memref<80x128xi32, #tpu.memory_space<vmem>> -> memref<1x128xi32, #tpu.memory_space<vmem>>
      %dma_wait3A_145 = tpu.memref_squeeze %dma_wait3A_144 : memref<1x128xi32, #tpu.memory_space<vmem>> -> memref<128xi32, #tpu.memory_space<vmem>>
      %dma_wait3A_146 = arith.constant 0 : i32
      %dma_wait3A_147 = arith.constant 0 : i32
      %dma_wait3A_148 = tpu.memref_slice %arg13[%dma_wait3A_146, %dma_wait3A_147] : memref<10016x32xf32, #tpu.memory_space<vmem_shared>> -> memref<10016x32xf32, #tpu.memory_space<vmem_shared>>
      tpu.wait_indirect_dma semaphore(%arg20 : memref<!tpu.dma_semaphore, #tpu.memory_space<semaphore_mem>>) src(%arg9 : memref<128x32xf32, #tpu.memory_space<vmem>>) dst(%dma_wait3A_148 : memref<10016x32xf32, #tpu.memory_space<vmem_shared>>)
      %add3A_149 = arith.constant 5 : i32
      %add3A_150 = arith.addi %add3A_129, %add3A_149 : i32
      %sub3A_151 = arith.constant 1 : i32
      %sub3A_152 = arith.subi %add3A_150, %sub3A_151 : i32
      %min3A_153 = arith.constant 79 : i32
      %min3A_154 = arith.minsi %sub3A_152, %min3A_153 : i32
      %dma_start3A_155 = arith.constant 0 : i32
      %dma_start3A_156 = tpu.memref_slice %arg6[%min3A_154, %dma_start3A_155] : memref<80x128xi32, #tpu.memory_space<vmem>> -> memref<1x128xi32, #tpu.memory_space<vmem>>
      %dma_start3A_157 = tpu.memref_squeeze %dma_start3A_156 : memref<1x128xi32, #tpu.memory_space<vmem>> -> memref<128xi32, #tpu.memory_space<vmem>>
      %dma_start3A_158 = arith.constant 0 : i32
      %dma_start3A_159 = arith.constant 0 : i32
      %dma_start3A_160 = tpu.memref_slice %arg2[%dma_start3A_158, %dma_start3A_159] : memref<20000x32xf32, #tpu.memory_space<hbm>> -> memref<20000x32xf32, #tpu.memory_space<hbm>>
      tpu.enqueue_indirect_dma source(%dma_start3A_160 : memref<20000x32xf32, #tpu.memory_space<hbm>>) target(%arg9 : memref<128x32xf32, #tpu.memory_space<vmem>>) offsets(%dma_start3A_157 : memref<128xi32, #tpu.memory_space<vmem>>) semaphore(%arg15 : memref<!tpu.dma_semaphore, #tpu.memory_space<semaphore_mem>>)
      %add3A_161 = arith.constant 3 : i32
      %add3A_162 = arith.addi %add3A_80, %add3A_161 : i32
      %dma_wait3A_163 = arith.constant 0 : i32
      %dma_wait3A_164 = tpu.memref_slice %arg6[%add3A_162, %dma_wait3A_163] : memref<80x128xi32, #tpu.memory_space<vmem>> -> memref<1x128xi32, #tpu.memory_space<vmem>>
      %dma_wait3A_165 = tpu.memref_squeeze %dma_wait3A_164 : memref<1x128xi32, #tpu.memory_space<vmem>> -> memref<128xi32, #tpu.memory_space<vmem>>
      %dma_wait3A_166 = arith.constant 0 : i32
      %dma_wait3A_167 = arith.constant 0 : i32
      %dma_wait3A_168 = tpu.memref_slice %arg2[%dma_wait3A_166, %dma_wait3A_167] : memref<20000x32xf32, #tpu.memory_space<hbm>> -> memref<20000x32xf32, #tpu.memory_space<hbm>>
      tpu.wait_indirect_dma semaphore(%arg17 : memref<!tpu.dma_semaphore, #tpu.memory_space<semaphore_mem>>) src(%dma_wait3A_168 : memref<20000x32xf32, #tpu.memory_space<hbm>>) dst(%arg11 : memref<128x32xf32, #tpu.memory_space<vmem>>)
      %dma_start3A_169 = arith.constant 0 : i32
      %dma_start3A_170 = tpu.memref_slice %arg7[%add3A_162, %dma_start3A_169] : memref<80x128xi32, #tpu.memory_space<vmem>> -> memref<1x128xi32, #tpu.memory_space<vmem>>
      %dma_start3A_171 = tpu.memref_squeeze %dma_start3A_170 : memref<1x128xi32, #tpu.memory_space<vmem>> -> memref<128xi32, #tpu.memory_space<vmem>>
      %dma_start3A_172 = arith.constant 0 : i32
      %dma_start3A_173 = arith.constant 0 : i32
      %dma_start3A_174 = tpu.memref_slice %arg13[%dma_start3A_172, %dma_start3A_173] : memref<10016x32xf32, #tpu.memory_space<vmem_shared>> -> memref<10016x32xf32, #tpu.memory_space<vmem_shared>>
      tpu.enqueue_indirect_dma source(%arg11 : memref<128x32xf32, #tpu.memory_space<vmem>>) target(%dma_start3A_174 : memref<10016x32xf32, #tpu.memory_space<vmem_shared>>) offsets(%dma_start3A_171 : memref<128xi32, #tpu.memory_space<vmem>>) semaphore(%arg22 : memref<!tpu.dma_semaphore, #tpu.memory_space<semaphore_mem>>) {add = true}
      %dma_wait3A_175 = arith.constant 0 : i32
      %dma_wait3A_176 = arith.constant 0 : i32
      %dma_wait3A_177 = tpu.memref_slice %arg7[%dma_wait3A_175, %dma_wait3A_176] : memref<80x128xi32, #tpu.memory_space<vmem>> -> memref<1x128xi32, #tpu.memory_space<vmem>>
      %dma_wait3A_178 = tpu.memref_squeeze %dma_wait3A_177 : memref<1x128xi32, #tpu.memory_space<vmem>> -> memref<128xi32, #tpu.memory_space<vmem>>
      %dma_wait3A_179 = arith.constant 0 : i32
      %dma_wait3A_180 = arith.constant 0 : i32
      %dma_wait3A_181 = tpu.memref_slice %arg13[%dma_wait3A_179, %dma_wait3A_180] : memref<10016x32xf32, #tpu.memory_space<vmem_shared>> -> memref<10016x32xf32, #tpu.memory_space<vmem_shared>>
      tpu.wait_indirect_dma semaphore(%arg21 : memref<!tpu.dma_semaphore, #tpu.memory_space<semaphore_mem>>) src(%arg10 : memref<128x32xf32, #tpu.memory_space<vmem>>) dst(%dma_wait3A_181 : memref<10016x32xf32, #tpu.memory_space<vmem_shared>>)
      %add3A_182 = arith.constant 5 : i32
      %add3A_183 = arith.addi %add3A_162, %add3A_182 : i32
      %sub3A_184 = arith.constant 1 : i32
      %sub3A_185 = arith.subi %add3A_183, %sub3A_184 : i32
      %min3A_186 = arith.constant 79 : i32
      %min3A_187 = arith.minsi %sub3A_185, %min3A_186 : i32
      %dma_start3A_188 = arith.constant 0 : i32
      %dma_start3A_189 = tpu.memref_slice %arg6[%min3A_187, %dma_start3A_188] : memref<80x128xi32, #tpu.memory_space<vmem>> -> memref<1x128xi32, #tpu.memory_space<vmem>>
      %dma_start3A_190 = tpu.memref_squeeze %dma_start3A_189 : memref<1x128xi32, #tpu.memory_space<vmem>> -> memref<128xi32, #tpu.memory_space<vmem>>
      %dma_start3A_191 = arith.constant 0 : i32
      %dma_start3A_192 = arith.constant 0 : i32
      %dma_start3A_193 = tpu.memref_slice %arg2[%dma_start3A_191, %dma_start3A_192] : memref<20000x32xf32, #tpu.memory_space<hbm>> -> memref<20000x32xf32, #tpu.memory_space<hbm>>
      tpu.enqueue_indirect_dma source(%dma_start3A_193 : memref<20000x32xf32, #tpu.memory_space<hbm>>) target(%arg10 : memref<128x32xf32, #tpu.memory_space<vmem>>) offsets(%dma_start3A_190 : memref<128xi32, #tpu.memory_space<vmem>>) semaphore(%arg16 : memref<!tpu.dma_semaphore, #tpu.memory_space<semaphore_mem>>)
      %add3A_194 = arith.constant 4 : i32
      %add3A_195 = arith.addi %add3A_80, %add3A_194 : i32
      %dma_wait3A_196 = arith.constant 0 : i32
      %dma_wait3A_197 = tpu.memref_slice %arg6[%add3A_195, %dma_wait3A_196] : memref<80x128xi32, #tpu.memory_space<vmem>> -> memref<1x128xi32, #tpu.memory_space<vmem>>
      %dma_wait3A_198 = tpu.memref_squeeze %dma_wait3A_197 : memref<1x128xi32, #tpu.memory_space<vmem>> -> memref<128xi32, #tpu.memory_space<vmem>>
      %dma_wait3A_199 = arith.constant 0 : i32
      %dma_wait3A_200 = arith.constant 0 : i32
      %dma_wait3A_201 = tpu.memref_slice %arg2[%dma_wait3A_199, %dma_wait3A_200] : memref<20000x32xf32, #tpu.memory_space<hbm>> -> memref<20000x32xf32, #tpu.memory_space<hbm>>
      tpu.wait_indirect_dma semaphore(%arg18 : memref<!tpu.dma_semaphore, #tpu.memory_space<semaphore_mem>>) src(%dma_wait3A_201 : memref<20000x32xf32, #tpu.memory_space<hbm>>) dst(%arg12 : memref<128x32xf32, #tpu.memory_space<vmem>>)
      %dma_start3A_202 = arith.constant 0 : i32
      %dma_start3A_203 = tpu.memref_slice %arg7[%add3A_195, %dma_start3A_202] : memref<80x128xi32, #tpu.memory_space<vmem>> -> memref<1x128xi32, #tpu.memory_space<vmem>>
      %dma_start3A_204 = tpu.memref_squeeze %dma_start3A_203 : memref<1x128xi32, #tpu.memory_space<vmem>> -> memref<128xi32, #tpu.memory_space<vmem>>
      %dma_start3A_205 = arith.constant 0 : i32
      %dma_start3A_206 = arith.constant 0 : i32
      %dma_start3A_207 = tpu.memref_slice %arg13[%dma_start3A_205, %dma_start3A_206] : memref<10016x32xf32, #tpu.memory_space<vmem_shared>> -> memref<10016x32xf32, #tpu.memory_space<vmem_shared>>
      tpu.enqueue_indirect_dma source(%arg12 : memref<128x32xf32, #tpu.memory_space<vmem>>) target(%dma_start3A_207 : memref<10016x32xf32, #tpu.memory_space<vmem_shared>>) offsets(%dma_start3A_204 : memref<128xi32, #tpu.memory_space<vmem>>) semaphore(%arg23 : memref<!tpu.dma_semaphore, #tpu.memory_space<semaphore_mem>>) {add = true}
      %dma_wait3A_208 = arith.constant 0 : i32
      %dma_wait3A_209 = arith.constant 0 : i32
      %dma_wait3A_210 = tpu.memref_slice %arg7[%dma_wait3A_208, %dma_wait3A_209] : memref<80x128xi32, #tpu.memory_space<vmem>> -> memref<1x128xi32, #tpu.memory_space<vmem>>
      %dma_wait3A_211 = tpu.memref_squeeze %dma_wait3A_210 : memref<1x128xi32, #tpu.memory_space<vmem>> -> memref<128xi32, #tpu.memory_space<vmem>>
      %dma_wait3A_212 = arith.constant 0 : i32
      %dma_wait3A_213 = arith.constant 0 : i32
      %dma_wait3A_214 = tpu.memref_slice %arg13[%dma_wait3A_212, %dma_wait3A_213] : memref<10016x32xf32, #tpu.memory_space<vmem_shared>> -> memref<10016x32xf32, #tpu.memory_space<vmem_shared>>
      tpu.wait_indirect_dma semaphore(%arg22 : memref<!tpu.dma_semaphore, #tpu.memory_space<semaphore_mem>>) src(%arg11 : memref<128x32xf32, #tpu.memory_space<vmem>>) dst(%dma_wait3A_214 : memref<10016x32xf32, #tpu.memory_space<vmem_shared>>)
      %add3A_215 = arith.constant 5 : i32
      %add3A_216 = arith.addi %add3A_195, %add3A_215 : i32
      %sub3A_217 = arith.constant 1 : i32
      %sub3A_218 = arith.subi %add3A_216, %sub3A_217 : i32
      %min3A_219 = arith.constant 79 : i32
      %min3A_220 = arith.minsi %sub3A_218, %min3A_219 : i32
      %dma_start3A_221 = arith.constant 0 : i32
      %dma_start3A_222 = tpu.memref_slice %arg6[%min3A_220, %dma_start3A_221] : memref<80x128xi32, #tpu.memory_space<vmem>> -> memref<1x128xi32, #tpu.memory_space<vmem>>
      %dma_start3A_223 = tpu.memref_squeeze %dma_start3A_222 : memref<1x128xi32, #tpu.memory_space<vmem>> -> memref<128xi32, #tpu.memory_space<vmem>>
      %dma_start3A_224 = arith.constant 0 : i32
      %dma_start3A_225 = arith.constant 0 : i32
      %dma_start3A_226 = tpu.memref_slice %arg2[%dma_start3A_224, %dma_start3A_225] : memref<20000x32xf32, #tpu.memory_space<hbm>> -> memref<20000x32xf32, #tpu.memory_space<hbm>>
      tpu.enqueue_indirect_dma source(%dma_start3A_226 : memref<20000x32xf32, #tpu.memory_space<hbm>>) target(%arg11 : memref<128x32xf32, #tpu.memory_space<vmem>>) offsets(%dma_start3A_223 : memref<128xi32, #tpu.memory_space<vmem>>) semaphore(%arg17 : memref<!tpu.dma_semaphore, #tpu.memory_space<semaphore_mem>>)
    }
    %scan3A_40 = arith.constant 16 : i32
    %dma_wait3A = arith.constant 0 : i32
    %dma_wait3A_41 = arith.constant 0 : i32
    %dma_wait3A_42 = tpu.memref_slice %arg6[%dma_wait3A, %dma_wait3A_41] : memref<80x128xi32, #tpu.memory_space<vmem>> -> memref<1x128xi32, #tpu.memory_space<vmem>>
    %dma_wait3A_43 = tpu.memref_squeeze %dma_wait3A_42 : memref<1x128xi32, #tpu.memory_space<vmem>> -> memref<128xi32, #tpu.memory_space<vmem>>
    %dma_wait3A_44 = arith.constant 0 : i32
    %dma_wait3A_45 = arith.constant 0 : i32
    %dma_wait3A_46 = tpu.memref_slice %arg2[%dma_wait3A_44, %dma_wait3A_45] : memref<20000x32xf32, #tpu.memory_space<hbm>> -> memref<20000x32xf32, #tpu.memory_space<hbm>>
    tpu.wait_indirect_dma semaphore(%arg14 : memref<!tpu.dma_semaphore, #tpu.memory_space<semaphore_mem>>) src(%dma_wait3A_46 : memref<20000x32xf32, #tpu.memory_space<hbm>>) dst(%arg8 : memref<128x32xf32, #tpu.memory_space<vmem>>)
    %dma_wait3A_47 = arith.constant 0 : i32
    %dma_wait3A_48 = arith.constant 0 : i32
    %dma_wait3A_49 = tpu.memref_slice %arg6[%dma_wait3A_47, %dma_wait3A_48] : memref<80x128xi32, #tpu.memory_space<vmem>> -> memref<1x128xi32, #tpu.memory_space<vmem>>
    %dma_wait3A_50 = tpu.memref_squeeze %dma_wait3A_49 : memref<1x128xi32, #tpu.memory_space<vmem>> -> memref<128xi32, #tpu.memory_space<vmem>>
    %dma_wait3A_51 = arith.constant 0 : i32
    %dma_wait3A_52 = arith.constant 0 : i32
    %dma_wait3A_53 = tpu.memref_slice %arg2[%dma_wait3A_51, %dma_wait3A_52] : memref<20000x32xf32, #tpu.memory_space<hbm>> -> memref<20000x32xf32, #tpu.memory_space<hbm>>
    tpu.wait_indirect_dma semaphore(%arg15 : memref<!tpu.dma_semaphore, #tpu.memory_space<semaphore_mem>>) src(%dma_wait3A_53 : memref<20000x32xf32, #tpu.memory_space<hbm>>) dst(%arg9 : memref<128x32xf32, #tpu.memory_space<vmem>>)
    %dma_wait3A_54 = arith.constant 0 : i32
    %dma_wait3A_55 = arith.constant 0 : i32
    %dma_wait3A_56 = tpu.memref_slice %arg6[%dma_wait3A_54, %dma_wait3A_55] : memref<80x128xi32, #tpu.memory_space<vmem>> -> memref<1x128xi32, #tpu.memory_space<vmem>>
    %dma_wait3A_57 = tpu.memref_squeeze %dma_wait3A_56 : memref<1x128xi32, #tpu.memory_space<vmem>> -> memref<128xi32, #tpu.memory_space<vmem>>
    %dma_wait3A_58 = arith.constant 0 : i32
    %dma_wait3A_59 = arith.constant 0 : i32
    %dma_wait3A_60 = tpu.memref_slice %arg2[%dma_wait3A_58, %dma_wait3A_59] : memref<20000x32xf32, #tpu.memory_space<hbm>> -> memref<20000x32xf32, #tpu.memory_space<hbm>>
    tpu.wait_indirect_dma semaphore(%arg16 : memref<!tpu.dma_semaphore, #tpu.memory_space<semaphore_mem>>) src(%dma_wait3A_60 : memref<20000x32xf32, #tpu.memory_space<hbm>>) dst(%arg10 : memref<128x32xf32, #tpu.memory_space<vmem>>)
    %dma_wait3A_61 = arith.constant 0 : i32
    %dma_wait3A_62 = arith.constant 0 : i32
    %dma_wait3A_63 = tpu.memref_slice %arg6[%dma_wait3A_61, %dma_wait3A_62] : memref<80x128xi32, #tpu.memory_space<vmem>> -> memref<1x128xi32, #tpu.memory_space<vmem>>
    %dma_wait3A_64 = tpu.memref_squeeze %dma_wait3A_63 : memref<1x128xi32, #tpu.memory_space<vmem>> -> memref<128xi32, #tpu.memory_space<vmem>>
    %dma_wait3A_65 = arith.constant 0 : i32
    %dma_wait3A_66 = arith.constant 0 : i32
    %dma_wait3A_67 = tpu.memref_slice %arg2[%dma_wait3A_65, %dma_wait3A_66] : memref<20000x32xf32, #tpu.memory_space<hbm>> -> memref<20000x32xf32, #tpu.memory_space<hbm>>
    tpu.wait_indirect_dma semaphore(%arg17 : memref<!tpu.dma_semaphore, #tpu.memory_space<semaphore_mem>>) src(%dma_wait3A_67 : memref<20000x32xf32, #tpu.memory_space<hbm>>) dst(%arg11 : memref<128x32xf32, #tpu.memory_space<vmem>>)
    %dma_wait3A_68 = arith.constant 0 : i32
    %dma_wait3A_69 = arith.constant 0 : i32
    %dma_wait3A_70 = tpu.memref_slice %arg7[%dma_wait3A_68, %dma_wait3A_69] : memref<80x128xi32, #tpu.memory_space<vmem>> -> memref<1x128xi32, #tpu.memory_space<vmem>>
    %dma_wait3A_71 = tpu.memref_squeeze %dma_wait3A_70 : memref<1x128xi32, #tpu.memory_space<vmem>> -> memref<128xi32, #tpu.memory_space<vmem>>
    %dma_wait3A_72 = arith.constant 0 : i32
    %dma_wait3A_73 = arith.constant 0 : i32
    %dma_wait3A_74 = tpu.memref_slice %arg13[%dma_wait3A_72, %dma_wait3A_73] : memref<10016x32xf32, #tpu.memory_space<vmem_shared>> -> memref<10016x32xf32, #tpu.memory_space<vmem_shared>>
    tpu.wait_indirect_dma semaphore(%arg23 : memref<!tpu.dma_semaphore, #tpu.memory_space<semaphore_mem>>) src(%arg8 : memref<128x32xf32, #tpu.memory_space<vmem>>) dst(%dma_wait3A_74 : memref<10016x32xf32, #tpu.memory_space<vmem_shared>>)
    %barrier3A_75 = arith.constant 0 : index
    tpu.barrier barrier_id(%barrier3A_75)
    "tpu.region"() ({
      %run_scoped3A = tpu.sem_alloc : memref<!tpu.dma_semaphore, #tpu.memory_space<semaphore_mem>>
      %dma_start3A_76 = arith.constant 0 : i32
      %dma_start3A_77 = tpu.memref_slice %arg5[%arg0, %mul3A_0, %dma_start3A_76] : memref<2x10000x32xf32, #tpu.memory_space<hbm>> -> memref<1x640x32xf32, #tpu.memory_space<hbm>>
      %dma_start3A_78 = tpu.memref_squeeze %dma_start3A_77 : memref<1x640x32xf32, #tpu.memory_space<hbm>> -> memref<640x32xf32, #tpu.memory_space<hbm>>
      %dma_start3A_79 = arith.constant 0 : i32
      %dma_start3A_80 = tpu.memref_slice %arg13[%mul3A_0, %dma_start3A_79] : memref<10016x32xf32, #tpu.memory_space<vmem_shared>> -> memref<640x32xf32, #tpu.memory_space<vmem_shared>>
      tpu.enqueue_dma source(%dma_start3A_80 : memref<640x32xf32, #tpu.memory_space<vmem_shared>>) target(%dma_start3A_78 : memref<640x32xf32, #tpu.memory_space<hbm>>) target_semaphore(%run_scoped3A : memref<!tpu.dma_semaphore, #tpu.memory_space<semaphore_mem>>)
      %dma_wait3A_81 = arith.constant 0 : i32
      %dma_wait3A_82 = tpu.memref_slice %arg5[%arg0, %mul3A_0, %dma_wait3A_81] : memref<2x10000x32xf32, #tpu.memory_space<hbm>> -> memref<1x640x32xf32, #tpu.memory_space<hbm>>
      %dma_wait3A_83 = tpu.memref_squeeze %dma_wait3A_82 : memref<1x640x32xf32, #tpu.memory_space<hbm>> -> memref<640x32xf32, #tpu.memory_space<hbm>>
      %dma_wait3A_84 = arith.constant 0 : i32
      %dma_wait3A_85 = tpu.memref_slice %arg13[%mul3A_0, %dma_wait3A_84] : memref<10016x32xf32, #tpu.memory_space<vmem_shared>> -> memref<640x32xf32, #tpu.memory_space<vmem_shared>>
      tpu.wait_dma2 semaphore(%run_scoped3A : memref<!tpu.dma_semaphore, #tpu.memory_space<semaphore_mem>>) src(%dma_wait3A_85 : memref<640x32xf32, #tpu.memory_space<vmem_shared>>) dst(%dma_wait3A_83 : memref<640x32xf32, #tpu.memory_space<hbm>>)
      tpu.yield
    }) : () -> ()
    return
  }
}

module attributes {stable_mosaic.version = 14 : i64} {
  func.func @_tc_pre_body(%arg0: i32, %arg1: memref<2000x256xf32, #tpu.memory_space<vmem>>, %arg2: memref<256x256xf32, #tpu.memory_space<vmem>>, %arg3: memref<2000x16xf32, #tpu.memory_space<vmem>>, %arg4: memref<2x2000x128xf32, #tpu.memory_space<vmem>>) attributes {dimension_semantics = [#tpu.dimension_semantics<arbitrary>], iteration_bounds = array<i64: 5>, scalar_prefetch = 0 : i64, scratch_operands = 0 : i64, tpu.core_type = #tpu.core_type<tc>, window_params = [{transform_indices = @transform_0, window_bounds = array<i64: 2000, 256>}, {pipeline_mode = #tpu.pipeline_mode<synchronous>, transform_indices = @transform_1, window_bounds = array<i64: 256, 256>}, {transform_indices = @transform_2, window_bounds = array<i64: 2000, 16>}, {transform_indices = @transform_3, window_bounds = array<i64: 2, 2000, 128>}]} {
    %get3A = arith.constant 0 : index
    %get3A_0 = arith.constant 0 : index
    %get3A_1 = vector.load %arg3[%get3A, %get3A_0] : memref<2000x16xf32, #tpu.memory_space<vmem>>, vector<2000x1xf32>
    %add3A = arith.constant 1.000000e+00 : f32
    %add3A_2 = vector.broadcast %add3A : f32 to vector<2000x1xf32>
    %add3A_3 = arith.addf %get3A_1, %add3A_2 : vector<2000x1xf32>
    %rsqrt3A = math.rsqrt %add3A_3 : vector<2000x1xf32>
    %get3A_4 = arith.constant 0 : index
    %get3A_5 = arith.constant 0 : index
    %get3A_6 = vector.load %arg1[%get3A_4, %get3A_5] : memref<2000x256xf32, #tpu.memory_space<vmem>>, vector<2000x256xf32>
    %get3A_7 = arith.constant 0 : index
    %get3A_8 = arith.constant 0 : index
    %get3A_9 = vector.load %arg2[%get3A_7, %get3A_8] : memref<256x256xf32, #tpu.memory_space<vmem>>, vector<256x256xf32>
    %convert_element_type3A = arith.truncf %get3A_6 : vector<2000x256xf32> to vector<2000x256xbf16>
    %convert_element_type3A_10 = arith.truncf %get3A_9 : vector<256x256xf32> to vector<256x256xbf16>
    %dot_general3A = arith.constant dense<0.000000e+00> : vector<2000x256xf32>
    %dot_general3A_11 = tpu.matmul %convert_element_type3A, %convert_element_type3A_10, %dot_general3A {dimension_numbers = #tpu.dot_dimension_numbers<[1], [0], [0], [1], [0, 0, 1, 1], [], []>, transpose_lhs_hint = false} : vector<2000x256xbf16>, vector<256x256xbf16>, vector<2000x256xf32> -> vector<2000x256xf32>
    %mul3A = vector.broadcast %rsqrt3A : vector<2000x1xf32> to vector<2000x256xf32>
    %mul3A_12 = arith.mulf %dot_general3A_11, %mul3A : vector<2000x256xf32>
    %slice3A = vector.extract_strided_slice %mul3A_12 {offsets = [0, 0], sizes = [2000, 128], strides = [1, 1]} : vector<2000x256xf32> to vector<2000x128xf32>
    %swap3A = arith.constant 0 : index
    %swap3A_13 = arith.constant 0 : index
    %swap3A_14 = arith.constant 0 : index
    %swap3A_15 = vector.load %arg4[%swap3A, %swap3A_13, %swap3A_14] : memref<2x2000x128xf32, #tpu.memory_space<vmem>>, vector<1x2000x128xf32>
    %swap3A_16 = vector.shape_cast %swap3A_15 : vector<1x2000x128xf32> to vector<2000x128xf32>
    %swap3A_17 = vector.shape_cast %slice3A : vector<2000x128xf32> to vector<1x2000x128xf32>
    tpu.vector_store %arg4[%swap3A, %swap3A_13, %swap3A_14], %swap3A_17 {strides = array<i32>} : memref<2x2000x128xf32, #tpu.memory_space<vmem>>, vector<1x2000x128xf32>,
    %slice3A_18 = vector.extract_strided_slice %mul3A_12 {offsets = [0, 128], sizes = [2000, 128], strides = [1, 1]} : vector<2000x256xf32> to vector<2000x128xf32>
    %swap3A_19 = arith.constant 1 : index
    %swap3A_20 = arith.constant 0 : index
    %swap3A_21 = arith.constant 0 : index
    %swap3A_22 = vector.load %arg4[%swap3A_19, %swap3A_20, %swap3A_21] : memref<2x2000x128xf32, #tpu.memory_space<vmem>>, vector<1x2000x128xf32>
    %swap3A_23 = vector.shape_cast %swap3A_22 : vector<1x2000x128xf32> to vector<2000x128xf32>
    %swap3A_24 = vector.shape_cast %slice3A_18 : vector<2000x128xf32> to vector<1x2000x128xf32>
    tpu.vector_store %arg4[%swap3A_19, %swap3A_20, %swap3A_21], %swap3A_24 {strides = array<i32>} : memref<2x2000x128xf32, #tpu.memory_space<vmem>>, vector<1x2000x128xf32>,
    return
  }
  func.func @transform_0(%arg0: i32) -> (i32, i32) {
    %c0_i32 = arith.constant 0 : i32
    %c0_i32_0 = arith.constant 0 : i32
    return %arg0, %c0_i32 : i32, i32
  }
  func.func @transform_1(%arg0: i32) -> (i32, i32) {
    %c0_i32 = arith.constant 0 : i32
    %c0_i32_0 = arith.constant 0 : i32
    %c0_i32_1 = arith.constant 0 : i32
    return %c0_i32, %c0_i32_0 : i32, i32
  }
  func.func @transform_2(%arg0: i32) -> (i32, i32) {
    %c0_i32 = arith.constant 0 : i32
    %c0_i32_0 = arith.constant 0 : i32
    return %arg0, %c0_i32 : i32, i32
  }
  func.func @transform_3(%arg0: i32) -> (i32, i32, i32) {
    %c0_i32 = arith.constant 0 : i32
    %c0_i32_0 = arith.constant 0 : i32
    %c0_i32_1 = arith.constant 0 : i32
    return %c0_i32, %arg0, %c0_i32_0 : i32, i32, i32
  }
}

module attributes {stable_mosaic.version = 14 : i64} {
  func.func @_tc_mid_body(%arg0: i32, %arg1: memref<2x2000x128xf32, #tpu.memory_space<vmem>>, %arg2: memref<2000x16xf32, #tpu.memory_space<vmem>>, %arg3: memref<1x256xf32, #tpu.memory_space<vmem>>, %arg4: memref<1x256xf32, #tpu.memory_space<vmem>>, %arg5: memref<1x256xf32, #tpu.memory_space<vmem>>, %arg6: memref<256x256xf32, #tpu.memory_space<vmem>>, %arg7: memref<2x2000x128xf32, #tpu.memory_space<vmem>>) attributes {dimension_semantics = [#tpu.dimension_semantics<arbitrary>], iteration_bounds = array<i64: 5>, scalar_prefetch = 0 : i64, scratch_operands = 0 : i64, tpu.core_type = #tpu.core_type<tc>, window_params = [{transform_indices = @transform_0, window_bounds = array<i64: 2, 2000, 128>}, {transform_indices = @transform_1, window_bounds = array<i64: 2000, 16>}, {pipeline_mode = #tpu.pipeline_mode<synchronous>, transform_indices = @transform_2, window_bounds = array<i64: 1, 256>}, {pipeline_mode = #tpu.pipeline_mode<synchronous>, transform_indices = @transform_3, window_bounds = array<i64: 1, 256>}, {pipeline_mode = #tpu.pipeline_mode<synchronous>, transform_indices = @transform_4, window_bounds = array<i64: 1, 256>}, {pipeline_mode = #tpu.pipeline_mode<synchronous>, transform_indices = @transform_5, window_bounds = array<i64: 256, 256>}, {transform_indices = @transform_6, window_bounds = array<i64: 2, 2000, 128>}]} {
    %get3A = arith.constant 0 : index
    %get3A_0 = arith.constant 0 : index
    %get3A_1 = vector.load %arg2[%get3A, %get3A_0] : memref<2000x16xf32, #tpu.memory_space<vmem>>, vector<2000x1xf32>
    %add3A = arith.constant 1.000000e+00 : f32
    %add3A_2 = vector.broadcast %add3A : f32 to vector<2000x1xf32>
    %add3A_3 = arith.addf %get3A_1, %add3A_2 : vector<2000x1xf32>
    %rsqrt3A = math.rsqrt %add3A_3 : vector<2000x1xf32>
    %iota3A = tpu.iota {dimensions = array<i32: 0>} : vector<128x4xi32>
    %jit3A = arith.constant 32 : i32
    %div3A = vector.broadcast %jit3A : i32 to vector<128x4xi32>
    %div3A_4 = arith.divsi %iota3A, %div3A : vector<128x4xi32>
    %sign3A = arith.constant 0 : i32
    %sign3A_5 = vector.broadcast %sign3A : i32 to vector<128x4xi32>
    %sign3A_6 = arith.cmpi sgt, %iota3A, %sign3A_5 : vector<128x4xi32>
    %sign3A_7 = arith.extui %sign3A_6 : vector<128x4xi1> to vector<128x4xi32>
    %sign3A_8 = arith.constant 0 : i32
    %sign3A_9 = vector.broadcast %sign3A_8 : i32 to vector<128x4xi32>
    %sign3A_10 = arith.cmpi slt, %iota3A, %sign3A_9 : vector<128x4xi32>
    %sign3A_11 = arith.extui %sign3A_10 : vector<128x4xi1> to vector<128x4xi32>
    %sign3A_12 = arith.subi %sign3A_7, %sign3A_11 : vector<128x4xi32>
    %sign3A_13 = arith.constant 0 : i32
    %sign3A_14 = arith.cmpi sgt, %jit3A, %sign3A_13 : i32
    %sign3A_15 = arith.extui %sign3A_14 : i1 to i32
    %sign3A_16 = arith.constant 0 : i32
    %sign3A_17 = arith.cmpi slt, %jit3A, %sign3A_16 : i32
    %sign3A_18 = arith.extui %sign3A_17 : i1 to i32
    %sign3A_19 = arith.subi %sign3A_15, %sign3A_18 : i32
    %ne3A = vector.broadcast %sign3A_19 : i32 to vector<128x4xi32>
    %ne3A_20 = arith.cmpi ne, %sign3A_12, %ne3A : vector<128x4xi32>
    %rem3A = vector.broadcast %jit3A : i32 to vector<128x4xi32>
    %rem3A_21 = arith.remsi %iota3A, %rem3A : vector<128x4xi32>
    %ne3A_22 = arith.constant 0 : i32
    %ne3A_23 = vector.broadcast %ne3A_22 : i32 to vector<128x4xi32>
    %ne3A_24 = arith.cmpi ne, %rem3A_21, %ne3A_23 : vector<128x4xi32>
    %and3A = arith.andi %ne3A_20, %ne3A_24 : vector<128x4xi1>
    %sub3A = arith.constant 1 : i32
    %sub3A_25 = vector.broadcast %sub3A : i32 to vector<128x4xi32>
    %sub3A_26 = arith.subi %div3A_4, %sub3A_25 : vector<128x4xi32>
    %select_n3A = arith.select %and3A, %sub3A_26, %div3A_4 : vector<128x4xi1>, vector<128x4xi32>
    %iota3A_27 = tpu.iota {dimensions = array<i32: 1>} : vector<128x4xi32>
    %eq3A = arith.cmpi eq, %select_n3A, %iota3A_27 : vector<128x4xi32>
    %jit3A_28 = arith.constant 1.000000e+00 : f32
    %jit3A_29 = arith.constant 0.000000e+00 : f32
    %broadcast_in_dim3A = vector.broadcast %jit3A_28 : f32 to vector<128x4xf32>
    %broadcast_in_dim3A_30 = vector.broadcast %jit3A_29 : f32 to vector<128x4xf32>
    %select_n3A_31 = arith.select %eq3A, %broadcast_in_dim3A, %broadcast_in_dim3A_30 : vector<128x4xi1>, vector<128x4xf32>
    %iota3A_32 = tpu.iota {dimensions = array<i32: 0>} : vector<4x128xi32>
    %iota3A_33 = tpu.iota {dimensions = array<i32: 1>} : vector<4x128xi32>
    %jit3A_34 = arith.constant 32 : i32
    %div3A_35 = vector.broadcast %jit3A_34 : i32 to vector<4x128xi32>
    %div3A_36 = arith.divsi %iota3A_33, %div3A_35 : vector<4x128xi32>
    %sign3A_37 = arith.constant 0 : i32
    %sign3A_38 = vector.broadcast %sign3A_37 : i32 to vector<4x128xi32>
    %sign3A_39 = arith.cmpi sgt, %iota3A_33, %sign3A_38 : vector<4x128xi32>
    %sign3A_40 = arith.extui %sign3A_39 : vector<4x128xi1> to vector<4x128xi32>
    %sign3A_41 = arith.constant 0 : i32
    %sign3A_42 = vector.broadcast %sign3A_41 : i32 to vector<4x128xi32>
    %sign3A_43 = arith.cmpi slt, %iota3A_33, %sign3A_42 : vector<4x128xi32>
    %sign3A_44 = arith.extui %sign3A_43 : vector<4x128xi1> to vector<4x128xi32>
    %sign3A_45 = arith.subi %sign3A_40, %sign3A_44 : vector<4x128xi32>
    %sign3A_46 = arith.constant 0 : i32
    %sign3A_47 = arith.cmpi sgt, %jit3A_34, %sign3A_46 : i32
    %sign3A_48 = arith.extui %sign3A_47 : i1 to i32
    %sign3A_49 = arith.constant 0 : i32
    %sign3A_50 = arith.cmpi slt, %jit3A_34, %sign3A_49 : i32
    %sign3A_51 = arith.extui %sign3A_50 : i1 to i32
    %sign3A_52 = arith.subi %sign3A_48, %sign3A_51 : i32
    %ne3A_53 = vector.broadcast %sign3A_52 : i32 to vector<4x128xi32>
    %ne3A_54 = arith.cmpi ne, %sign3A_45, %ne3A_53 : vector<4x128xi32>
    %rem3A_55 = vector.broadcast %jit3A_34 : i32 to vector<4x128xi32>
    %rem3A_56 = arith.remsi %iota3A_33, %rem3A_55 : vector<4x128xi32>
    %ne3A_57 = arith.constant 0 : i32
    %ne3A_58 = vector.broadcast %ne3A_57 : i32 to vector<4x128xi32>
    %ne3A_59 = arith.cmpi ne, %rem3A_56, %ne3A_58 : vector<4x128xi32>
    %and3A_60 = arith.andi %ne3A_54, %ne3A_59 : vector<4x128xi1>
    %sub3A_61 = arith.constant 1 : i32
    %sub3A_62 = vector.broadcast %sub3A_61 : i32 to vector<4x128xi32>
    %sub3A_63 = arith.subi %div3A_36, %sub3A_62 : vector<4x128xi32>
    %select_n3A_64 = arith.select %and3A_60, %sub3A_63, %div3A_36 : vector<4x128xi1>, vector<4x128xi32>
    %eq3A_65 = arith.cmpi eq, %iota3A_32, %select_n3A_64 : vector<4x128xi32>
    %jit3A_66 = arith.constant 1.000000e+00 : f32
    %jit3A_67 = arith.constant 0.000000e+00 : f32
    %broadcast_in_dim3A_68 = vector.broadcast %jit3A_66 : f32 to vector<4x128xf32>
    %broadcast_in_dim3A_69 = vector.broadcast %jit3A_67 : f32 to vector<4x128xf32>
    %select_n3A_70 = arith.select %eq3A_65, %broadcast_in_dim3A_68, %broadcast_in_dim3A_69 : vector<4x128xi1>, vector<4x128xf32>
    %get3A_71 = arith.constant 0 : index
    %get3A_72 = arith.constant 0 : index
    %get3A_73 = arith.constant 0 : index
    %get3A_74 = vector.load %arg1[%get3A_71, %get3A_72, %get3A_73] : memref<2x2000x128xf32, #tpu.memory_space<vmem>>, vector<1x2000x128xf32>
    %get3A_75 = vector.shape_cast %get3A_74 : vector<1x2000x128xf32> to vector<2000x128xf32>
    %mul3A = vector.broadcast %rsqrt3A : vector<2000x1xf32> to vector<2000x128xf32>
    %mul3A_76 = arith.mulf %get3A_75, %mul3A : vector<2000x128xf32>
    %get3A_77 = arith.constant 0 : index
    %get3A_78 = arith.constant 0 : index
    %get3A_79 = vector.load %arg3[%get3A_77, %get3A_78] : memref<1x256xf32, #tpu.memory_space<vmem>>, vector<1x128xf32>
    %add3A_80 = vector.broadcast %get3A_79 : vector<1x128xf32> to vector<2000x128xf32>
    %add3A_81 = arith.addf %mul3A_76, %add3A_80 : vector<2000x128xf32>
    %dot_general3A = arith.constant dense<0.000000e+00> : vector<2000x4xf32>
    %dot_general3A_82 = tpu.matmul %add3A_81, %select_n3A_31, %dot_general3A {dimension_numbers = #tpu.dot_dimension_numbers<[1], [0], [0], [1], [0, 0, 1, 1], [], []>, transpose_lhs_hint = false} : vector<2000x128xf32>, vector<128x4xf32>, vector<2000x4xf32> -> vector<2000x4xf32>
    %mul3A_83 = arith.constant 3.125000e-02 : f32
    %mul3A_84 = vector.broadcast %mul3A_83 : f32 to vector<2000x4xf32>
    %mul3A_85 = arith.mulf %dot_general3A_82, %mul3A_84 : vector<2000x4xf32>
    %dot_general3A_86 = arith.constant dense<0.000000e+00> : vector<2000x128xf32>
    %dot_general3A_87 = tpu.matmul %mul3A_85, %select_n3A_70, %dot_general3A_86 {dimension_numbers = #tpu.dot_dimension_numbers<[1], [0], [0], [1], [0, 0, 1, 1], [], []>, transpose_lhs_hint = false} : vector<2000x4xf32>, vector<4x128xf32>, vector<2000x128xf32> -> vector<2000x128xf32>
    %mul3A_88 = arith.mulf %add3A_81, %add3A_81 : vector<2000x128xf32>
    %dot_general3A_89 = arith.constant dense<0.000000e+00> : vector<2000x4xf32>
    %dot_general3A_90 = tpu.matmul %mul3A_88, %select_n3A_31, %dot_general3A_89 {dimension_numbers = #tpu.dot_dimension_numbers<[1], [0], [0], [1], [0, 0, 1, 1], [], []>, transpose_lhs_hint = false} : vector<2000x128xf32>, vector<128x4xf32>, vector<2000x4xf32> -> vector<2000x4xf32>
    %mul3A_91 = arith.constant 3.125000e-02 : f32
    %mul3A_92 = vector.broadcast %mul3A_91 : f32 to vector<2000x4xf32>
    %mul3A_93 = arith.mulf %dot_general3A_90, %mul3A_92 : vector<2000x4xf32>
    %dot_general3A_94 = arith.constant dense<0.000000e+00> : vector<2000x128xf32>
    %dot_general3A_95 = tpu.matmul %mul3A_93, %select_n3A_70, %dot_general3A_94 {dimension_numbers = #tpu.dot_dimension_numbers<[1], [0], [0], [1], [0, 0, 1, 1], [], []>, transpose_lhs_hint = false} : vector<2000x4xf32>, vector<4x128xf32>, vector<2000x128xf32> -> vector<2000x128xf32>
    %mul3A_96 = arith.mulf %dot_general3A_87, %dot_general3A_87 : vector<2000x128xf32>
    %sub3A_97 = arith.subf %dot_general3A_95, %mul3A_96 : vector<2000x128xf32>
    %sub3A_98 = arith.subf %add3A_81, %dot_general3A_87 : vector<2000x128xf32>
    %add3A_99 = arith.constant 9.99999974E-6 : f32
    %add3A_100 = vector.broadcast %add3A_99 : f32 to vector<2000x128xf32>
    %add3A_101 = arith.addf %sub3A_97, %add3A_100 : vector<2000x128xf32>
    %rsqrt3A_102 = math.rsqrt %add3A_101 : vector<2000x128xf32>
    %mul3A_103 = arith.mulf %sub3A_98, %rsqrt3A_102 : vector<2000x128xf32>
    %get3A_104 = arith.constant 0 : index
    %get3A_105 = arith.constant 0 : index
    %get3A_106 = vector.load %arg4[%get3A_104, %get3A_105] : memref<1x256xf32, #tpu.memory_space<vmem>>, vector<1x128xf32>
    %mul3A_107 = vector.broadcast %get3A_106 : vector<1x128xf32> to vector<2000x128xf32>
    %mul3A_108 = arith.mulf %mul3A_103, %mul3A_107 : vector<2000x128xf32>
    %get3A_109 = arith.constant 0 : index
    %get3A_110 = arith.constant 0 : index
    %get3A_111 = vector.load %arg5[%get3A_109, %get3A_110] : memref<1x256xf32, #tpu.memory_space<vmem>>, vector<1x128xf32>
    %add3A_112 = vector.broadcast %get3A_111 : vector<1x128xf32> to vector<2000x128xf32>
    %add3A_113 = arith.addf %mul3A_108, %add3A_112 : vector<2000x128xf32>
    %max3A = arith.constant 0.000000e+00 : f32
    %max3A_114 = vector.broadcast %max3A : f32 to vector<2000x128xf32>
    %max3A_115 = arith.maximumf %add3A_113, %max3A_114 : vector<2000x128xf32>
    %get3A_116 = arith.constant 1 : index
    %get3A_117 = arith.constant 0 : index
    %get3A_118 = arith.constant 0 : index
    %get3A_119 = vector.load %arg1[%get3A_116, %get3A_117, %get3A_118] : memref<2x2000x128xf32, #tpu.memory_space<vmem>>, vector<1x2000x128xf32>
    %get3A_120 = vector.shape_cast %get3A_119 : vector<1x2000x128xf32> to vector<2000x128xf32>
    %mul3A_121 = vector.broadcast %rsqrt3A : vector<2000x1xf32> to vector<2000x128xf32>
    %mul3A_122 = arith.mulf %get3A_120, %mul3A_121 : vector<2000x128xf32>
    %get3A_123 = arith.constant 0 : index
    %get3A_124 = arith.constant 128 : index
    %get3A_125 = vector.load %arg3[%get3A_123, %get3A_124] : memref<1x256xf32, #tpu.memory_space<vmem>>, vector<1x128xf32>
    %add3A_126 = vector.broadcast %get3A_125 : vector<1x128xf32> to vector<2000x128xf32>
    %add3A_127 = arith.addf %mul3A_122, %add3A_126 : vector<2000x128xf32>
    %dot_general3A_128 = arith.constant dense<0.000000e+00> : vector<2000x4xf32>
    %dot_general3A_129 = tpu.matmul %add3A_127, %select_n3A_31, %dot_general3A_128 {dimension_numbers = #tpu.dot_dimension_numbers<[1], [0], [0], [1], [0, 0, 1, 1], [], []>, transpose_lhs_hint = false} : vector<2000x128xf32>, vector<128x4xf32>, vector<2000x4xf32> -> vector<2000x4xf32>
    %mul3A_130 = arith.constant 3.125000e-02 : f32
    %mul3A_131 = vector.broadcast %mul3A_130 : f32 to vector<2000x4xf32>
    %mul3A_132 = arith.mulf %dot_general3A_129, %mul3A_131 : vector<2000x4xf32>
    %dot_general3A_133 = arith.constant dense<0.000000e+00> : vector<2000x128xf32>
    %dot_general3A_134 = tpu.matmul %mul3A_132, %select_n3A_70, %dot_general3A_133 {dimension_numbers = #tpu.dot_dimension_numbers<[1], [0], [0], [1], [0, 0, 1, 1], [], []>, transpose_lhs_hint = false} : vector<2000x4xf32>, vector<4x128xf32>, vector<2000x128xf32> -> vector<2000x128xf32>
    %mul3A_135 = arith.mulf %add3A_127, %add3A_127 : vector<2000x128xf32>
    %dot_general3A_136 = arith.constant dense<0.000000e+00> : vector<2000x4xf32>
    %dot_general3A_137 = tpu.matmul %mul3A_135, %select_n3A_31, %dot_general3A_136 {dimension_numbers = #tpu.dot_dimension_numbers<[1], [0], [0], [1], [0, 0, 1, 1], [], []>, transpose_lhs_hint = false} : vector<2000x128xf32>, vector<128x4xf32>, vector<2000x4xf32> -> vector<2000x4xf32>
    %mul3A_138 = arith.constant 3.125000e-02 : f32
    %mul3A_139 = vector.broadcast %mul3A_138 : f32 to vector<2000x4xf32>
    %mul3A_140 = arith.mulf %dot_general3A_137, %mul3A_139 : vector<2000x4xf32>
    %dot_general3A_141 = arith.constant dense<0.000000e+00> : vector<2000x128xf32>
    %dot_general3A_142 = tpu.matmul %mul3A_140, %select_n3A_70, %dot_general3A_141 {dimension_numbers = #tpu.dot_dimension_numbers<[1], [0], [0], [1], [0, 0, 1, 1], [], []>, transpose_lhs_hint = false} : vector<2000x4xf32>, vector<4x128xf32>, vector<2000x128xf32> -> vector<2000x128xf32>
    %mul3A_143 = arith.mulf %dot_general3A_134, %dot_general3A_134 : vector<2000x128xf32>
    %sub3A_144 = arith.subf %dot_general3A_142, %mul3A_143 : vector<2000x128xf32>
    %sub3A_145 = arith.subf %add3A_127, %dot_general3A_134 : vector<2000x128xf32>
    %add3A_146 = arith.constant 9.99999974E-6 : f32
    %add3A_147 = vector.broadcast %add3A_146 : f32 to vector<2000x128xf32>
    %add3A_148 = arith.addf %sub3A_144, %add3A_147 : vector<2000x128xf32>
    %rsqrt3A_149 = math.rsqrt %add3A_148 : vector<2000x128xf32>
    %mul3A_150 = arith.mulf %sub3A_145, %rsqrt3A_149 : vector<2000x128xf32>
    %get3A_151 = arith.constant 0 : index
    %get3A_152 = arith.constant 128 : index
    %get3A_153 = vector.load %arg4[%get3A_151, %get3A_152] : memref<1x256xf32, #tpu.memory_space<vmem>>, vector<1x128xf32>
    %mul3A_154 = vector.broadcast %get3A_153 : vector<1x128xf32> to vector<2000x128xf32>
    %mul3A_155 = arith.mulf %mul3A_150, %mul3A_154 : vector<2000x128xf32>
    %get3A_156 = arith.constant 0 : index
    %get3A_157 = arith.constant 128 : index
    %get3A_158 = vector.load %arg5[%get3A_156, %get3A_157] : memref<1x256xf32, #tpu.memory_space<vmem>>, vector<1x128xf32>
    %add3A_159 = vector.broadcast %get3A_158 : vector<1x128xf32> to vector<2000x128xf32>
    %add3A_160 = arith.addf %mul3A_155, %add3A_159 : vector<2000x128xf32>
    %max3A_161 = arith.constant 0.000000e+00 : f32
    %max3A_162 = vector.broadcast %max3A_161 : f32 to vector<2000x128xf32>
    %max3A_163 = arith.maximumf %add3A_160, %max3A_162 : vector<2000x128xf32>
    %get3A_164 = arith.constant 0 : index
    %get3A_165 = arith.constant 0 : index
    %get3A_166 = vector.load %arg6[%get3A_164, %get3A_165] : memref<256x256xf32, #tpu.memory_space<vmem>>, vector<128x256xf32>
    %convert_element_type3A = arith.truncf %max3A_115 : vector<2000x128xf32> to vector<2000x128xbf16>
    %convert_element_type3A_167 = arith.truncf %get3A_166 : vector<128x256xf32> to vector<128x256xbf16>
    %dot_general3A_168 = arith.constant dense<0.000000e+00> : vector<2000x256xf32>
    %dot_general3A_169 = tpu.matmul %convert_element_type3A, %convert_element_type3A_167, %dot_general3A_168 {dimension_numbers = #tpu.dot_dimension_numbers<[1], [0], [0], [1], [0, 0, 1, 1], [], []>, transpose_lhs_hint = false} : vector<2000x128xbf16>, vector<128x256xbf16>, vector<2000x256xf32> -> vector<2000x256xf32>
    %get3A_170 = arith.constant 128 : index
    %get3A_171 = arith.constant 0 : index
    %get3A_172 = vector.load %arg6[%get3A_170, %get3A_171] : memref<256x256xf32, #tpu.memory_space<vmem>>, vector<128x256xf32>
    %convert_element_type3A_173 = arith.truncf %max3A_163 : vector<2000x128xf32> to vector<2000x128xbf16>
    %convert_element_type3A_174 = arith.truncf %get3A_172 : vector<128x256xf32> to vector<128x256xbf16>
    %dot_general3A_175 = arith.constant dense<0.000000e+00> : vector<2000x256xf32>
    %dot_general3A_176 = tpu.matmul %convert_element_type3A_173, %convert_element_type3A_174, %dot_general3A_175 {dimension_numbers = #tpu.dot_dimension_numbers<[1], [0], [0], [1], [0, 0, 1, 1], [], []>, transpose_lhs_hint = false} : vector<2000x128xbf16>, vector<128x256xbf16>, vector<2000x256xf32> -> vector<2000x256xf32>
    %add3A_177 = arith.addf %dot_general3A_169, %dot_general3A_176 : vector<2000x256xf32>
    %mul3A_178 = vector.broadcast %rsqrt3A : vector<2000x1xf32> to vector<2000x256xf32>
    %mul3A_179 = arith.mulf %add3A_177, %mul3A_178 : vector<2000x256xf32>
    %slice3A = vector.extract_strided_slice %mul3A_179 {offsets = [0, 0], sizes = [2000, 128], strides = [1, 1]} : vector<2000x256xf32> to vector<2000x128xf32>
    %swap3A = arith.constant 0 : index
    %swap3A_180 = arith.constant 0 : index
    %swap3A_181 = arith.constant 0 : index
    %swap3A_182 = vector.load %arg7[%swap3A, %swap3A_180, %swap3A_181] : memref<2x2000x128xf32, #tpu.memory_space<vmem>>, vector<1x2000x128xf32>
    %swap3A_183 = vector.shape_cast %swap3A_182 : vector<1x2000x128xf32> to vector<2000x128xf32>
    %swap3A_184 = vector.shape_cast %slice3A : vector<2000x128xf32> to vector<1x2000x128xf32>
    tpu.vector_store %arg7[%swap3A, %swap3A_180, %swap3A_181], %swap3A_184 {strides = array<i32>} : memref<2x2000x128xf32, #tpu.memory_space<vmem>>, vector<1x2000x128xf32>,
    %slice3A_185 = vector.extract_strided_slice %mul3A_179 {offsets = [0, 128], sizes = [2000, 128], strides = [1, 1]} : vector<2000x256xf32> to vector<2000x128xf32>
    %swap3A_186 = arith.constant 1 : index
    %swap3A_187 = arith.constant 0 : index
    %swap3A_188 = arith.constant 0 : index
    %swap3A_189 = vector.load %arg7[%swap3A_186, %swap3A_187, %swap3A_188] : memref<2x2000x128xf32, #tpu.memory_space<vmem>>, vector<1x2000x128xf32>
    %swap3A_190 = vector.shape_cast %swap3A_189 : vector<1x2000x128xf32> to vector<2000x128xf32>
    %swap3A_191 = vector.shape_cast %slice3A_185 : vector<2000x128xf32> to vector<1x2000x128xf32>
    tpu.vector_store %arg7[%swap3A_186, %swap3A_187, %swap3A_188], %swap3A_191 {strides = array<i32>} : memref<2x2000x128xf32, #tpu.memory_space<vmem>>, vector<1x2000x128xf32>,
    return
  }
  func.func @transform_0(%arg0: i32) -> (i32, i32, i32) {
    %c0_i32 = arith.constant 0 : i32
    %c0_i32_0 = arith.constant 0 : i32
    %c0_i32_1 = arith.constant 0 : i32
    return %c0_i32, %arg0, %c0_i32_0 : i32, i32, i32
  }
  func.func @transform_1(%arg0: i32) -> (i32, i32) {
    %c0_i32 = arith.constant 0 : i32
    %c0_i32_0 = arith.constant 0 : i32
    return %arg0, %c0_i32 : i32, i32
  }
  func.func @transform_2(%arg0: i32) -> (i32, i32) {
    %c0_i32 = arith.constant 0 : i32
    %c0_i32_0 = arith.constant 0 : i32
    %c0_i32_1 = arith.constant 0 : i32
    return %c0_i32, %c0_i32_0 : i32, i32
  }
  func.func @transform_3(%arg0: i32) -> (i32, i32) {
    %c0_i32 = arith.constant 0 : i32
    %c0_i32_0 = arith.constant 0 : i32
    %c0_i32_1 = arith.constant 0 : i32
    return %c0_i32, %c0_i32_0 : i32, i32
  }
  func.func @transform_4(%arg0: i32) -> (i32, i32) {
    %c0_i32 = arith.constant 0 : i32
    %c0_i32_0 = arith.constant 0 : i32
    %c0_i32_1 = arith.constant 0 : i32
    return %c0_i32, %c0_i32_0 : i32, i32
  }
  func.func @transform_5(%arg0: i32) -> (i32, i32) {
    %c0_i32 = arith.constant 0 : i32
    %c0_i32_0 = arith.constant 0 : i32
    %c0_i32_1 = arith.constant 0 : i32
    return %c0_i32, %c0_i32_0 : i32, i32
  }
  func.func @transform_6(%arg0: i32) -> (i32, i32, i32) {
    %c0_i32 = arith.constant 0 : i32
    %c0_i32_0 = arith.constant 0 : i32
    %c0_i32_1 = arith.constant 0 : i32
    return %c0_i32, %arg0, %c0_i32_0 : i32, i32, i32
  }
}

module attributes {stable_mosaic.version = 14 : i64} {
  func.func @_tc_mid_body(%arg0: i32, %arg1: memref<2x2000x128xf32, #tpu.memory_space<vmem>>, %arg2: memref<2000x16xf32, #tpu.memory_space<vmem>>, %arg3: memref<1x256xf32, #tpu.memory_space<vmem>>, %arg4: memref<1x256xf32, #tpu.memory_space<vmem>>, %arg5: memref<1x256xf32, #tpu.memory_space<vmem>>, %arg6: memref<256x64xf32, #tpu.memory_space<vmem>>, %arg7: memref<2x2000x32xf32, #tpu.memory_space<vmem>>) attributes {dimension_semantics = [#tpu.dimension_semantics<arbitrary>], iteration_bounds = array<i64: 5>, scalar_prefetch = 0 : i64, scratch_operands = 0 : i64, tpu.core_type = #tpu.core_type<tc>, window_params = [{transform_indices = @transform_0, window_bounds = array<i64: 2, 2000, 128>}, {transform_indices = @transform_1, window_bounds = array<i64: 2000, 16>}, {pipeline_mode = #tpu.pipeline_mode<synchronous>, transform_indices = @transform_2, window_bounds = array<i64: 1, 256>}, {pipeline_mode = #tpu.pipeline_mode<synchronous>, transform_indices = @transform_3, window_bounds = array<i64: 1, 256>}, {pipeline_mode = #tpu.pipeline_mode<synchronous>, transform_indices = @transform_4, window_bounds = array<i64: 1, 256>}, {pipeline_mode = #tpu.pipeline_mode<synchronous>, transform_indices = @transform_5, window_bounds = array<i64: 256, 64>}, {transform_indices = @transform_6, window_bounds = array<i64: 2, 2000, 32>}]} {
    %get3A = arith.constant 0 : index
    %get3A_0 = arith.constant 0 : index
    %get3A_1 = vector.load %arg2[%get3A, %get3A_0] : memref<2000x16xf32, #tpu.memory_space<vmem>>, vector<2000x1xf32>
    %add3A = arith.constant 1.000000e+00 : f32
    %add3A_2 = vector.broadcast %add3A : f32 to vector<2000x1xf32>
    %add3A_3 = arith.addf %get3A_1, %add3A_2 : vector<2000x1xf32>
    %rsqrt3A = math.rsqrt %add3A_3 : vector<2000x1xf32>
    %iota3A = tpu.iota {dimensions = array<i32: 0>} : vector<128x4xi32>
    %jit3A = arith.constant 32 : i32
    %div3A = vector.broadcast %jit3A : i32 to vector<128x4xi32>
    %div3A_4 = arith.divsi %iota3A, %div3A : vector<128x4xi32>
    %sign3A = arith.constant 0 : i32
    %sign3A_5 = vector.broadcast %sign3A : i32 to vector<128x4xi32>
    %sign3A_6 = arith.cmpi sgt, %iota3A, %sign3A_5 : vector<128x4xi32>
    %sign3A_7 = arith.extui %sign3A_6 : vector<128x4xi1> to vector<128x4xi32>
    %sign3A_8 = arith.constant 0 : i32
    %sign3A_9 = vector.broadcast %sign3A_8 : i32 to vector<128x4xi32>
    %sign3A_10 = arith.cmpi slt, %iota3A, %sign3A_9 : vector<128x4xi32>
    %sign3A_11 = arith.extui %sign3A_10 : vector<128x4xi1> to vector<128x4xi32>
    %sign3A_12 = arith.subi %sign3A_7, %sign3A_11 : vector<128x4xi32>
    %sign3A_13 = arith.constant 0 : i32
    %sign3A_14 = arith.cmpi sgt, %jit3A, %sign3A_13 : i32
    %sign3A_15 = arith.extui %sign3A_14 : i1 to i32
    %sign3A_16 = arith.constant 0 : i32
    %sign3A_17 = arith.cmpi slt, %jit3A, %sign3A_16 : i32
    %sign3A_18 = arith.extui %sign3A_17 : i1 to i32
    %sign3A_19 = arith.subi %sign3A_15, %sign3A_18 : i32
    %ne3A = vector.broadcast %sign3A_19 : i32 to vector<128x4xi32>
    %ne3A_20 = arith.cmpi ne, %sign3A_12, %ne3A : vector<128x4xi32>
    %rem3A = vector.broadcast %jit3A : i32 to vector<128x4xi32>
    %rem3A_21 = arith.remsi %iota3A, %rem3A : vector<128x4xi32>
    %ne3A_22 = arith.constant 0 : i32
    %ne3A_23 = vector.broadcast %ne3A_22 : i32 to vector<128x4xi32>
    %ne3A_24 = arith.cmpi ne, %rem3A_21, %ne3A_23 : vector<128x4xi32>
    %and3A = arith.andi %ne3A_20, %ne3A_24 : vector<128x4xi1>
    %sub3A = arith.constant 1 : i32
    %sub3A_25 = vector.broadcast %sub3A : i32 to vector<128x4xi32>
    %sub3A_26 = arith.subi %div3A_4, %sub3A_25 : vector<128x4xi32>
    %select_n3A = arith.select %and3A, %sub3A_26, %div3A_4 : vector<128x4xi1>, vector<128x4xi32>
    %iota3A_27 = tpu.iota {dimensions = array<i32: 1>} : vector<128x4xi32>
    %eq3A = arith.cmpi eq, %select_n3A, %iota3A_27 : vector<128x4xi32>
    %jit3A_28 = arith.constant 1.000000e+00 : f32
    %jit3A_29 = arith.constant 0.000000e+00 : f32
    %broadcast_in_dim3A = vector.broadcast %jit3A_28 : f32 to vector<128x4xf32>
    %broadcast_in_dim3A_30 = vector.broadcast %jit3A_29 : f32 to vector<128x4xf32>
    %select_n3A_31 = arith.select %eq3A, %broadcast_in_dim3A, %broadcast_in_dim3A_30 : vector<128x4xi1>, vector<128x4xf32>
    %iota3A_32 = tpu.iota {dimensions = array<i32: 0>} : vector<4x128xi32>
    %iota3A_33 = tpu.iota {dimensions = array<i32: 1>} : vector<4x128xi32>
    %jit3A_34 = arith.constant 32 : i32
    %div3A_35 = vector.broadcast %jit3A_34 : i32 to vector<4x128xi32>
    %div3A_36 = arith.divsi %iota3A_33, %div3A_35 : vector<4x128xi32>
    %sign3A_37 = arith.constant 0 : i32
    %sign3A_38 = vector.broadcast %sign3A_37 : i32 to vector<4x128xi32>
    %sign3A_39 = arith.cmpi sgt, %iota3A_33, %sign3A_38 : vector<4x128xi32>
    %sign3A_40 = arith.extui %sign3A_39 : vector<4x128xi1> to vector<4x128xi32>
    %sign3A_41 = arith.constant 0 : i32
    %sign3A_42 = vector.broadcast %sign3A_41 : i32 to vector<4x128xi32>
    %sign3A_43 = arith.cmpi slt, %iota3A_33, %sign3A_42 : vector<4x128xi32>
    %sign3A_44 = arith.extui %sign3A_43 : vector<4x128xi1> to vector<4x128xi32>
    %sign3A_45 = arith.subi %sign3A_40, %sign3A_44 : vector<4x128xi32>
    %sign3A_46 = arith.constant 0 : i32
    %sign3A_47 = arith.cmpi sgt, %jit3A_34, %sign3A_46 : i32
    %sign3A_48 = arith.extui %sign3A_47 : i1 to i32
    %sign3A_49 = arith.constant 0 : i32
    %sign3A_50 = arith.cmpi slt, %jit3A_34, %sign3A_49 : i32
    %sign3A_51 = arith.extui %sign3A_50 : i1 to i32
    %sign3A_52 = arith.subi %sign3A_48, %sign3A_51 : i32
    %ne3A_53 = vector.broadcast %sign3A_52 : i32 to vector<4x128xi32>
    %ne3A_54 = arith.cmpi ne, %sign3A_45, %ne3A_53 : vector<4x128xi32>
    %rem3A_55 = vector.broadcast %jit3A_34 : i32 to vector<4x128xi32>
    %rem3A_56 = arith.remsi %iota3A_33, %rem3A_55 : vector<4x128xi32>
    %ne3A_57 = arith.constant 0 : i32
    %ne3A_58 = vector.broadcast %ne3A_57 : i32 to vector<4x128xi32>
    %ne3A_59 = arith.cmpi ne, %rem3A_56, %ne3A_58 : vector<4x128xi32>
    %and3A_60 = arith.andi %ne3A_54, %ne3A_59 : vector<4x128xi1>
    %sub3A_61 = arith.constant 1 : i32
    %sub3A_62 = vector.broadcast %sub3A_61 : i32 to vector<4x128xi32>
    %sub3A_63 = arith.subi %div3A_36, %sub3A_62 : vector<4x128xi32>
    %select_n3A_64 = arith.select %and3A_60, %sub3A_63, %div3A_36 : vector<4x128xi1>, vector<4x128xi32>
    %eq3A_65 = arith.cmpi eq, %iota3A_32, %select_n3A_64 : vector<4x128xi32>
    %jit3A_66 = arith.constant 1.000000e+00 : f32
    %jit3A_67 = arith.constant 0.000000e+00 : f32
    %broadcast_in_dim3A_68 = vector.broadcast %jit3A_66 : f32 to vector<4x128xf32>
    %broadcast_in_dim3A_69 = vector.broadcast %jit3A_67 : f32 to vector<4x128xf32>
    %select_n3A_70 = arith.select %eq3A_65, %broadcast_in_dim3A_68, %broadcast_in_dim3A_69 : vector<4x128xi1>, vector<4x128xf32>
    %get3A_71 = arith.constant 0 : index
    %get3A_72 = arith.constant 0 : index
    %get3A_73 = arith.constant 0 : index
    %get3A_74 = vector.load %arg1[%get3A_71, %get3A_72, %get3A_73] : memref<2x2000x128xf32, #tpu.memory_space<vmem>>, vector<1x2000x128xf32>
    %get3A_75 = vector.shape_cast %get3A_74 : vector<1x2000x128xf32> to vector<2000x128xf32>
    %mul3A = vector.broadcast %rsqrt3A : vector<2000x1xf32> to vector<2000x128xf32>
    %mul3A_76 = arith.mulf %get3A_75, %mul3A : vector<2000x128xf32>
    %get3A_77 = arith.constant 0 : index
    %get3A_78 = arith.constant 0 : index
    %get3A_79 = vector.load %arg3[%get3A_77, %get3A_78] : memref<1x256xf32, #tpu.memory_space<vmem>>, vector<1x128xf32>
    %add3A_80 = vector.broadcast %get3A_79 : vector<1x128xf32> to vector<2000x128xf32>
    %add3A_81 = arith.addf %mul3A_76, %add3A_80 : vector<2000x128xf32>
    %dot_general3A = arith.constant dense<0.000000e+00> : vector<2000x4xf32>
    %dot_general3A_82 = tpu.matmul %add3A_81, %select_n3A_31, %dot_general3A {dimension_numbers = #tpu.dot_dimension_numbers<[1], [0], [0], [1], [0, 0, 1, 1], [], []>, transpose_lhs_hint = false} : vector<2000x128xf32>, vector<128x4xf32>, vector<2000x4xf32> -> vector<2000x4xf32>
    %mul3A_83 = arith.constant 3.125000e-02 : f32
    %mul3A_84 = vector.broadcast %mul3A_83 : f32 to vector<2000x4xf32>
    %mul3A_85 = arith.mulf %dot_general3A_82, %mul3A_84 : vector<2000x4xf32>
    %dot_general3A_86 = arith.constant dense<0.000000e+00> : vector<2000x128xf32>
    %dot_general3A_87 = tpu.matmul %mul3A_85, %select_n3A_70, %dot_general3A_86 {dimension_numbers = #tpu.dot_dimension_numbers<[1], [0], [0], [1], [0, 0, 1, 1], [], []>, transpose_lhs_hint = false} : vector<2000x4xf32>, vector<4x128xf32>, vector<2000x128xf32> -> vector<2000x128xf32>
    %mul3A_88 = arith.mulf %add3A_81, %add3A_81 : vector<2000x128xf32>
    %dot_general3A_89 = arith.constant dense<0.000000e+00> : vector<2000x4xf32>
    %dot_general3A_90 = tpu.matmul %mul3A_88, %select_n3A_31, %dot_general3A_89 {dimension_numbers = #tpu.dot_dimension_numbers<[1], [0], [0], [1], [0, 0, 1, 1], [], []>, transpose_lhs_hint = false} : vector<2000x128xf32>, vector<128x4xf32>, vector<2000x4xf32> -> vector<2000x4xf32>
    %mul3A_91 = arith.constant 3.125000e-02 : f32
    %mul3A_92 = vector.broadcast %mul3A_91 : f32 to vector<2000x4xf32>
    %mul3A_93 = arith.mulf %dot_general3A_90, %mul3A_92 : vector<2000x4xf32>
    %dot_general3A_94 = arith.constant dense<0.000000e+00> : vector<2000x128xf32>
    %dot_general3A_95 = tpu.matmul %mul3A_93, %select_n3A_70, %dot_general3A_94 {dimension_numbers = #tpu.dot_dimension_numbers<[1], [0], [0], [1], [0, 0, 1, 1], [], []>, transpose_lhs_hint = false} : vector<2000x4xf32>, vector<4x128xf32>, vector<2000x128xf32> -> vector<2000x128xf32>
    %mul3A_96 = arith.mulf %dot_general3A_87, %dot_general3A_87 : vector<2000x128xf32>
    %sub3A_97 = arith.subf %dot_general3A_95, %mul3A_96 : vector<2000x128xf32>
    %sub3A_98 = arith.subf %add3A_81, %dot_general3A_87 : vector<2000x128xf32>
    %add3A_99 = arith.constant 9.99999974E-6 : f32
    %add3A_100 = vector.broadcast %add3A_99 : f32 to vector<2000x128xf32>
    %add3A_101 = arith.addf %sub3A_97, %add3A_100 : vector<2000x128xf32>
    %rsqrt3A_102 = math.rsqrt %add3A_101 : vector<2000x128xf32>
    %mul3A_103 = arith.mulf %sub3A_98, %rsqrt3A_102 : vector<2000x128xf32>
    %get3A_104 = arith.constant 0 : index
    %get3A_105 = arith.constant 0 : index
    %get3A_106 = vector.load %arg4[%get3A_104, %get3A_105] : memref<1x256xf32, #tpu.memory_space<vmem>>, vector<1x128xf32>
    %mul3A_107 = vector.broadcast %get3A_106 : vector<1x128xf32> to vector<2000x128xf32>
    %mul3A_108 = arith.mulf %mul3A_103, %mul3A_107 : vector<2000x128xf32>
    %get3A_109 = arith.constant 0 : index
    %get3A_110 = arith.constant 0 : index
    %get3A_111 = vector.load %arg5[%get3A_109, %get3A_110] : memref<1x256xf32, #tpu.memory_space<vmem>>, vector<1x128xf32>
    %add3A_112 = vector.broadcast %get3A_111 : vector<1x128xf32> to vector<2000x128xf32>
    %add3A_113 = arith.addf %mul3A_108, %add3A_112 : vector<2000x128xf32>
    %max3A = arith.constant 0.000000e+00 : f32
    %max3A_114 = vector.broadcast %max3A : f32 to vector<2000x128xf32>
    %max3A_115 = arith.maximumf %add3A_113, %max3A_114 : vector<2000x128xf32>
    %get3A_116 = arith.constant 1 : index
    %get3A_117 = arith.constant 0 : index
    %get3A_118 = arith.constant 0 : index
    %get3A_119 = vector.load %arg1[%get3A_116, %get3A_117, %get3A_118] : memref<2x2000x128xf32, #tpu.memory_space<vmem>>, vector<1x2000x128xf32>
    %get3A_120 = vector.shape_cast %get3A_119 : vector<1x2000x128xf32> to vector<2000x128xf32>
    %mul3A_121 = vector.broadcast %rsqrt3A : vector<2000x1xf32> to vector<2000x128xf32>
    %mul3A_122 = arith.mulf %get3A_120, %mul3A_121 : vector<2000x128xf32>
    %get3A_123 = arith.constant 0 : index
    %get3A_124 = arith.constant 128 : index
    %get3A_125 = vector.load %arg3[%get3A_123, %get3A_124] : memref<1x256xf32, #tpu.memory_space<vmem>>, vector<1x128xf32>
    %add3A_126 = vector.broadcast %get3A_125 : vector<1x128xf32> to vector<2000x128xf32>
    %add3A_127 = arith.addf %mul3A_122, %add3A_126 : vector<2000x128xf32>
    %dot_general3A_128 = arith.constant dense<0.000000e+00> : vector<2000x4xf32>
    %dot_general3A_129 = tpu.matmul %add3A_127, %select_n3A_31, %dot_general3A_128 {dimension_numbers = #tpu.dot_dimension_numbers<[1], [0], [0], [1], [0, 0, 1, 1], [], []>, transpose_lhs_hint = false} : vector<2000x128xf32>, vector<128x4xf32>, vector<2000x4xf32> -> vector<2000x4xf32>
    %mul3A_130 = arith.constant 3.125000e-02 : f32
    %mul3A_131 = vector.broadcast %mul3A_130 : f32 to vector<2000x4xf32>
    %mul3A_132 = arith.mulf %dot_general3A_129, %mul3A_131 : vector<2000x4xf32>
    %dot_general3A_133 = arith.constant dense<0.000000e+00> : vector<2000x128xf32>
    %dot_general3A_134 = tpu.matmul %mul3A_132, %select_n3A_70, %dot_general3A_133 {dimension_numbers = #tpu.dot_dimension_numbers<[1], [0], [0], [1], [0, 0, 1, 1], [], []>, transpose_lhs_hint = false} : vector<2000x4xf32>, vector<4x128xf32>, vector<2000x128xf32> -> vector<2000x128xf32>
    %mul3A_135 = arith.mulf %add3A_127, %add3A_127 : vector<2000x128xf32>
    %dot_general3A_136 = arith.constant dense<0.000000e+00> : vector<2000x4xf32>
    %dot_general3A_137 = tpu.matmul %mul3A_135, %select_n3A_31, %dot_general3A_136 {dimension_numbers = #tpu.dot_dimension_numbers<[1], [0], [0], [1], [0, 0, 1, 1], [], []>, transpose_lhs_hint = false} : vector<2000x128xf32>, vector<128x4xf32>, vector<2000x4xf32> -> vector<2000x4xf32>
    %mul3A_138 = arith.constant 3.125000e-02 : f32
    %mul3A_139 = vector.broadcast %mul3A_138 : f32 to vector<2000x4xf32>
    %mul3A_140 = arith.mulf %dot_general3A_137, %mul3A_139 : vector<2000x4xf32>
    %dot_general3A_141 = arith.constant dense<0.000000e+00> : vector<2000x128xf32>
    %dot_general3A_142 = tpu.matmul %mul3A_140, %select_n3A_70, %dot_general3A_141 {dimension_numbers = #tpu.dot_dimension_numbers<[1], [0], [0], [1], [0, 0, 1, 1], [], []>, transpose_lhs_hint = false} : vector<2000x4xf32>, vector<4x128xf32>, vector<2000x128xf32> -> vector<2000x128xf32>
    %mul3A_143 = arith.mulf %dot_general3A_134, %dot_general3A_134 : vector<2000x128xf32>
    %sub3A_144 = arith.subf %dot_general3A_142, %mul3A_143 : vector<2000x128xf32>
    %sub3A_145 = arith.subf %add3A_127, %dot_general3A_134 : vector<2000x128xf32>
    %add3A_146 = arith.constant 9.99999974E-6 : f32
    %add3A_147 = vector.broadcast %add3A_146 : f32 to vector<2000x128xf32>
    %add3A_148 = arith.addf %sub3A_144, %add3A_147 : vector<2000x128xf32>
    %rsqrt3A_149 = math.rsqrt %add3A_148 : vector<2000x128xf32>
    %mul3A_150 = arith.mulf %sub3A_145, %rsqrt3A_149 : vector<2000x128xf32>
    %get3A_151 = arith.constant 0 : index
    %get3A_152 = arith.constant 128 : index
    %get3A_153 = vector.load %arg4[%get3A_151, %get3A_152] : memref<1x256xf32, #tpu.memory_space<vmem>>, vector<1x128xf32>
    %mul3A_154 = vector.broadcast %get3A_153 : vector<1x128xf32> to vector<2000x128xf32>
    %mul3A_155 = arith.mulf %mul3A_150, %mul3A_154 : vector<2000x128xf32>
    %get3A_156 = arith.constant 0 : index
    %get3A_157 = arith.constant 128 : index
    %get3A_158 = vector.load %arg5[%get3A_156, %get3A_157] : memref<1x256xf32, #tpu.memory_space<vmem>>, vector<1x128xf32>
    %add3A_159 = vector.broadcast %get3A_158 : vector<1x128xf32> to vector<2000x128xf32>
    %add3A_160 = arith.addf %mul3A_155, %add3A_159 : vector<2000x128xf32>
    %max3A_161 = arith.constant 0.000000e+00 : f32
    %max3A_162 = vector.broadcast %max3A_161 : f32 to vector<2000x128xf32>
    %max3A_163 = arith.maximumf %add3A_160, %max3A_162 : vector<2000x128xf32>
    %get3A_164 = arith.constant 0 : index
    %get3A_165 = arith.constant 0 : index
    %get3A_166 = vector.load %arg6[%get3A_164, %get3A_165] : memref<256x64xf32, #tpu.memory_space<vmem>>, vector<128x64xf32>
    %convert_element_type3A = arith.truncf %max3A_115 : vector<2000x128xf32> to vector<2000x128xbf16>
    %convert_element_type3A_167 = arith.truncf %get3A_166 : vector<128x64xf32> to vector<128x64xbf16>
    %dot_general3A_168 = arith.constant dense<0.000000e+00> : vector<2000x64xf32>
    %dot_general3A_169 = tpu.matmul %convert_element_type3A, %convert_element_type3A_167, %dot_general3A_168 {dimension_numbers = #tpu.dot_dimension_numbers<[1], [0], [0], [1], [0, 0, 1, 1], [], []>, transpose_lhs_hint = false} : vector<2000x128xbf16>, vector<128x64xbf16>, vector<2000x64xf32> -> vector<2000x64xf32>
    %get3A_170 = arith.constant 128 : index
    %get3A_171 = arith.constant 0 : index
    %get3A_172 = vector.load %arg6[%get3A_170, %get3A_171] : memref<256x64xf32, #tpu.memory_space<vmem>>, vector<128x64xf32>
    %convert_element_type3A_173 = arith.truncf %max3A_163 : vector<2000x128xf32> to vector<2000x128xbf16>
    %convert_element_type3A_174 = arith.truncf %get3A_172 : vector<128x64xf32> to vector<128x64xbf16>
    %dot_general3A_175 = arith.constant dense<0.000000e+00> : vector<2000x64xf32>
    %dot_general3A_176 = tpu.matmul %convert_element_type3A_173, %convert_element_type3A_174, %dot_general3A_175 {dimension_numbers = #tpu.dot_dimension_numbers<[1], [0], [0], [1], [0, 0, 1, 1], [], []>, transpose_lhs_hint = false} : vector<2000x128xbf16>, vector<128x64xbf16>, vector<2000x64xf32> -> vector<2000x64xf32>
    %add3A_177 = arith.addf %dot_general3A_169, %dot_general3A_176 : vector<2000x64xf32>
    %mul3A_178 = vector.broadcast %rsqrt3A : vector<2000x1xf32> to vector<2000x64xf32>
    %mul3A_179 = arith.mulf %add3A_177, %mul3A_178 : vector<2000x64xf32>
    %slice3A = vector.extract_strided_slice %mul3A_179 {offsets = [0, 0], sizes = [2000, 32], strides = [1, 1]} : vector<2000x64xf32> to vector<2000x32xf32>
    %swap3A = arith.constant 0 : index
    %swap3A_180 = arith.constant 0 : index
    %swap3A_181 = arith.constant 0 : index
    %swap3A_182 = vector.load %arg7[%swap3A, %swap3A_180, %swap3A_181] : memref<2x2000x32xf32, #tpu.memory_space<vmem>>, vector<1x2000x32xf32>
    %swap3A_183 = vector.shape_cast %swap3A_182 : vector<1x2000x32xf32> to vector<2000x32xf32>
    %swap3A_184 = vector.shape_cast %slice3A : vector<2000x32xf32> to vector<1x2000x32xf32>
    tpu.vector_store %arg7[%swap3A, %swap3A_180, %swap3A_181], %swap3A_184 {strides = array<i32>} : memref<2x2000x32xf32, #tpu.memory_space<vmem>>, vector<1x2000x32xf32>,
    %slice3A_185 = vector.extract_strided_slice %mul3A_179 {offsets = [0, 32], sizes = [2000, 32], strides = [1, 1]} : vector<2000x64xf32> to vector<2000x32xf32>
    %swap3A_186 = arith.constant 1 : index
    %swap3A_187 = arith.constant 0 : index
    %swap3A_188 = arith.constant 0 : index
    %swap3A_189 = vector.load %arg7[%swap3A_186, %swap3A_187, %swap3A_188] : memref<2x2000x32xf32, #tpu.memory_space<vmem>>, vector<1x2000x32xf32>
    %swap3A_190 = vector.shape_cast %swap3A_189 : vector<1x2000x32xf32> to vector<2000x32xf32>
    %swap3A_191 = vector.shape_cast %slice3A_185 : vector<2000x32xf32> to vector<1x2000x32xf32>
    tpu.vector_store %arg7[%swap3A_186, %swap3A_187, %swap3A_188], %swap3A_191 {strides = array<i32>} : memref<2x2000x32xf32, #tpu.memory_space<vmem>>, vector<1x2000x32xf32>,
    return
  }
  func.func @transform_0(%arg0: i32) -> (i32, i32, i32) {
    %c0_i32 = arith.constant 0 : i32
    %c0_i32_0 = arith.constant 0 : i32
    %c0_i32_1 = arith.constant 0 : i32
    return %c0_i32, %arg0, %c0_i32_0 : i32, i32, i32
  }
  func.func @transform_1(%arg0: i32) -> (i32, i32) {
    %c0_i32 = arith.constant 0 : i32
    %c0_i32_0 = arith.constant 0 : i32
    return %arg0, %c0_i32 : i32, i32
  }
  func.func @transform_2(%arg0: i32) -> (i32, i32) {
    %c0_i32 = arith.constant 0 : i32
    %c0_i32_0 = arith.constant 0 : i32
    %c0_i32_1 = arith.constant 0 : i32
    return %c0_i32, %c0_i32_0 : i32, i32
  }
  func.func @transform_3(%arg0: i32) -> (i32, i32) {
    %c0_i32 = arith.constant 0 : i32
    %c0_i32_0 = arith.constant 0 : i32
    %c0_i32_1 = arith.constant 0 : i32
    return %c0_i32, %c0_i32_0 : i32, i32
  }
  func.func @transform_4(%arg0: i32) -> (i32, i32) {
    %c0_i32 = arith.constant 0 : i32
    %c0_i32_0 = arith.constant 0 : i32
    %c0_i32_1 = arith.constant 0 : i32
    return %c0_i32, %c0_i32_0 : i32, i32
  }
  func.func @transform_5(%arg0: i32) -> (i32, i32) {
    %c0_i32 = arith.constant 0 : i32
    %c0_i32_0 = arith.constant 0 : i32
    %c0_i32_1 = arith.constant 0 : i32
    return %c0_i32, %c0_i32_0 : i32, i32
  }
  func.func @transform_6(%arg0: i32) -> (i32, i32, i32) {
    %c0_i32 = arith.constant 0 : i32
    %c0_i32_0 = arith.constant 0 : i32
    %c0_i32_1 = arith.constant 0 : i32
    return %c0_i32, %arg0, %c0_i32_0 : i32, i32, i32
  }
}

module attributes {stable_mosaic.version = 14 : i64} {
  func.func @_tc_final_body(%arg0: i32, %arg1: memref<2x2000x32xf32, #tpu.memory_space<vmem>>, %arg2: memref<2000x16xf32, #tpu.memory_space<vmem>>, %arg3: memref<1x64xf32, #tpu.memory_space<vmem>>, %arg4: memref<2000x40xf32, #tpu.memory_space<vmem>>) attributes {dimension_semantics = [#tpu.dimension_semantics<arbitrary>], iteration_bounds = array<i64: 5>, scalar_prefetch = 0 : i64, scratch_operands = 0 : i64, tpu.core_type = #tpu.core_type<tc>, window_params = [{transform_indices = @transform_0, window_bounds = array<i64: 2, 2000, 32>}, {transform_indices = @transform_1, window_bounds = array<i64: 2000, 16>}, {pipeline_mode = #tpu.pipeline_mode<synchronous>, transform_indices = @transform_2, window_bounds = array<i64: 1, 64>}, {transform_indices = @transform_3, window_bounds = array<i64: 2000, 40>}]} {
    %get3A = arith.constant 0 : index
    %get3A_0 = arith.constant 0 : index
    %get3A_1 = vector.load %arg2[%get3A, %get3A_0] : memref<2000x16xf32, #tpu.memory_space<vmem>>, vector<2000x1xf32>
    %add3A = arith.constant 1.000000e+00 : f32
    %add3A_2 = vector.broadcast %add3A : f32 to vector<2000x1xf32>
    %add3A_3 = arith.addf %get3A_1, %add3A_2 : vector<2000x1xf32>
    %rsqrt3A = math.rsqrt %add3A_3 : vector<2000x1xf32>
    %get3A_4 = arith.constant 0 : index
    %get3A_5 = arith.constant 0 : index
    %get3A_6 = arith.constant 0 : index
    %get3A_7 = vector.load %arg1[%get3A_4, %get3A_5, %get3A_6] : memref<2x2000x32xf32, #tpu.memory_space<vmem>>, vector<1x2000x32xf32>
    %get3A_8 = vector.shape_cast %get3A_7 : vector<1x2000x32xf32> to vector<2000x32xf32>
    %get3A_9 = arith.constant 1 : index
    %get3A_10 = arith.constant 0 : index
    %get3A_11 = arith.constant 0 : index
    %get3A_12 = vector.load %arg1[%get3A_9, %get3A_10, %get3A_11] : memref<2x2000x32xf32, #tpu.memory_space<vmem>>, vector<1x2000x32xf32>
    %get3A_13 = vector.shape_cast %get3A_12 : vector<1x2000x32xf32> to vector<2000x32xf32>
    %concatenate3A = tpu.concatenate %get3A_8, %get3A_13 in 1 : vector<2000x32xf32>, vector<2000x32xf32> -> vector<2000x64xf32>
    %mul3A = vector.broadcast %rsqrt3A : vector<2000x1xf32> to vector<2000x64xf32>
    %mul3A_14 = arith.mulf %concatenate3A, %mul3A : vector<2000x64xf32>
    %get3A_15 = arith.constant 0 : index
    %get3A_16 = arith.constant 0 : index
    %get3A_17 = vector.load %arg3[%get3A_15, %get3A_16] : memref<1x64xf32, #tpu.memory_space<vmem>>, vector<1x64xf32>
    %add3A_18 = vector.broadcast %get3A_17 : vector<1x64xf32> to vector<2000x64xf32>
    %add3A_19 = arith.addf %mul3A_14, %add3A_18 : vector<2000x64xf32>
    %iota3A = tpu.iota {dimensions = array<i32: 1>} : vector<2000x64xi32>
    %lt3A = arith.constant 40 : i32
    %lt3A_20 = vector.broadcast %lt3A : i32 to vector<2000x64xi32>
    %lt3A_21 = arith.cmpi slt, %iota3A, %lt3A_20 : vector<2000x64xi32>
    %jit3A = arith.constant 0xFF800000 : f32
    %broadcast_in_dim3A = vector.broadcast %jit3A : f32 to vector<2000x64xf32>
    %select_n3A = arith.select %lt3A_21, %add3A_19, %broadcast_in_dim3A : vector<2000x64xi1>, vector<2000x64xf32>
    %reduce_max3A = arith.constant dense<0xFF800000> : vector<2000xf32>
    %reduce_max3A_22 = vector.multi_reduction <maximumf>, %select_n3A, %reduce_max3A [1] : vector<2000x64xf32> to vector<2000xf32>
    %broadcast_in_dim3A_23 = vector.shape_cast %reduce_max3A_22 : vector<2000xf32> to vector<2000x1xf32>
    %sub3A = vector.broadcast %broadcast_in_dim3A_23 : vector<2000x1xf32> to vector<2000x64xf32>
    %sub3A_24 = arith.subf %add3A_19, %sub3A : vector<2000x64xf32>
    %exp3A = math.exp %sub3A_24 : vector<2000x64xf32>
    %jit3A_25 = arith.constant 0.000000e+00 : f32
    %broadcast_in_dim3A_26 = vector.broadcast %jit3A_25 : f32 to vector<2000x64xf32>
    %select_n3A_27 = arith.select %lt3A_21, %exp3A, %broadcast_in_dim3A_26 : vector<2000x64xi1>, vector<2000x64xf32>
    %reduce_sum3A = arith.constant dense<0.000000e+00> : vector<2000xf32>
    %reduce_sum3A_28 = vector.multi_reduction <add>, %select_n3A_27, %reduce_sum3A [1] : vector<2000x64xf32> to vector<2000xf32>
    %broadcast_in_dim3A_29 = vector.shape_cast %reduce_sum3A_28 : vector<2000xf32> to vector<2000x1xf32>
    %sub3A_30 = vector.broadcast %broadcast_in_dim3A_23 : vector<2000x1xf32> to vector<2000x64xf32>
    %sub3A_31 = arith.subf %add3A_19, %sub3A_30 : vector<2000x64xf32>
    %log3A = math.log %broadcast_in_dim3A_29 : vector<2000x1xf32>
    %sub3A_32 = vector.broadcast %log3A : vector<2000x1xf32> to vector<2000x64xf32>
    %sub3A_33 = arith.subf %sub3A_31, %sub3A_32 : vector<2000x64xf32>
    %slice3A = vector.extract_strided_slice %sub3A_33 {offsets = [0, 0], sizes = [2000, 40], strides = [1, 1]} : vector<2000x64xf32> to vector<2000x40xf32>
    %swap3A = arith.constant 0 : index
    %swap3A_34 = arith.constant 0 : index
    %swap3A_35 = vector.load %arg4[%swap3A, %swap3A_34] : memref<2000x40xf32, #tpu.memory_space<vmem>>, vector<2000x40xf32>
    tpu.vector_store %arg4[%swap3A, %swap3A_34], %slice3A {strides = array<i32>} : memref<2000x40xf32, #tpu.memory_space<vmem>>, vector<2000x40xf32>,
    return
  }
  func.func @transform_0(%arg0: i32) -> (i32, i32, i32) {
    %c0_i32 = arith.constant 0 : i32
    %c0_i32_0 = arith.constant 0 : i32
    %c0_i32_1 = arith.constant 0 : i32
    return %c0_i32, %arg0, %c0_i32_0 : i32, i32, i32
  }
  func.func @transform_1(%arg0: i32) -> (i32, i32) {
    %c0_i32 = arith.constant 0 : i32
    %c0_i32_0 = arith.constant 0 : i32
    return %arg0, %c0_i32 : i32, i32
  }
  func.func @transform_2(%arg0: i32) -> (i32, i32) {
    %c0_i32 = arith.constant 0 : i32
    %c0_i32_0 = arith.constant 0 : i32
    %c0_i32_1 = arith.constant 0 : i32
    return %c0_i32, %c0_i32_0 : i32, i32
  }
  func.func @transform_3(%arg0: i32) -> (i32, i32) {
    %c0_i32 = arith.constant 0 : i32
    %c0_i32_0 = arith.constant 0 : i32
    return %arg0, %c0_i32 : i32, i32
  }
}

</mosaic_0001>

<sc_bundles>
// kernel: kernel.10.cloned.1.call-start
scs
__scs_entry_jumppad:
0x0: {  	(pc) =	sbr.rel $0x88, $3  }
0x1: {  	(tag) =	ssettag $0x0;
	lr =	simm.s32 $0x1  }
0x2: {  	[smem:$0x3F95] =	sst lr;
	_ =	strace $0xD0000000  }
0x3: {  	_ = 	snop  }
0x4: {  	_ = 	snop  }
0x5: {  	_ = 	snop  }
0x6: {  	_ = 	snop  }
0x7: {  	_ = 	snop  }
__scs_overlays_trampoline_lowered:
0x8: {  	[smem:$0x3FA4] =	sst s0  }
0x9: {  	[smem:$0x3FA5] =	sst s1  }
0xa: {  	[smem:$0x3FA6] =	sst s2  }
0xb: {  	[smem:$0x3FA7] =	sst s3  }
0xc: {  	[smem:$0x3FA8] =	sst s4  }
0xd: {  	[smem:$0x3FA9] =	sst s5  }
0xe: {  	[smem:$0x3FAA] =	sst s6  }
0xf: {  	[smem:$0x3FAB] =	sst s7  }
0x10: {  	[smem:$0x3FAC] =	sst s8  }
0x11: {  	[smem:$0x3FAD] =	sst s9;
	s0 =	simm.s32 @!p0 $0x0  }
0x12: {  	s1 =	sld [smem:$0x3F93];
	s0 =	simm.s32 @p0 $0x1  }
0x13: {  	[smem:$0x3FAE] =	sst s0;
	s0 =	simm.s32 @!p1 $0x0  }
0x14: {  	s2 =	sld [smem:$0x3F92];
	s0 =	simm.s32 @p1 $0x1  }
0x15: {  	[smem:$0x3FAF] =	sst s0;
	s0 =	simm.s32 @!p2 $0x0  }
0x16: {  	s3 =	sld [smem:$0x3FDB];
	s0 =	simm.s32 @p2 $0x1  }
0x17: {  	s4 =	simm.s32 $0x1BF5;
	[smem:$0x3FB1] =	sst s0  }
0x18: {  	s0 =	sld [smem:$0x3F94];
	_ =	swait.ge [sflag:s4], $0x0  }
0x19: {  	s7 =	sld [smem:$0x3F95]  }
0x1a: {  	s8 =	sadd.s32 $0xFFFFE003, lr  }
0x1b: {  	s9 =	sadd.s32 $0xFFFFFEF7, lr;
	s5 =	simm.s32 $0xFFFFFFFF;
	p2 =	slt.u32 s8, $0xFFFFF086  }
0x1c: {  	p1 =	slt.u32 s9, $0xF7A;
	s5 =	simm.s32 @!p2 $0x0  }
0x1d: {  	s5 =	simm.s32 @p1 $0x1;
	p0 =	seq.s32 s7, s2  }
0x1e: {  	s7 =	smul.u32 @!p0 $0xF7A, s2;
	p2 =	seq.s32 @!p0 s5, $0x0  }
0x1f: {  	s9 =	smul.u32 $0xF7A, s1;
	s8 =	simm.s32 @!p0 $0x1BF5;
	p2 =	por !p2, p0  }
0x20: {  	[sflag:s8] =	ssyncset.s32 @!p0 $0xFFFFF086;
	s6 =	sadd.s32 @!p0 s3, s7;
	s7 =	simm.s32 @!p0 $0x108  }
0x21: {  	s3 =	sadd.s32 s3, s9;
	s6 =	sadd.s32 @!p0 $0x88, s6;
	s7 =	simm.s32 @p2 $0x1082  }
0x22: {  	[simem:s7], [sflag:s8] =	dma.local @!p0 [hbm:s6], $0xF7A  }
0x23: {  	s9 =	sor.u32 $0xD0000000, s2;
	s6 =	simm.s32 $0x108;
	_ =	swait.ge @!p0 [sflag:s8], $0x0  }
0x24: {  	s3 =	sadd.s32 $0x88, s3;
	s6 =	simm.s32 @!p1 $0x1082;
	[sflag:s4] =	ssyncset.s32 $0xFFFFF086  }
0x25: {  	[simem:s6], [sflag:s4] =	dma.local [hbm:s3], $0xF7A  }
0x26: {  	[smem:$0x3F95] =	sst s1;
	(tag) =	ssettag s2;
	_ =	strace s9  }
0x27: {  	s1 =	sld [smem:$0x3FA5]  }
0x28: {  	s2 =	sld [smem:$0x3FA6]  }
0x29: {  	s4 =	sld [smem:$0x3FA8]  }
0x2a: {  	p0 =	seq.s32 s5, $0x0;
	s5 =	sld [smem:$0x3FA9]  }
0x2b: {  	s6 =	sld [smem:$0x3FAA]  }
0x2c: {  	s7 =	sld [smem:$0x3FAB]  }
0x2d: {  	s3 =	simm.s32 $0x108;
	s8 =	sld [smem:$0x3FAC]  }
0x2e: {  	s3 =	simm.s32 @!p0 $0x1082;
	s9 =	sld [smem:$0x3FAD]  }
0x2f: {  	lr =	sadd.s32 s0, s3;
	s0 =	sld [smem:$0x3FA4]  }
0x30: {  	s3 =	sld [smem:$0x3FA7]  }
0x31: {  	[smem:$0x3FB0] =	sst s10  }
0x32: {  	s10 =	sld [smem:$0x3FAE];
	_ =	sdelay $0x3  }
0x33: {  	p0 =	seq.s32 s10, $0x1;
	s10 =	sld [smem:$0x3FB0];
	_ =	sdelay $0x3  }
0x34: {  	[smem:$0x3FB0] =	sst s10  }
0x35: {  	s10 =	sld [smem:$0x3FAF];
	_ =	sdelay $0x3  }
0x36: {  	p1 =	seq.s32 s10, $0x1;
	s10 =	sld [smem:$0x3FB0];
	_ =	sdelay $0x3  }
0x37: {  	[smem:$0x3FB0] =	sst s10  }
0x38: {  	s10 =	sld [smem:$0x3FB1]  }
0x39: {  	_ = 	snop;
	(pc) =	sbr.ind lr, $3  }
0x3a: {  	_ = 	snop  }
0x3b: {  	_ = 	snop  }
0x3c: {  	p2 =	seq.s32 s10, $0x1;
	s10 =	sld [smem:$0x3FB0]  }
0x3d: {  	_ =	shalt  }
0x3e: {  	_ =	shalt  }
0x3f: {  	_ =	shalt  }
0x40: {  	_ =	shalt  }
0x41: {  	_ =	shalt  }
0x42: {  	_ =	shalt  }
0x43: {  	_ =	shalt  }
0x44: {  	_ =	shalt  }
0x45: {  	_ =	shalt  }
0x46: {  	_ =	shalt  }
0x47: {  	_ =	shalt  }
0x48: {  	_ =	shalt  }
0x49: {  	_ =	shalt  }
0x4a: {  	_ =	shalt  }
0x4b: {  	_ =	shalt  }
0x4c: {  	_ =	shalt  }
0x4d: {  	_ =	shalt  }
0x4e: {  	_ =	shalt  }
0x4f: {  	_ =	shalt  }
0x50: {  	_ =	shalt  }
0x51: {  	_ =	shalt  }
0x52: {  	_ =	shalt  }
0x53: {  	_ =	shalt  }
0x54: {  	_ =	shalt  }
0x55: {  	_ =	shalt  }
0x56: {  	_ =	shalt  }
0x57: {  	_ =	shalt  }
0x58: {  	_ =	shalt  }
0x59: {  	_ =	shalt  }
0x5a: {  	_ =	shalt  }
0x5b: {  	_ =	shalt  }
0x5c: {  	_ =	shalt  }
0x5d: {  	_ =	shalt  }
0x5e: {  	_ =	shalt  }
0x5f: {  	_ =	shalt  }
0x60: {  	_ =	shalt  }
0x61: {  	_ =	shalt  }
0x62: {  	_ =	shalt  }
0x63: {  	_ =	shalt  }
0x64: {  	_ =	shalt  }
0x65: {  	_ =	shalt  }
0x66: {  	_ =	shalt  }
0x67: {  	_ =	shalt  }
0x68: {  	_ =	shalt  }
0x69: {  	_ =	shalt  }
0x6a: {  	_ =	shalt  }
0x6b: {  	_ =	shalt  }
0x6c: {  	_ =	shalt  }
0x6d: {  	_ =	shalt  }
0x6e: {  	_ =	shalt  }
0x6f: {  	_ =	shalt  }
0x70: {  	_ =	shalt  }
0x71: {  	_ =	shalt  }
0x72: {  	_ =	shalt  }
0x73: {  	_ =	shalt  }
0x74: {  	_ =	shalt  }
0x75: {  	_ =	shalt  }
0x76: {  	_ =	shalt  }
0x77: {  	_ =	shalt  }
0x78: {  	_ =	shalt  }
0x79: {  	_ =	shalt  }
0x7a: {  	_ =	shalt  }
0x7b: {  	_ =	shalt  }
0x7c: {  	_ =	shalt  }
0x7d: {  	_ =	shalt  }
0x7e: {  	_ =	shalt  }
0x7f: {  	_ =	shalt  }
0x80: {  	_ =	shalt  }
0x81: {  	_ =	shalt  }
0x82: {  	_ =	shalt  }
0x83: {  	_ =	shalt  }
0x84: {  	_ =	shalt  }
0x85: {  	_ =	shalt  }
0x86: {  	_ =	shalt  }
0x87: {  	_ =	shalt  }
.Lfunc_end0:
.L_simem_size_0:
called_computation_lowered:
.L_overlay_start_0:
0x88: {  	s2 =	sld [smem:$0x3FD9]  }
0x89: {  	s3 =	sld [smem:$0x3FFE];
	_ =	sdelay $0x1  }
0x8a: {  	s1 =	srdreg.scid  }
0x8b: {  	s0 =	sand.u32 $0x1, s1  }
0x8c: {  	s17 =	sshll.u32 s0, $0xA;
	s2 =	sadd.s32 s3, s2  }
0x8d: {  	s2 =	sadd.s32 s2, s17  }
0x8e: {  	[smem:$0x3FBC] =	sst s2  }
0x8f: {  	_ = 	snop  }
0x90: {  	s2 =	sld [smem:$0x3FD0];
	(tm) =	ssettm $0x1  }
0x91: {  	s18 =	sld [smem:$0x3FFB];
	_ =	sdelay $0x3  }
0x92: {  	_ =	strace s18  }
0x93: {  	s3 =	sld [smem:$0x3FFC];
	_ =	sdelay $0x3  }
0x94: {  	_ =	strace s3  }
0x95: {  	s3 =	sld [smem:$0x3FFD];
	_ =	sdelay $0x3  }
0x96: {  	_ =	strace s3  }
0x97: {  	_ =	strace $0x8FFFFFFF  }
0x98: {  	s19 =	sld [smem:$0x3FDB];
	_ =	sdelay $0x1  }
0x99: {  	s4 =	simm.s32 $_scs_section_size  }
0x9a: {  	s5 =	simm.s32 $_size__tile_overlayer_lowered;
	s6 =	simm.s32 $_tile_overlayer_lowered  }
0x9b: {  	s22 =	simm.s32 $0x1BFF;
	s21 =	sshll.u32 s6, $0x1;
	s3 =	sadd.s32 s4, s19  }
0x9c: {  	s7 =	simm.s32 $0x0;
	s20 =	sshll.u32 s5, $0x1;
	s5 =	sadd.s32 s21, s3  }
0x9d: {  	[timem:s7], [sflag:s22] =	dma.local [hbm:s5], s20  }
0x9e: {  	_ =	swait.ge [sflag:s22], s20  }
0x9f: {  	s4 =	ssub.s32 $0x0, s20;
	[sflag:s22] =	ssyncset.done $0x0  }
0xa0: {  	[sflag:s22] =	ssyncadd.s32 s4;
	_ =	sdelay $0x1  }
0xa1: {  	s23 =	simm.s32 $0x1B8B  }
0xa2: {  	_ =	swait.ge [sflag:s23], $0x1  }
0xa3: {  	[sflag:s23] =	ssyncset.done $0x0  }
0xa4: {  	s25 =	simm.s32 $0x1B8E;
	s24 =	sld [smem:$0x3FFE];
	[sflag:s23] =	ssyncadd.s32 $0xFFFFFFFF  }
0xa5: {  	s26 =	simm.s32 $execute0_lowered;
	[smem:$0x3FD2] =	sst s25  }
0xa6: {  	s5 =	sshll.u32 s26, $0x1;
	_ =	strace $0x80000046;
	[dreg:$0x1] =	wrdreg $0xFFFFFFFF  }
0xa7: {  	s28 =	simm.s32 $_size_execute0_lowered;
	s3 =	sadd.s32 s3, s5;
	[dreg:$0x0] =	wrdreg $0x0  }
0xa8: {  	s5 =	sshll.u32 s28, $0x1;
	[dreg:$0x2] =	wrdreg s3  }
0xa9: {  	[dreg:$0x3] =	wrdreg s5  }
0xaa: {  	[dreg:$0x4] =	wrdreg $0xC0  }
0xab: {  	_ =	task [dreg:s7], $0x5FFFF  }
0xac: {  	[dreg:$0x1] =	wrdreg $0xFFFFFFFF  }
0xad: {  	[dreg:$0x0] =	wrdreg $0x60  }
0xae: {  	[dreg:$0x2] =	wrdreg s24  }
0xaf: {  	[dreg:$0x3] =	wrdreg s2  }
0xb0: {  	[dreg:$0x4] =	wrdreg $0x38000  }
0xb1: {  	[dreg:$0x5] =	wrdreg $0x9  }
0xb2: {  	_ =	task.clear_ibuf [dreg:s7], $0x6FFFF;
	_ =	strace $0x90000046  }
0xb3: {  	s29 =	simm.s32 $0x9;
	_ =	strace $0x80000048  }
0xb4: {  	_ =	swait.ge [sflag:s29], $0x1  }
0xb5: {  	[sflag:s29] =	ssyncadd.s32 $0xFFFFFFFF  }
0xb6: {  	_ =	strace $0x90000048  }
0xb7: {  	_ =	sfence  }
0xb8: {  	s30 =	sld [smem:$0x0];
	_ =	sdelay $0x2  }
0xb9: {  	s31 =	sshll.u32 s1, $0xD;
	s1 =	sshrl.u32 s1, $0x2  }
0xba: {  	s3 =	sand.u32 $0x4000, s31;
	s1 =	sadd.s32 s1, s30  }
0xbb: {  	s0 =	sor.u32 s3, s0;
	s1 =	sshll.u32 s1, $0x11  }
0xbc: {  	s0 =	sor.u32 s1, s0  }
0xbd: {  	s0 =	sadd.s32 $0x8F2B, s0  }
0xbe: {  	[sflag:s0] =	ssyncadd.remote.s32 $0x1  }
0xbf: {  	_ =	sfence.sel $0xFFFF  }
0xc0: {  	[dreg:$0x0] =	wrdreg $0xFFFFFFFF;
	(pc) =	sbr.abs _section_cstart, $3  }
0xc1: {  	[dreg:$0x1] =	wrdreg $0xFFFFFFFF  }
0xc2: {  	_ =	task.clear_ibuf [dreg:s7], $0x2FFFF;
	_ =	strace $0x9FFFFFFF  }
0xc3: {  	(tm) =	ssettm $0x7FFFFFFF  }
tec
execute0_lowered:
.L_overlay_start_1:
0x0: {  	(tag) =	ssettag $0x1  }
0x1: {  	s6 =	rddreg [dreg:$0x0]  }
0x2: {  	s12 =	rddreg [dreg:$0x1]  }
0x3: {  	s1 =	rddreg [dreg:$0x2]  }
0x4: {  	s0 =	rddreg [dreg:$0x3];
	s3 =	simm.s32 $0x0;
	s4 =	srdreg.scid  }
0x5: {  	s2 =	stileid.u32;
	s16 =	simm.s32 $0x3000;
	s17 =	simm.s32 $0x80  }
0x6: {  	s18 =	simm.s32 $0x100;
	s19 =	simm.s32 $0x180;
	s20 =	simm.s32 $0x200  }
0x7: {  	s21 =	simm.s32 $0x1;
	s22 =	simm.s32 $0x2;
	s23 =	simm.s32 $0x3  }
0x8: {  	s24 =	simm.s32 $0x4;
	s25 =	simm.s32 $0x5;
	s5 =	smul.u32 $0x500, s2  }
0x9: {  	s26 =	simm.s32 $0x0;
	[smem:$0x7FF] =	sst s3;
	s10 =	smul.u32 $0x9C00, s2  }
0xa: {  	s7 =	sand.u32 $0x1, s4;
	s4 =	sadd.s32 $0xC400, s6;
	s11 =	smul.u32 $0x2700, s2  }
0xb: {  	_ =	strace $0x80000047;
	s8 =	ssub.s32 $0x2, s7;
	s30 =	smul.u32 $0x27100, s7  }
0xc: {  	s9 =	sshrl.u32 s8, $0x1;
	s5 =	sadd.s32 s5, s6;
	s29 =	sshrl.u32 s10, $0x2  }
0xd: {  	s6 =	sadd.s32 $0xC500, s6;
	s7 =	sadd.s32 s11, s1;
	s13 =	ssub.s32 s8, s9  }
0xe: {  	s5 =	sadd.s32 $0x7400, s5;
	s14 =	sadd.s32 s29, s1;
	s15 =	sadd.s32 s11, s30  }
0xf: {  	s8 =	sadd.s32 $0x800, s14;
	s9 =	sadd.s32 $0x1000, s14;
	s10 =	sadd.s32 $0x1800, s14  }
0x10: {  	s11 =	sadd.s32 $0x2000, s14;
	s31 =	sshrl.u32 s15, $0x3;
	s13 =	smax.u32 s13, $0x1  }
0x11: {  	s14 =	simm.s32 $0x6;
	s15 =	simm.s32 $0x2800;
	s12 =	sadd.s32 s12, s31  }
.LBB2_1:
0x12: {  	[tilespmem:s3], [sflag:$0x6] =	stream.linear.gather [hbm4b:s5+s3], $0x2800, $0x38;
	[tilespmem:$0x5F20] =	vst v63  }
0x13: {  	_ =	swait.ge [sflag:s14], $0x2800  }
0x14: {  	[sflag:s14] =	ssyncset.done $0x0  }
0x15: {  	[sflag:s14] =	ssyncadd.s32 $0xFFFFD800  }
0x16: {  	[tilespmem:s15], [sflag:$0x6] =	stream.linear.gather [hbm4b:s4+s3], $0x800, $0x38;
	[tilespmem:$0x5F20] =	vst v63  }
0x17: {  	_ =	swait.ge [sflag:s14], $0x800  }
0x18: {  	[sflag:s14] =	ssyncset.done $0x0  }
0x19: {  	[sflag:s14] =	ssyncadd.s32 $0xFFFFF800  }
0x1a: {  	[tilespmem:s16], [sflag:$0x6] =	stream.linear.gather [hbm4b:s6+s3], $0x800, $0x38;
	[tilespmem:$0x5F20] =	vst v63  }
0x1b: {  	_ =	swait.ge [sflag:s14], $0x800  }
0x1c: {  	[sflag:s14] =	ssyncset.done $0x0  }
0x1d: {  	[sflag:s14] =	ssyncadd.s32 $0xFFFFF800  }
0x1e: {  	[spmem:s7] =	stream.linear.scatter [tilespmem:s16], [sflag:$0x6], $0x800, $0x38;
	[tilespmem:$0x5F20] =	vst v63  }
0x1f: {  	_ =	swait.ge [sflag:s14], $0x800  }
0x20: {  	[sflag:s14] =	ssyncset.done $0x0  }
0x21: {  	[sflag:s14] =	ssyncadd.s32 $0xFFFFF800  }
0x22: {  	[spmem:s8] =	stream.linear.scatter [tilespmem:s16], [sflag:$0x6], $0x800, $0x38;
	[tilespmem:$0x5F20] =	vst v63  }
0x23: {  	_ =	swait.ge [sflag:s14], $0x800  }
0x24: {  	[sflag:s14] =	ssyncset.done $0x0  }
0x25: {  	[sflag:s14] =	ssyncadd.s32 $0xFFFFF800  }
0x26: {  	[spmem:s9] =	stream.linear.scatter [tilespmem:s16], [sflag:$0x6], $0x800, $0x38;
	[tilespmem:$0x5F20] =	vst v63  }
0x27: {  	_ =	swait.ge [sflag:s14], $0x800  }
0x28: {  	[sflag:s14] =	ssyncset.done $0x0  }
0x29: {  	[sflag:s14] =	ssyncadd.s32 $0xFFFFF800  }
0x2a: {  	[spmem:s10] =	stream.linear.scatter [tilespmem:s16], [sflag:$0x6], $0x800, $0x38;
	[tilespmem:$0x5F20] =	vst v63  }
0x2b: {  	_ =	swait.ge [sflag:s14], $0x800  }
0x2c: {  	[sflag:s14] =	ssyncset.done $0x0  }
0x2d: {  	[sflag:s14] =	ssyncadd.s32 $0xFFFFF800  }
0x2e: {  	[spmem:s11] =	stream.linear.scatter [tilespmem:s16], [sflag:$0x6], $0x800, $0x38;
	[tilespmem:$0x5F20] =	vst v63  }
0x2f: {  	_ =	swait.ge [sflag:s14], $0x800  }
0x30: {  	[sflag:s14] =	ssyncset.done $0x0  }
0x31: {  	[sflag:s14] =	ssyncadd.s32 $0xFFFFF800  }
0x32: {  	[bflag:$0x0] =	sbarrier.arrive $0xFFFF  }
0x33: {  	[spmem:s1] =	stream.indirect.scatter.add.f32 [tilespmem:s15], [sflag:$0x1], $0x10, s3, s17, $0xb8;
	[tilespmem:$0x5F20] =	vst v63  }
0x34: {  	_ = 	snop  }
0x35: {  	[spmem:s1] =	stream.indirect.scatter.add.f32 [tilespmem:s15], [sflag:$0x2], $0x10, s17, s17, $0xb8;
	[tilespmem:$0x5F20] =	vst v63  }
0x36: {  	_ = 	snop  }
0x37: {  	[spmem:s1] =	stream.indirect.scatter.add.f32 [tilespmem:s15], [sflag:$0x3], $0x10, s18, s17, $0xb8;
	[tilespmem:$0x5F20] =	vst v63  }
0x38: {  	_ = 	snop  }
0x39: {  	[spmem:s1] =	stream.indirect.scatter.add.f32 [tilespmem:s15], [sflag:$0x4], $0x10, s19, s17, $0xb8;
	[tilespmem:$0x5F20] =	vst v63  }
0x3a: {  	_ = 	snop  }
0x3b: {  	[spmem:s1] =	stream.indirect.scatter.add.f32 [tilespmem:s15], [sflag:$0x5], $0x10, s20, s17, $0xb8;
	[tilespmem:$0x5F20] =	vst v63  }
0x3c: {  	_ =	swait.ge [sflag:s21], $0x800  }
0x3d: {  	[sflag:s21] =	ssyncset.done $0x0  }
0x3e: {  	s28 =	simm.s32 $0x280;
	[sflag:s21] =	ssyncadd.s32 $0xFFFFF800  }
0x3f: {  	[spmem:s1] =	stream.indirect.scatter.add.f32 [tilespmem:s15], [sflag:$0x1], $0x10, s28, s17, $0xb8;
	[tilespmem:$0x5F20] =	vst v63  }
0x40: {  	_ =	swait.ge [sflag:s22], $0x800  }
0x41: {  	[sflag:s22] =	ssyncset.done $0x0  }
0x42: {  	s28 =	simm.s32 $0x300;
	[sflag:s22] =	ssyncadd.s32 $0xFFFFF800  }
0x43: {  	[spmem:s1] =	stream.indirect.scatter.add.f32 [tilespmem:s15], [sflag:$0x2], $0x10, s28, s17, $0xb8;
	[tilespmem:$0x5F20] =	vst v63  }
0x44: {  	_ =	swait.ge [sflag:s23], $0x800  }
0x45: {  	[sflag:s23] =	ssyncset.done $0x0  }
0x46: {  	s28 =	simm.s32 $0x380;
	[sflag:s23] =	ssyncadd.s32 $0xFFFFF800  }
0x47: {  	[spmem:s1] =	stream.indirect.scatter.add.f32 [tilespmem:s15], [sflag:$0x3], $0x10, s28, s17, $0xb8;
	[tilespmem:$0x5F20] =	vst v63  }
0x48: {  	_ =	swait.ge [sflag:s24], $0x800  }
0x49: {  	[sflag:s24] =	ssyncset.done $0x0  }
0x4a: {  	s28 =	simm.s32 $0x400;
	[sflag:s24] =	ssyncadd.s32 $0xFFFFF800  }
0x4b: {  	[spmem:s1] =	stream.indirect.scatter.add.f32 [tilespmem:s15], [sflag:$0x4], $0x10, s28, s17, $0xb8;
	[tilespmem:$0x5F20] =	vst v63  }
0x4c: {  	_ =	swait.ge [sflag:s25], $0x800  }
0x4d: {  	[sflag:s25] =	ssyncset.done $0x0  }
0x4e: {  	s29 =	simm.s32 $0x480;
	s28 =	simm.s32 $0xFFFF7400;
	[sflag:s25] =	ssyncadd.s32 $0xFFFFF800  }
.LBB2_2:
0x4f: {  	[spmem:s1] =	stream.indirect.scatter.add.f32 [tilespmem:s15], [sflag:$0x5], $0x10, s29, s17, $0xb8;
	[tilespmem:$0x5F20] =	vst v63  }
0x50: {  	s29 =	smov.u32 s28  }
0x51: {  	p0 =	sne.s32 s28, $0xFFFFF600;
	s28 =	sadd.s32 $0xA00, s28;
	_ =	swait.ge [sflag:s21], $0x800  }
0x52: {  	s29 =	sshra.s32 s29, $0x2;
	[sflag:s21] =	ssyncset.done $0x0  }
0x53: {  	s30 =	sadd.s32 $0x2800, s29;
	[sflag:s21] =	ssyncadd.s32 $0xFFFFF800  }
0x54: {  	[spmem:s1] =	stream.indirect.scatter.add.f32 [tilespmem:s15], [sflag:$0x1], $0x10, s30, s17, $0xb8;
	[tilespmem:$0x5F20] =	vst v63  }
0x55: {  	_ =	swait.ge [sflag:s22], $0x800  }
0x56: {  	[sflag:s22] =	ssyncset.done $0x0  }
0x57: {  	s30 =	sadd.s32 $0x2880, s29;
	[sflag:s22] =	ssyncadd.s32 $0xFFFFF800  }
0x58: {  	[spmem:s1] =	stream.indirect.scatter.add.f32 [tilespmem:s15], [sflag:$0x2], $0x10, s30, s17, $0xb8;
	[tilespmem:$0x5F20] =	vst v63  }
0x59: {  	_ =	swait.ge [sflag:s23], $0x800  }
0x5a: {  	[sflag:s23] =	ssyncset.done $0x0  }
0x5b: {  	s30 =	sadd.s32 $0x2900, s29;
	[sflag:s23] =	ssyncadd.s32 $0xFFFFF800  }
0x5c: {  	[spmem:s1] =	stream.indirect.scatter.add.f32 [tilespmem:s15], [sflag:$0x3], $0x10, s30, s17, $0xb8;
	[tilespmem:$0x5F20] =	vst v63  }
0x5d: {  	_ =	swait.ge [sflag:s24], $0x800  }
0x5e: {  	[sflag:s24] =	ssyncset.done $0x0  }
.Ltmp0:
0x5f: {  	s30 =	sadd.s32 $0x2980, s29;
	[sflag:s24] =	ssyncadd.s32 $0xFFFFF800;
	(pc) =	sbr.rel @p0 .LBB2_2-.Ltmp0, $4  }
0x60: {  	[spmem:s1] =	stream.indirect.scatter.add.f32 [tilespmem:s15], [sflag:$0x4], $0x10, s30, s17, $0xb8;
	[tilespmem:$0x5F20] =	vst v63  }
0x61: {  	_ =	swait.ge [sflag:s25], $0x800  }
0x62: {  	[sflag:s25] =	ssyncset.done $0x0  }
0x63: {  	s29 =	sadd.s32 $0x2A00, s29;
	[sflag:s25] =	ssyncadd.s32 $0xFFFFF800  }
0x64: {  	[spmem:s1] =	stream.indirect.scatter.add.f32 [tilespmem:s15], [sflag:$0x5], $0x10, s29, s17, $0xb8;
	[tilespmem:$0x5F20] =	vst v63  }
0x65: {  	_ =	swait.ge [sflag:s21], $0x800  }
0x66: {  	[sflag:s21] =	ssyncset.done $0x0  }
0x67: {  	[sflag:s21] =	ssyncadd.s32 $0xFFFFF800  }
0x68: {  	_ =	swait.ge [sflag:s22], $0x800  }
0x69: {  	[sflag:s22] =	ssyncset.done $0x0  }
0x6a: {  	[sflag:s22] =	ssyncadd.s32 $0xFFFFF800  }
0x6b: {  	_ =	swait.ge [sflag:s23], $0x800  }
0x6c: {  	[sflag:s23] =	ssyncset.done $0x0  }
0x6d: {  	[sflag:s23] =	ssyncadd.s32 $0xFFFFF800  }
0x6e: {  	_ =	swait.ge [sflag:s24], $0x800  }
0x6f: {  	[sflag:s24] =	ssyncset.done $0x0  }
0x70: {  	[sflag:s24] =	ssyncadd.s32 $0xFFFFF800  }
0x71: {  	_ =	swait.ge [sflag:s25], $0x800  }
0x72: {  	s28 =	sshll.u32 s2, $0x6;
	s26 =	sadd.s32 $0x1, s26;
	[sflag:s25] =	ssyncset.done $0x0  }
0x73: {  	s31 =	sshrl.u32 s7, $0x3;
	p0 =	sne.s32 s26, s13;
	[sflag:s25] =	ssyncadd.s32 $0xFFFFF800  }
.Ltmp1:
0x74: {  	s28 =	sor.u32 $0x1C06, s28;
	[bflag:$0x0] =	sbarrier.arrive $0xFFFF;
	(pc) =	sbr.rel @p0 .LBB2_1-.Ltmp1, $4  }
0x75: {  	[hbm:s12], [sflag:s28] =	dma.local [spmem:s31], $0x500  }
0x76: {  	_ =	swait.ge [sflag:s14], $0x500  }
0x77: {  	[sflag:s14] =	ssyncset.done $0x0  }
0x78: {  	[sflag:s14] =	ssyncadd.s32 $0xFFFFFB00  }
0x79: {  	_ =	sfence.sel $0x180000  }
0x7a: {  	[bflag:$0x0] =	sbarrier.arrive $0xFFFF  }
0x7b: {  	p0 =	sne.s32 s2, $0x0;
	_ =	strace $0x90000047  }
0x7c: {  	s0 =	sadd.s32 @!p0 $0x100000, s0;
	[bflag:$0x2] =	sbarrier.arrive $0xFFFF  }
0x7d: {  	[sflag:s0] =	ssyncadd.tile.s32 @!p0 $0x1;
	_ =	shalt  }
.Lfunc_end2:
_tile_overlayer_lowered:
.L_overlay_start_2:
0x7e: {  	(tag) =	ssettag $0x2  }
0x7f: {  	s0 =	rddreg [dreg:$0x0];
	s2 =	stileid.u32  }
0x80: {  	s1 =	rddreg [dreg:$0x1];
	p0 =	sne.s32 s2, $0x0  }
0x81: {  	s3 =	rddreg [dreg:$0x2];
	[bflag:$0x3] =	sbarrier.arrive $0xFFFF;
	s2 =	simm.s32 @!p0 $0x1C06  }
0x82: {  	[timem:s3], [sflag:s2] =	dma.local @!p0 [hbm:s0], s1  }
0x83: {  	s0 =	simm.s32 @!p0 $0x6  }
0x84: {  	_ =	swait.ge @!p0 [sflag:s0], s1  }
0x85: {  	s1 =	ssub.s32 @!p0 $0x0, s1;
	[sflag:s0] =	ssyncset.done @!p0 $0x0  }
0x86: {  	[sflag:s0] =	ssyncadd.s32 @!p0 s1  }
0x87: {  	[bflag:$0x3] =	sbarrier.arrive $0xFFFF  }
0x88: {  	_ =	shalt  }

// kernel: kernel.13.cloned.1.call-start
scs
__scs_entry_jumppad:
0x0: {  	(pc) =	sbr.rel $0x88, $3  }
0x1: {  	(tag) =	ssettag $0x0;
	lr =	simm.s32 $0x1  }
0x2: {  	[smem:$0x3F95] =	sst lr;
	_ =	strace $0xD0000000  }
0x3: {  	_ = 	snop  }
0x4: {  	_ = 	snop  }
0x5: {  	_ = 	snop  }
0x6: {  	_ = 	snop  }
0x7: {  	_ = 	snop  }
__scs_overlays_trampoline_lowered:
0x8: {  	[smem:$0x3FA4] =	sst s0  }
0x9: {  	[smem:$0x3FA5] =	sst s1  }
0xa: {  	[smem:$0x3FA6] =	sst s2  }
0xb: {  	[smem:$0x3FA7] =	sst s3  }
0xc: {  	[smem:$0x3FA8] =	sst s4  }
0xd: {  	[smem:$0x3FA9] =	sst s5  }
0xe: {  	[smem:$0x3FAA] =	sst s6  }
0xf: {  	[smem:$0x3FAB] =	sst s7  }
0x10: {  	[smem:$0x3FAC] =	sst s8  }
0x11: {  	[smem:$0x3FAD] =	sst s9;
	s0 =	simm.s32 @!p0 $0x0  }
0x12: {  	s1 =	sld [smem:$0x3F93];
	s0 =	simm.s32 @p0 $0x1  }
0x13: {  	[smem:$0x3FAE] =	sst s0;
	s0 =	simm.s32 @!p1 $0x0  }
0x14: {  	s2 =	sld [smem:$0x3F92];
	s0 =	simm.s32 @p1 $0x1  }
0x15: {  	[smem:$0x3FAF] =	sst s0;
	s0 =	simm.s32 @!p2 $0x0  }
0x16: {  	s3 =	sld [smem:$0x3FDB];
	s0 =	simm.s32 @p2 $0x1  }
0x17: {  	s4 =	simm.s32 $0x1BF5;
	[smem:$0x3FB1] =	sst s0  }
0x18: {  	s0 =	sld [smem:$0x3F94];
	_ =	swait.ge [sflag:s4], $0x0  }
0x19: {  	s7 =	sld [smem:$0x3F95]  }
0x1a: {  	s8 =	sadd.s32 $0xFFFFE003, lr  }
0x1b: {  	s9 =	sadd.s32 $0xFFFFFEF7, lr;
	s5 =	simm.s32 $0xFFFFFFFF;
	p2 =	slt.u32 s8, $0xFFFFF086  }
0x1c: {  	p1 =	slt.u32 s9, $0xF7A;
	s5 =	simm.s32 @!p2 $0x0  }
0x1d: {  	s5 =	simm.s32 @p1 $0x1;
	p0 =	seq.s32 s7, s2  }
0x1e: {  	s7 =	smul.u32 @!p0 $0xF7A, s2;
	p2 =	seq.s32 @!p0 s5, $0x0  }
0x1f: {  	s9 =	smul.u32 $0xF7A, s1;
	s8 =	simm.s32 @!p0 $0x1BF5;
	p2 =	por !p2, p0  }
0x20: {  	[sflag:s8] =	ssyncset.s32 @!p0 $0xFFFFF086;
	s6 =	sadd.s32 @!p0 s3, s7;
	s7 =	simm.s32 @!p0 $0x108  }
0x21: {  	s3 =	sadd.s32 s3, s9;
	s6 =	sadd.s32 @!p0 $0x88, s6;
	s7 =	simm.s32 @p2 $0x1082  }
0x22: {  	[simem:s7], [sflag:s8] =	dma.local @!p0 [hbm:s6], $0xF7A  }
0x23: {  	s9 =	sor.u32 $0xD0000000, s2;
	s6 =	simm.s32 $0x108;
	_ =	swait.ge @!p0 [sflag:s8], $0x0  }
0x24: {  	s3 =	sadd.s32 $0x88, s3;
	s6 =	simm.s32 @!p1 $0x1082;
	[sflag:s4] =	ssyncset.s32 $0xFFFFF086  }
0x25: {  	[simem:s6], [sflag:s4] =	dma.local [hbm:s3], $0xF7A  }
0x26: {  	[smem:$0x3F95] =	sst s1;
	(tag) =	ssettag s2;
	_ =	strace s9  }
0x27: {  	s1 =	sld [smem:$0x3FA5]  }
0x28: {  	s2 =	sld [smem:$0x3FA6]  }
0x29: {  	s4 =	sld [smem:$0x3FA8]  }
0x2a: {  	p0 =	seq.s32 s5, $0x0;
	s5 =	sld [smem:$0x3FA9]  }
0x2b: {  	s6 =	sld [smem:$0x3FAA]  }
0x2c: {  	s7 =	sld [smem:$0x3FAB]  }
0x2d: {  	s3 =	simm.s32 $0x108;
	s8 =	sld [smem:$0x3FAC]  }
0x2e: {  	s3 =	simm.s32 @!p0 $0x1082;
	s9 =	sld [smem:$0x3FAD]  }
0x2f: {  	lr =	sadd.s32 s0, s3;
	s0 =	sld [smem:$0x3FA4]  }
0x30: {  	s3 =	sld [smem:$0x3FA7]  }
0x31: {  	[smem:$0x3FB0] =	sst s10  }
0x32: {  	s10 =	sld [smem:$0x3FAE];
	_ =	sdelay $0x3  }
0x33: {  	p0 =	seq.s32 s10, $0x1;
	s10 =	sld [smem:$0x3FB0];
	_ =	sdelay $0x3  }
0x34: {  	[smem:$0x3FB0] =	sst s10  }
0x35: {  	s10 =	sld [smem:$0x3FAF];
	_ =	sdelay $0x3  }
0x36: {  	p1 =	seq.s32 s10, $0x1;
	s10 =	sld [smem:$0x3FB0];
	_ =	sdelay $0x3  }
0x37: {  	[smem:$0x3FB0] =	sst s10  }
0x38: {  	s10 =	sld [smem:$0x3FB1]  }
0x39: {  	_ = 	snop;
	(pc) =	sbr.ind lr, $3  }
0x3a: {  	_ = 	snop  }
0x3b: {  	_ = 	snop  }
0x3c: {  	p2 =	seq.s32 s10, $0x1;
	s10 =	sld [smem:$0x3FB0]  }
0x3d: {  	_ =	shalt  }
0x3e: {  	_ =	shalt  }
0x3f: {  	_ =	shalt  }
0x40: {  	_ =	shalt  }
0x41: {  	_ =	shalt  }
0x42: {  	_ =	shalt  }
0x43: {  	_ =	shalt  }
0x44: {  	_ =	shalt  }
0x45: {  	_ =	shalt  }
0x46: {  	_ =	shalt  }
0x47: {  	_ =	shalt  }
0x48: {  	_ =	shalt  }
0x49: {  	_ =	shalt  }
0x4a: {  	_ =	shalt  }
0x4b: {  	_ =	shalt  }
0x4c: {  	_ =	shalt  }
0x4d: {  	_ =	shalt  }
0x4e: {  	_ =	shalt  }
0x4f: {  	_ =	shalt  }
0x50: {  	_ =	shalt  }
0x51: {  	_ =	shalt  }
0x52: {  	_ =	shalt  }
0x53: {  	_ =	shalt  }
0x54: {  	_ =	shalt  }
0x55: {  	_ =	shalt  }
0x56: {  	_ =	shalt  }
0x57: {  	_ =	shalt  }
0x58: {  	_ =	shalt  }
0x59: {  	_ =	shalt  }
0x5a: {  	_ =	shalt  }
0x5b: {  	_ =	shalt  }
0x5c: {  	_ =	shalt  }
0x5d: {  	_ =	shalt  }
0x5e: {  	_ =	shalt  }
0x5f: {  	_ =	shalt  }
0x60: {  	_ =	shalt  }
0x61: {  	_ =	shalt  }
0x62: {  	_ =	shalt  }
0x63: {  	_ =	shalt  }
0x64: {  	_ =	shalt  }
0x65: {  	_ =	shalt  }
0x66: {  	_ =	shalt  }
0x67: {  	_ =	shalt  }
0x68: {  	_ =	shalt  }
0x69: {  	_ =	shalt  }
0x6a: {  	_ =	shalt  }
0x6b: {  	_ =	shalt  }
0x6c: {  	_ =	shalt  }
0x6d: {  	_ =	shalt  }
0x6e: {  	_ =	shalt  }
0x6f: {  	_ =	shalt  }
0x70: {  	_ =	shalt  }
0x71: {  	_ =	shalt  }
0x72: {  	_ =	shalt  }
0x73: {  	_ =	shalt  }
0x74: {  	_ =	shalt  }
0x75: {  	_ =	shalt  }
0x76: {  	_ =	shalt  }
0x77: {  	_ =	shalt  }
0x78: {  	_ =	shalt  }
0x79: {  	_ =	shalt  }
0x7a: {  	_ =	shalt  }
0x7b: {  	_ =	shalt  }
0x7c: {  	_ =	shalt  }
0x7d: {  	_ =	shalt  }
0x7e: {  	_ =	shalt  }
0x7f: {  	_ =	shalt  }
0x80: {  	_ =	shalt  }
0x81: {  	_ =	shalt  }
0x82: {  	_ =	shalt  }
0x83: {  	_ =	shalt  }
0x84: {  	_ =	shalt  }
0x85: {  	_ =	shalt  }
0x86: {  	_ =	shalt  }
0x87: {  	_ =	shalt  }
.Lfunc_end0:
.L_simem_size_0:
called_computation.1_lowered:
.L_overlay_start_0:
0x88: {  	s2 =	sld [smem:$0x3FD9]  }
0x89: {  	s3 =	sld [smem:$0x3FFE];
	_ =	sdelay $0x1  }
0x8a: {  	s1 =	srdreg.scid  }
0x8b: {  	s0 =	sand.u32 $0x1, s1  }
0x8c: {  	s16 =	sshll.u32 s0, $0xA;
	s2 =	sadd.s32 s3, s2  }
0x8d: {  	s2 =	sadd.s32 s2, s16  }
0x8e: {  	[smem:$0x3FBC] =	sst s2  }
0x8f: {  	_ = 	snop  }
0x90: {  	(tm) =	ssettm $0x1  }
0x91: {  	s17 =	sld [smem:$0x3FFB];
	_ =	sdelay $0x3  }
0x92: {  	_ =	strace s17  }
0x93: {  	s2 =	sld [smem:$0x3FFC];
	_ =	sdelay $0x3  }
0x94: {  	_ =	strace s2  }
0x95: {  	s2 =	sld [smem:$0x3FFD];
	_ =	sdelay $0x3  }
0x96: {  	_ =	strace s2  }
0x97: {  	_ =	strace $0x8FFFFFFF  }
0x98: {  	s18 =	sld [smem:$0x3FDB];
	_ =	sdelay $0x1  }
0x99: {  	s19 =	simm.s32 $_scs_section_size  }
0x9a: {  	s4 =	simm.s32 $_size__tile_overlayer_lowered;
	s5 =	simm.s32 $_tile_overlayer_lowered  }
0x9b: {  	s22 =	simm.s32 $0x1BFF;
	s21 =	sshll.u32 s5, $0x1;
	s2 =	sadd.s32 s19, s18  }
0x9c: {  	s6 =	simm.s32 $0x0;
	s20 =	sshll.u32 s4, $0x1;
	s4 =	sadd.s32 s21, s2  }
0x9d: {  	[timem:s6], [sflag:s22] =	dma.local [hbm:s4], s20  }
0x9e: {  	_ =	swait.ge [sflag:s22], s20  }
0x9f: {  	s3 =	ssub.s32 $0x0, s20;
	[sflag:s22] =	ssyncset.done $0x0  }
0xa0: {  	[sflag:s22] =	ssyncadd.s32 s3;
	_ =	sdelay $0x1  }
0xa1: {  	s23 =	simm.s32 $0x1B8B  }
0xa2: {  	_ =	swait.ge [sflag:s23], $0x1  }
0xa3: {  	[sflag:s23] =	ssyncset.done $0x0  }
0xa4: {  	s25 =	simm.s32 $0x1B8E;
	s24 =	sld [smem:$0x3FFE];
	[sflag:s23] =	ssyncadd.s32 $0xFFFFFFFF  }
0xa5: {  	s26 =	simm.s32 $execute0_lowered;
	[smem:$0x3FD2] =	sst s25  }
0xa6: {  	s4 =	sshll.u32 s26, $0x1;
	_ =	strace $0x80000049;
	[dreg:$0x1] =	wrdreg $0xFFFFFFFF  }
0xa7: {  	s28 =	simm.s32 $_size_execute0_lowered;
	s2 =	sadd.s32 s2, s4;
	[dreg:$0x0] =	wrdreg $0x0  }
0xa8: {  	s4 =	sshll.u32 s28, $0x1;
	[dreg:$0x2] =	wrdreg s2  }
0xa9: {  	[dreg:$0x3] =	wrdreg s4  }
0xaa: {  	[dreg:$0x4] =	wrdreg $0xC0  }
0xab: {  	_ =	task [dreg:s6], $0x5FFFF  }
0xac: {  	[dreg:$0x1] =	wrdreg $0xFFFFFFFF  }
0xad: {  	[dreg:$0x0] =	wrdreg $0x60  }
0xae: {  	[dreg:$0x2] =	wrdreg s24  }
0xaf: {  	[dreg:$0x3] =	wrdreg $0x9E200  }
0xb0: {  	[dreg:$0x4] =	wrdreg $0x9  }
0xb1: {  	_ =	task.clear_ibuf [dreg:s6], $0x5FFFF;
	_ =	strace $0x90000049  }
0xb2: {  	s29 =	simm.s32 $0x9;
	_ =	strace $0x8000004B  }
0xb3: {  	_ =	swait.ge [sflag:s29], $0x1  }
0xb4: {  	[sflag:s29] =	ssyncadd.s32 $0xFFFFFFFF  }
0xb5: {  	_ =	strace $0x9000004B  }
0xb6: {  	_ =	sfence  }
0xb7: {  	s30 =	sld [smem:$0x0];
	_ =	sdelay $0x2  }
0xb8: {  	s31 =	sshll.u32 s1, $0xD;
	s1 =	sshrl.u32 s1, $0x2  }
0xb9: {  	s3 =	sand.u32 $0x4000, s31;
	s1 =	sadd.s32 s1, s30  }
0xba: {  	s0 =	sor.u32 s3, s0;
	s1 =	sshll.u32 s1, $0x11  }
0xbb: {  	s0 =	sor.u32 s1, s0  }
0xbc: {  	s0 =	sadd.s32 $0x8F2B, s0  }
0xbd: {  	[sflag:s0] =	ssyncadd.remote.s32 $0x1  }
0xbe: {  	_ =	sfence.sel $0xFFFF  }
0xbf: {  	[dreg:$0x0] =	wrdreg $0xFFFFFFFF;
	(pc) =	sbr.abs _section_cstart, $3  }
0xc0: {  	[dreg:$0x1] =	wrdreg $0xFFFFFFFF  }
0xc1: {  	_ =	task.clear_ibuf [dreg:s6], $0x2FFFF;
	_ =	strace $0x9FFFFFFF  }
0xc2: {  	(tm) =	ssettm $0x7FFFFFFF  }
0xc3: {  	_ =	shalt  }
tec
execute0_lowered:
.L_overlay_start_1:
0x0: {  	(tag) =	ssettag $0x1  }
0x1: {  	s1 =	srdreg.scid  }
0x2: {  	s0 =	stileid.u32;
	s5 =	rddreg [dreg:$0x0]  }
0x3: {  	s2 =	rddreg [dreg:$0x1];
	s3 =	simm.s32 $0x0;
	s15 =	simm.s32 $0x4E20  }
0x4: {  	s16 =	simm.s32 $0x7620;
	s17 =	simm.s32 $0x1;
	s7 =	smul.u32 $0x2710, s0  }
0x5: {  	s18 =	simm.s32 $0x2;
	s19 =	simm.s32 $0x4DD0;
	s9 =	smul.u32 $0x13800, s0  }
0x6: {  	s6 =	sand.u32 $0x1, s1;
	s1 =	rddreg [dreg:$0x2];
	s13 =	smul.u32 $0x2700, s0  }
0x7: {  	s20 =	simm.s32 $0x0;
	[smem:$0x7FF] =	sst s3;
	s8 =	smul.u32 $0x27100, s6  }
0x8: {  	s31 =	sshll.u32 s0, $0x6;
	s11 =	smul.u32 $0x138800, s6;
	s6 =	ssub.s32 $0x2, s6  }
0x9: {  	_ =	strace $0x8000004A;
	s12 =	sshrl.u32 s6, $0x1;
	s14 =	sadd.s32 s9, s2  }
0xa: {  	s4 =	sadd.s32 s7, s8;
	s7 =	sshrl.u32 s7, $0x3;
	s11 =	sadd.s32 s9, s11  }
0xb: {  	s12 =	ssub.s32 s6, s12;
	s30 =	sadd.s32 s13, s8;
	s13 =	sshrl.u32 s14, $0x3  }
0xc: {  	s14 =	simm.s32 $0x50;
	s10 =	sshrl.u32 s4, $0x3;
	s4 =	sadd.s32 $0x16400, s5  }
0xd: {  	s7 =	sadd.s32 s7, s5;
	s11 =	sshrl.u32 s11, $0x3;
	s9 =	smax.u32 s12, $0x1  }
0xe: {  	s12 =	sor.u32 $0x1C03, s31;
	s10 =	sadd.s32 s10, s5;
	s11 =	sadd.s32 s11, s5  }
0xf: {  	s6 =	sadd.s32 $0x2400, s7;
	s7 =	sadd.s32 s4, s30;
	s5 =	sadd.s32 $0xC600, s10  }
0x10: {  	s8 =	sadd.s32 $0x64600, s11;
	s10 =	simm.s32 $0x3;
	s11 =	simm.s32 $0x2710  }
.LBB2_1:
0x11: {  	[tilespmem:s3], [sflag:$0x3] =	stream.linear.gather [hbm4b:s5+s3], $0x2710, $0x38;
	[tilespmem:$0x1D720] =	vst v63  }
0x12: {  	_ =	swait.ge [sflag:s10], $0x2710  }
0x13: {  	[sflag:s10] =	ssyncset.done $0x0  }
0x14: {  	[sflag:s10] =	ssyncadd.s32 $0xFFFFD8F0  }
0x15: {  	[tilespmem:s11], [sflag:$0x3] =	stream.linear.gather [hbm4b:s6+s3], $0x2710, $0x38;
	[tilespmem:$0x1D720] =	vst v63  }
0x16: {  	_ =	swait.ge [sflag:s10], $0x2710  }
0x17: {  	[sflag:s10] =	ssyncset.done $0x0  }
0x18: {  	[sflag:s10] =	ssyncadd.s32 $0xFFFFD8F0  }
0x19: {  	[spmem:s13], [sflag:s12] =	dma.local [hbm:s7], $0x2800  }
0x1a: {  	_ =	swait.ge [sflag:s10], $0x2800  }
0x1b: {  	[sflag:s10] =	ssyncset.done $0x0  }
0x1c: {  	[sflag:s10] =	ssyncadd.s32 $0xFFFFD800  }
0x1d: {  	[bflag:$0x0] =	sbarrier.arrive $0xFFFF  }
0x1e: {  	[tilespmem:s15], [sflag:$0x1] =	stream.indirect.gather [hbm4b:s4+s14], $0x80, s3, s14, $0xb8;
	[tilespmem:$0x1D720] =	vst v63  }
0x1f: {  	s21 =	simm.s32 $0x50  }
0x20: {  	[tilespmem:s16], [sflag:$0x2] =	stream.indirect.gather [hbm4b:s4+s14], $0x80, s21, s14, $0xb8;
	[tilespmem:$0x1D720] =	vst v63  }
0x21: {  	_ =	swait.ge [sflag:s17], $0x2800  }
0x22: {  	[sflag:s17] =	ssyncset.done $0x0  }
0x23: {  	s29 =	simm.s32 $0x2710;
	[sflag:s17] =	ssyncadd.s32 $0xFFFFD800  }
0x24: {  	[spmem:s2] =	stream.indirect.scatter.add.f32 [tilespmem:s15], [sflag:$0x3], $0x80, s29, s14, $0xb8;
	[tilespmem:$0x1D720] =	vst v63  }
0x25: {  	_ =	swait.ge [sflag:s10], $0x2800  }
0x26: {  	[sflag:s10] =	ssyncset.done $0x0  }
0x27: {  	s30 =	simm.s32 $0xA0;
	[sflag:s10] =	ssyncadd.s32 $0xFFFFD800  }
0x28: {  	[tilespmem:s15], [sflag:$0x1] =	stream.indirect.gather [hbm4b:s4+s14], $0x80, s30, s14, $0xb8;
	[tilespmem:$0x1D720] =	vst v63  }
0x29: {  	_ =	swait.ge [sflag:s18], $0x2800  }
0x2a: {  	[sflag:s18] =	ssyncset.done $0x0  }
0x2b: {  	s31 =	simm.s32 $0x2760;
	[sflag:s18] =	ssyncadd.s32 $0xFFFFD800  }
0x2c: {  	[spmem:s2] =	stream.indirect.scatter.add.f32 [tilespmem:s16], [sflag:$0x3], $0x80, s31, s14, $0xb8;
	[tilespmem:$0x1D720] =	vst v63  }
0x2d: {  	_ =	swait.ge [sflag:s10], $0x2800  }
0x2e: {  	s22 =	simm.s32 $0x500;
	s21 =	simm.s32 $0xA0;
	[sflag:s10] =	ssyncset.done $0x0  }
.LBB2_2:
0x2f: {  	s23 =	sadd.s32 $0x50, s21  }
0x30: {  	[sflag:s10] =	ssyncadd.s32 $0xFFFFD800;
	s24 =	smov.u32 s22;
	s25 =	sadd.s32 $0x280, s22  }
0x31: {  	[tilespmem:s16], [sflag:$0x2] =	stream.indirect.gather [hbm4b:s4+s14], $0x80, s23, s14, $0xb8;
	[tilespmem:$0x1D720] =	vst v63  }
0x32: {  	p0 =	sne.s32 s22, $0x9880;
	_ =	swait.ge [sflag:s17], $0x2800  }
0x33: {  	[sflag:s17] =	ssyncset.done $0x0  }
0x34: {  	s22 =	sadd.s32 $0x2710, s21;
	[sflag:s17] =	ssyncadd.s32 $0xFFFFD800  }
0x35: {  	[spmem:s2] =	stream.indirect.scatter.add.f32 [tilespmem:s15], [sflag:$0x3], $0x80, s22, s14, $0xb8;
	[tilespmem:$0x1D720] =	vst v63  }
0x36: {  	_ =	swait.ge [sflag:s10], $0x2800  }
0x37: {  	[sflag:s10] =	ssyncset.done $0x0  }
0x38: {  	s22 =	sadd.s32 $0xA0, s21;
	[sflag:s10] =	ssyncadd.s32 $0xFFFFD800  }
0x39: {  	[tilespmem:s15], [sflag:$0x1] =	stream.indirect.gather [hbm4b:s4+s14], $0x80, s22, s14, $0xb8;
	[tilespmem:$0x1D720] =	vst v63  }
0x3a: {  	_ =	swait.ge [sflag:s18], $0x2800  }
.Ltmp0:
0x3b: {  	[sflag:s18] =	ssyncset.done $0x0;
	(pc) =	sbr.rel @p0 .LBB2_2-.Ltmp0, $4  }
0x3c: {  	s21 =	sadd.s32 $0x2760, s21;
	[sflag:s18] =	ssyncadd.s32 $0xFFFFD800  }
0x3d: {  	[spmem:s2] =	stream.indirect.scatter.add.f32 [tilespmem:s16], [sflag:$0x3], $0x80, s21, s14, $0xb8;
	[tilespmem:$0x1D720] =	vst v63  }
0x3e: {  	_ =	swait.ge [sflag:s10], $0x2800  }
0x3f: {  	s22 =	smov.u32 s25;
	s21 =	sshra.s32 s24, $0x2;
	[sflag:s10] =	ssyncset.done $0x0  }
0x40: {  	s22 =	sadd.s32 $0x50, s21;
	[sflag:s10] =	ssyncadd.s32 $0xFFFFD800  }
0x41: {  	[tilespmem:s16], [sflag:$0x2] =	stream.indirect.gather [hbm4b:s4+s14], $0x80, s22, s14, $0xb8;
	[tilespmem:$0x1D720] =	vst v63  }
0x42: {  	_ =	swait.ge [sflag:s17], $0x2800  }
0x43: {  	[sflag:s17] =	ssyncset.done $0x0  }
0x44: {  	s29 =	sadd.s32 $0x2710, s21;
	[sflag:s17] =	ssyncadd.s32 $0xFFFFD800  }
0x45: {  	[spmem:s2] =	stream.indirect.scatter.add.f32 [tilespmem:s15], [sflag:$0x3], $0x80, s29, s14, $0xb8;
	[tilespmem:$0x1D720] =	vst v63  }
0x46: {  	_ =	swait.ge [sflag:s10], $0x2800  }
0x47: {  	[sflag:s10] =	ssyncset.done $0x0  }
0x48: {  	s30 =	sadd.s32 $0xA0, s21;
	[sflag:s10] =	ssyncadd.s32 $0xFFFFD800  }
0x49: {  	[tilespmem:s15], [sflag:$0x1] =	stream.indirect.gather [hbm4b:s4+s14], $0x80, s30, s14, $0xb8;
	[tilespmem:$0x1D720] =	vst v63  }
0x4a: {  	_ =	swait.ge [sflag:s18], $0x2800  }
0x4b: {  	[sflag:s18] =	ssyncset.done $0x0  }
0x4c: {  	s31 =	sadd.s32 $0x2760, s21;
	[sflag:s18] =	ssyncadd.s32 $0xFFFFD800  }
0x4d: {  	[spmem:s2] =	stream.indirect.scatter.add.f32 [tilespmem:s16], [sflag:$0x3], $0x80, s31, s14, $0xb8;
	[tilespmem:$0x1D720] =	vst v63  }
0x4e: {  	_ =	swait.ge [sflag:s10], $0x2800  }
0x4f: {  	[sflag:s10] =	ssyncset.done $0x0  }
0x50: {  	[sflag:s10] =	ssyncadd.s32 $0xFFFFD800  }
0x51: {  	_ =	swait.ge [sflag:s17], $0x2800  }
0x52: {  	[sflag:s17] =	ssyncset.done $0x0  }
0x53: {  	[sflag:s17] =	ssyncadd.s32 $0xFFFFD800  }
0x54: {  	[spmem:s2] =	stream.indirect.scatter.add.f32 [tilespmem:s15], [sflag:$0x3], $0x80, s19, s14, $0xb8;
	[tilespmem:$0x1D720] =	vst v63  }
0x55: {  	_ =	swait.ge [sflag:s10], $0x2800  }
0x56: {  	s20 =	sadd.s32 $0x1, s20;
	[sflag:s10] =	ssyncset.done $0x0  }
0x57: {  	p0 =	sne.s32 s20, s9;
	[sflag:s10] =	ssyncadd.s32 $0xFFFFD800  }
.Ltmp1:
0x58: {  	[bflag:$0x0] =	sbarrier.arrive $0xFFFF;
	(pc) =	sbr.rel @p0 .LBB2_1-.Ltmp1, $4  }
0x59: {  	[hbm:s8], [sflag:s12] =	dma.local [spmem:s13], $0x2800  }
0x5a: {  	_ =	swait.ge [sflag:s10], $0x2800  }
0x5b: {  	[sflag:s10] =	ssyncset.done $0x0  }
0x5c: {  	[sflag:s10] =	ssyncadd.s32 $0xFFFFD800  }
0x5d: {  	_ =	sfence.sel $0x180000  }
0x5e: {  	[bflag:$0x0] =	sbarrier.arrive $0xFFFF  }
0x5f: {  	p0 =	sne.s32 s0, $0x0;
	_ =	strace $0x9000004A  }
0x60: {  	s0 =	sadd.s32 @!p0 $0x100000, s1;
	[bflag:$0x2] =	sbarrier.arrive $0xFFFF  }
0x61: {  	[sflag:s0] =	ssyncadd.tile.s32 @!p0 $0x1;
	_ =	shalt  }
.Lfunc_end2:
_tile_overlayer_lowered:
.L_overlay_start_2:
0x62: {  	(tag) =	ssettag $0x2  }
0x63: {  	s0 =	rddreg [dreg:$0x0];
	s2 =	stileid.u32  }
0x64: {  	s1 =	rddreg [dreg:$0x1];
	p0 =	sne.s32 s2, $0x0  }
0x65: {  	s3 =	rddreg [dreg:$0x2];
	[bflag:$0x3] =	sbarrier.arrive $0xFFFF;
	s2 =	simm.s32 @!p0 $0x1C03  }
0x66: {  	[timem:s3], [sflag:s2] =	dma.local @!p0 [hbm:s0], s1  }
0x67: {  	s0 =	simm.s32 @!p0 $0x3  }
0x68: {  	_ =	swait.ge @!p0 [sflag:s0], s1  }
0x69: {  	s1 =	ssub.s32 @!p0 $0x0, s1;
	[sflag:s0] =	ssyncset.done @!p0 $0x0  }
0x6a: {  	[sflag:s0] =	ssyncadd.s32 @!p0 s1  }
0x6b: {  	[bflag:$0x3] =	sbarrier.arrive $0xFFFF  }
0x6c: {  	_ =	shalt  }

// kernel: kernel.16.cloned.1.call-start
scs
__scs_entry_jumppad:
0x0: {  	(pc) =	sbr.rel $0x88, $3  }
0x1: {  	(tag) =	ssettag $0x0;
	lr =	simm.s32 $0x1  }
0x2: {  	[smem:$0x3F95] =	sst lr;
	_ =	strace $0xD0000000  }
0x3: {  	_ = 	snop  }
0x4: {  	_ = 	snop  }
0x5: {  	_ = 	snop  }
0x6: {  	_ = 	snop  }
0x7: {  	_ = 	snop  }
__scs_overlays_trampoline_lowered:
0x8: {  	[smem:$0x3FA4] =	sst s0  }
0x9: {  	[smem:$0x3FA5] =	sst s1  }
0xa: {  	[smem:$0x3FA6] =	sst s2  }
0xb: {  	[smem:$0x3FA7] =	sst s3  }
0xc: {  	[smem:$0x3FA8] =	sst s4  }
0xd: {  	[smem:$0x3FA9] =	sst s5  }
0xe: {  	[smem:$0x3FAA] =	sst s6  }
0xf: {  	[smem:$0x3FAB] =	sst s7  }
0x10: {  	[smem:$0x3FAC] =	sst s8  }
0x11: {  	[smem:$0x3FAD] =	sst s9;
	s0 =	simm.s32 @!p0 $0x0  }
0x12: {  	s1 =	sld [smem:$0x3F93];
	s0 =	simm.s32 @p0 $0x1  }
0x13: {  	[smem:$0x3FAE] =	sst s0;
	s0 =	simm.s32 @!p1 $0x0  }
0x14: {  	s2 =	sld [smem:$0x3F92];
	s0 =	simm.s32 @p1 $0x1  }
0x15: {  	[smem:$0x3FAF] =	sst s0;
	s0 =	simm.s32 @!p2 $0x0  }
0x16: {  	s3 =	sld [smem:$0x3FDB];
	s0 =	simm.s32 @p2 $0x1  }
0x17: {  	s4 =	simm.s32 $0x1BF5;
	[smem:$0x3FB1] =	sst s0  }
0x18: {  	s0 =	sld [smem:$0x3F94];
	_ =	swait.ge [sflag:s4], $0x0  }
0x19: {  	s7 =	sld [smem:$0x3F95]  }
0x1a: {  	s8 =	sadd.s32 $0xFFFFE003, lr  }
0x1b: {  	s9 =	sadd.s32 $0xFFFFFEF7, lr;
	s5 =	simm.s32 $0xFFFFFFFF;
	p2 =	slt.u32 s8, $0xFFFFF086  }
0x1c: {  	p1 =	slt.u32 s9, $0xF7A;
	s5 =	simm.s32 @!p2 $0x0  }
0x1d: {  	s5 =	simm.s32 @p1 $0x1;
	p0 =	seq.s32 s7, s2  }
0x1e: {  	s7 =	smul.u32 @!p0 $0xF7A, s2;
	p2 =	seq.s32 @!p0 s5, $0x0  }
0x1f: {  	s9 =	smul.u32 $0xF7A, s1;
	s8 =	simm.s32 @!p0 $0x1BF5;
	p2 =	por !p2, p0  }
0x20: {  	[sflag:s8] =	ssyncset.s32 @!p0 $0xFFFFF086;
	s6 =	sadd.s32 @!p0 s3, s7;
	s7 =	simm.s32 @!p0 $0x108  }
0x21: {  	s3 =	sadd.s32 s3, s9;
	s6 =	sadd.s32 @!p0 $0x88, s6;
	s7 =	simm.s32 @p2 $0x1082  }
0x22: {  	[simem:s7], [sflag:s8] =	dma.local @!p0 [hbm:s6], $0xF7A  }
0x23: {  	s9 =	sor.u32 $0xD0000000, s2;
	s6 =	simm.s32 $0x108;
	_ =	swait.ge @!p0 [sflag:s8], $0x0  }
0x24: {  	s3 =	sadd.s32 $0x88, s3;
	s6 =	simm.s32 @!p1 $0x1082;
	[sflag:s4] =	ssyncset.s32 $0xFFFFF086  }
0x25: {  	[simem:s6], [sflag:s4] =	dma.local [hbm:s3], $0xF7A  }
0x26: {  	[smem:$0x3F95] =	sst s1;
	(tag) =	ssettag s2;
	_ =	strace s9  }
0x27: {  	s1 =	sld [smem:$0x3FA5]  }
0x28: {  	s2 =	sld [smem:$0x3FA6]  }
0x29: {  	s4 =	sld [smem:$0x3FA8]  }
0x2a: {  	p0 =	seq.s32 s5, $0x0;
	s5 =	sld [smem:$0x3FA9]  }
0x2b: {  	s6 =	sld [smem:$0x3FAA]  }
0x2c: {  	s7 =	sld [smem:$0x3FAB]  }
0x2d: {  	s3 =	simm.s32 $0x108;
	s8 =	sld [smem:$0x3FAC]  }
0x2e: {  	s3 =	simm.s32 @!p0 $0x1082;
	s9 =	sld [smem:$0x3FAD]  }
0x2f: {  	lr =	sadd.s32 s0, s3;
	s0 =	sld [smem:$0x3FA4]  }
0x30: {  	s3 =	sld [smem:$0x3FA7]  }
0x31: {  	[smem:$0x3FB0] =	sst s10  }
0x32: {  	s10 =	sld [smem:$0x3FAE];
	_ =	sdelay $0x3  }
0x33: {  	p0 =	seq.s32 s10, $0x1;
	s10 =	sld [smem:$0x3FB0];
	_ =	sdelay $0x3  }
0x34: {  	[smem:$0x3FB0] =	sst s10  }
0x35: {  	s10 =	sld [smem:$0x3FAF];
	_ =	sdelay $0x3  }
0x36: {  	p1 =	seq.s32 s10, $0x1;
	s10 =	sld [smem:$0x3FB0];
	_ =	sdelay $0x3  }
0x37: {  	[smem:$0x3FB0] =	sst s10  }
0x38: {  	s10 =	sld [smem:$0x3FB1]  }
0x39: {  	_ = 	snop;
	(pc) =	sbr.ind lr, $3  }
0x3a: {  	_ = 	snop  }
0x3b: {  	_ = 	snop  }
0x3c: {  	p2 =	seq.s32 s10, $0x1;
	s10 =	sld [smem:$0x3FB0]  }
0x3d: {  	_ =	shalt  }
0x3e: {  	_ =	shalt  }
0x3f: {  	_ =	shalt  }
0x40: {  	_ =	shalt  }
0x41: {  	_ =	shalt  }
0x42: {  	_ =	shalt  }
0x43: {  	_ =	shalt  }
0x44: {  	_ =	shalt  }
0x45: {  	_ =	shalt  }
0x46: {  	_ =	shalt  }
0x47: {  	_ =	shalt  }
0x48: {  	_ =	shalt  }
0x49: {  	_ =	shalt  }
0x4a: {  	_ =	shalt  }
0x4b: {  	_ =	shalt  }
0x4c: {  	_ =	shalt  }
0x4d: {  	_ =	shalt  }
0x4e: {  	_ =	shalt  }
0x4f: {  	_ =	shalt  }
0x50: {  	_ =	shalt  }
0x51: {  	_ =	shalt  }
0x52: {  	_ =	shalt  }
0x53: {  	_ =	shalt  }
0x54: {  	_ =	shalt  }
0x55: {  	_ =	shalt  }
0x56: {  	_ =	shalt  }
0x57: {  	_ =	shalt  }
0x58: {  	_ =	shalt  }
0x59: {  	_ =	shalt  }
0x5a: {  	_ =	shalt  }
0x5b: {  	_ =	shalt  }
0x5c: {  	_ =	shalt  }
0x5d: {  	_ =	shalt  }
0x5e: {  	_ =	shalt  }
0x5f: {  	_ =	shalt  }
0x60: {  	_ =	shalt  }
0x61: {  	_ =	shalt  }
0x62: {  	_ =	shalt  }
0x63: {  	_ =	shalt  }
0x64: {  	_ =	shalt  }
0x65: {  	_ =	shalt  }
0x66: {  	_ =	shalt  }
0x67: {  	_ =	shalt  }
0x68: {  	_ =	shalt  }
0x69: {  	_ =	shalt  }
0x6a: {  	_ =	shalt  }
0x6b: {  	_ =	shalt  }
0x6c: {  	_ =	shalt  }
0x6d: {  	_ =	shalt  }
0x6e: {  	_ =	shalt  }
0x6f: {  	_ =	shalt  }
0x70: {  	_ =	shalt  }
0x71: {  	_ =	shalt  }
0x72: {  	_ =	shalt  }
0x73: {  	_ =	shalt  }
0x74: {  	_ =	shalt  }
0x75: {  	_ =	shalt  }
0x76: {  	_ =	shalt  }
0x77: {  	_ =	shalt  }
0x78: {  	_ =	shalt  }
0x79: {  	_ =	shalt  }
0x7a: {  	_ =	shalt  }
0x7b: {  	_ =	shalt  }
0x7c: {  	_ =	shalt  }
0x7d: {  	_ =	shalt  }
0x7e: {  	_ =	shalt  }
0x7f: {  	_ =	shalt  }
0x80: {  	_ =	shalt  }
0x81: {  	_ =	shalt  }
0x82: {  	_ =	shalt  }
0x83: {  	_ =	shalt  }
0x84: {  	_ =	shalt  }
0x85: {  	_ =	shalt  }
0x86: {  	_ =	shalt  }
0x87: {  	_ =	shalt  }
.Lfunc_end0:
.L_simem_size_0:
called_computation.2_lowered:
.L_overlay_start_0:
0x88: {  	s2 =	sld [smem:$0x3FD9]  }
0x89: {  	s3 =	sld [smem:$0x3FFE];
	_ =	sdelay $0x1  }
0x8a: {  	s1 =	srdreg.scid  }
0x8b: {  	s0 =	sand.u32 $0x1, s1  }
0x8c: {  	s16 =	sshll.u32 s0, $0xA;
	s2 =	sadd.s32 s3, s2  }
0x8d: {  	s2 =	sadd.s32 s2, s16  }
0x8e: {  	[smem:$0x3FBC] =	sst s2  }
0x8f: {  	_ = 	snop  }
0x90: {  	(tm) =	ssettm $0x1  }
0x91: {  	s17 =	sld [smem:$0x3FFB];
	_ =	sdelay $0x3  }
0x92: {  	_ =	strace s17  }
0x93: {  	s2 =	sld [smem:$0x3FFC];
	_ =	sdelay $0x3  }
0x94: {  	_ =	strace s2  }
0x95: {  	s2 =	sld [smem:$0x3FFD];
	_ =	sdelay $0x3  }
0x96: {  	_ =	strace s2  }
0x97: {  	_ =	strace $0x8FFFFFFF  }
0x98: {  	s18 =	sld [smem:$0x3FDB];
	_ =	sdelay $0x1  }
0x99: {  	s19 =	simm.s32 $_scs_section_size  }
0x9a: {  	s4 =	simm.s32 $_size__tile_overlayer_lowered;
	s5 =	simm.s32 $_tile_overlayer_lowered  }
0x9b: {  	s22 =	simm.s32 $0x1BFF;
	s21 =	sshll.u32 s5, $0x1;
	s2 =	sadd.s32 s19, s18  }
0x9c: {  	s6 =	simm.s32 $0x0;
	s20 =	sshll.u32 s4, $0x1;
	s4 =	sadd.s32 s21, s2  }
0x9d: {  	[timem:s6], [sflag:s22] =	dma.local [hbm:s4], s20  }
0x9e: {  	_ =	swait.ge [sflag:s22], s20  }
0x9f: {  	s3 =	ssub.s32 $0x0, s20;
	[sflag:s22] =	ssyncset.done $0x0  }
0xa0: {  	[sflag:s22] =	ssyncadd.s32 s3;
	_ =	sdelay $0x1  }
0xa1: {  	s23 =	simm.s32 $0x1B8B  }
0xa2: {  	_ =	swait.ge [sflag:s23], $0x1  }
0xa3: {  	[sflag:s23] =	ssyncset.done $0x0  }
0xa4: {  	s25 =	simm.s32 $0x1B8E;
	s24 =	sld [smem:$0x3FFE];
	[sflag:s23] =	ssyncadd.s32 $0xFFFFFFFF  }
0xa5: {  	s26 =	simm.s32 $execute0_lowered;
	[smem:$0x3FD2] =	sst s25  }
0xa6: {  	s4 =	sshll.u32 s26, $0x1;
	_ =	strace $0x8000004C;
	[dreg:$0x1] =	wrdreg $0xFFFFFFFF  }
0xa7: {  	s28 =	simm.s32 $_size_execute0_lowered;
	s2 =	sadd.s32 s2, s4;
	[dreg:$0x0] =	wrdreg $0x0  }
0xa8: {  	s4 =	sshll.u32 s28, $0x1;
	[dreg:$0x2] =	wrdreg s2  }
0xa9: {  	[dreg:$0x3] =	wrdreg s4  }
0xaa: {  	[dreg:$0x4] =	wrdreg $0xC0  }
0xab: {  	_ =	task [dreg:s6], $0x5FFFF  }
0xac: {  	[dreg:$0x1] =	wrdreg $0xFFFFFFFF  }
0xad: {  	[dreg:$0x0] =	wrdreg $0x60  }
0xae: {  	[dreg:$0x2] =	wrdreg s24  }
0xaf: {  	[dreg:$0x3] =	wrdreg $0x9E200  }
0xb0: {  	[dreg:$0x4] =	wrdreg $0x9  }
0xb1: {  	_ =	task.clear_ibuf [dreg:s6], $0x5FFFF;
	_ =	strace $0x9000004C  }
0xb2: {  	s29 =	simm.s32 $0x9;
	_ =	strace $0x8000004E  }
0xb3: {  	_ =	swait.ge [sflag:s29], $0x1  }
0xb4: {  	[sflag:s29] =	ssyncadd.s32 $0xFFFFFFFF  }
0xb5: {  	_ =	strace $0x9000004E  }
0xb6: {  	_ =	sfence  }
0xb7: {  	s30 =	sld [smem:$0x0];
	_ =	sdelay $0x2  }
0xb8: {  	s31 =	sshll.u32 s1, $0xD;
	s1 =	sshrl.u32 s1, $0x2  }
0xb9: {  	s3 =	sand.u32 $0x4000, s31;
	s1 =	sadd.s32 s1, s30  }
0xba: {  	s0 =	sor.u32 s3, s0;
	s1 =	sshll.u32 s1, $0x11  }
0xbb: {  	s0 =	sor.u32 s1, s0  }
0xbc: {  	s0 =	sadd.s32 $0x8F2B, s0  }
0xbd: {  	[sflag:s0] =	ssyncadd.remote.s32 $0x1  }
0xbe: {  	_ =	sfence.sel $0xFFFF  }
0xbf: {  	[dreg:$0x0] =	wrdreg $0xFFFFFFFF;
	(pc) =	sbr.abs _section_cstart, $3  }
0xc0: {  	[dreg:$0x1] =	wrdreg $0xFFFFFFFF  }
0xc1: {  	_ =	task.clear_ibuf [dreg:s6], $0x2FFFF;
	_ =	strace $0x9FFFFFFF  }
0xc2: {  	(tm) =	ssettm $0x7FFFFFFF  }
0xc3: {  	_ =	shalt  }
tec
execute0_lowered:
.L_overlay_start_1:
0x0: {  	(tag) =	ssettag $0x1  }
0x1: {  	s1 =	srdreg.scid  }
0x2: {  	s0 =	stileid.u32;
	s5 =	rddreg [dreg:$0x0]  }
0x3: {  	s2 =	rddreg [dreg:$0x1];
	s3 =	simm.s32 $0x0;
	s15 =	simm.s32 $0x4E20  }
0x4: {  	s16 =	simm.s32 $0x7620;
	s17 =	simm.s32 $0x1;
	s7 =	smul.u32 $0x2710, s0  }
0x5: {  	s18 =	simm.s32 $0x2;
	s19 =	simm.s32 $0x4DD0;
	s9 =	smul.u32 $0x13800, s0  }
0x6: {  	s6 =	sand.u32 $0x1, s1;
	s1 =	rddreg [dreg:$0x2];
	s13 =	smul.u32 $0x2700, s0  }
0x7: {  	s20 =	simm.s32 $0x0;
	[smem:$0x7FF] =	sst s3;
	s8 =	smul.u32 $0x27100, s6  }
0x8: {  	s31 =	sshll.u32 s0, $0x6;
	s11 =	smul.u32 $0x138800, s6;
	s6 =	ssub.s32 $0x2, s6  }
0x9: {  	_ =	strace $0x8000004D;
	s12 =	sshrl.u32 s6, $0x1;
	s14 =	sadd.s32 s9, s2  }
0xa: {  	s4 =	sadd.s32 s7, s8;
	s7 =	sshrl.u32 s7, $0x3;
	s11 =	sadd.s32 s9, s11  }
0xb: {  	s12 =	ssub.s32 s6, s12;
	s30 =	sadd.s32 s13, s8;
	s13 =	sshrl.u32 s14, $0x3  }
0xc: {  	s14 =	simm.s32 $0x50;
	s10 =	sshrl.u32 s4, $0x3;
	s4 =	sadd.s32 $0x16400, s5  }
0xd: {  	s7 =	sadd.s32 s7, s5;
	s11 =	sshrl.u32 s11, $0x3;
	s9 =	smax.u32 s12, $0x1  }
0xe: {  	s12 =	sor.u32 $0x1C03, s31;
	s10 =	sadd.s32 s10, s5;
	s11 =	sadd.s32 s11, s5  }
0xf: {  	s6 =	sadd.s32 $0x2400, s7;
	s7 =	sadd.s32 s4, s30;
	s5 =	sadd.s32 $0xC600, s10  }
0x10: {  	s8 =	sadd.s32 $0x64600, s11;
	s10 =	simm.s32 $0x3;
	s11 =	simm.s32 $0x2710  }
.LBB2_1:
0x11: {  	[tilespmem:s3], [sflag:$0x3] =	stream.linear.gather [hbm4b:s5+s3], $0x2710, $0x38;
	[tilespmem:$0x1D720] =	vst v63  }
0x12: {  	_ =	swait.ge [sflag:s10], $0x2710  }
0x13: {  	[sflag:s10] =	ssyncset.done $0x0  }
0x14: {  	[sflag:s10] =	ssyncadd.s32 $0xFFFFD8F0  }
0x15: {  	[tilespmem:s11], [sflag:$0x3] =	stream.linear.gather [hbm4b:s6+s3], $0x2710, $0x38;
	[tilespmem:$0x1D720] =	vst v63  }
0x16: {  	_ =	swait.ge [sflag:s10], $0x2710  }
0x17: {  	[sflag:s10] =	ssyncset.done $0x0  }
0x18: {  	[sflag:s10] =	ssyncadd.s32 $0xFFFFD8F0  }
0x19: {  	[spmem:s13], [sflag:s12] =	dma.local [hbm:s7], $0x2800  }
0x1a: {  	_ =	swait.ge [sflag:s10], $0x2800  }
0x1b: {  	[sflag:s10] =	ssyncset.done $0x0  }
0x1c: {  	[sflag:s10] =	ssyncadd.s32 $0xFFFFD800  }
0x1d: {  	[bflag:$0x0] =	sbarrier.arrive $0xFFFF  }
0x1e: {  	[tilespmem:s15], [sflag:$0x1] =	stream.indirect.gather [hbm4b:s4+s14], $0x80, s3, s14, $0xb8;
	[tilespmem:$0x1D720] =	vst v63  }
0x1f: {  	s21 =	simm.s32 $0x50  }
0x20: {  	[tilespmem:s16], [sflag:$0x2] =	stream.indirect.gather [hbm4b:s4+s14], $0x80, s21, s14, $0xb8;
	[tilespmem:$0x1D720] =	vst v63  }
0x21: {  	_ =	swait.ge [sflag:s17], $0x2800  }
0x22: {  	[sflag:s17] =	ssyncset.done $0x0  }
0x23: {  	s29 =	simm.s32 $0x2710;
	[sflag:s17] =	ssyncadd.s32 $0xFFFFD800  }
0x24: {  	[spmem:s2] =	stream.indirect.scatter.add.f32 [tilespmem:s15], [sflag:$0x3], $0x80, s29, s14, $0xb8;
	[tilespmem:$0x1D720] =	vst v63  }
0x25: {  	_ =	swait.ge [sflag:s10], $0x2800  }
0x26: {  	[sflag:s10] =	ssyncset.done $0x0  }
0x27: {  	s30 =	simm.s32 $0xA0;
	[sflag:s10] =	ssyncadd.s32 $0xFFFFD800  }
0x28: {  	[tilespmem:s15], [sflag:$0x1] =	stream.indirect.gather [hbm4b:s4+s14], $0x80, s30, s14, $0xb8;
	[tilespmem:$0x1D720] =	vst v63  }
0x29: {  	_ =	swait.ge [sflag:s18], $0x2800  }
0x2a: {  	[sflag:s18] =	ssyncset.done $0x0  }
0x2b: {  	s31 =	simm.s32 $0x2760;
	[sflag:s18] =	ssyncadd.s32 $0xFFFFD800  }
0x2c: {  	[spmem:s2] =	stream.indirect.scatter.add.f32 [tilespmem:s16], [sflag:$0x3], $0x80, s31, s14, $0xb8;
	[tilespmem:$0x1D720] =	vst v63  }
0x2d: {  	_ =	swait.ge [sflag:s10], $0x2800  }
0x2e: {  	s22 =	simm.s32 $0x500;
	s21 =	simm.s32 $0xA0;
	[sflag:s10] =	ssyncset.done $0x0  }
.LBB2_2:
0x2f: {  	s23 =	sadd.s32 $0x50, s21  }
0x30: {  	[sflag:s10] =	ssyncadd.s32 $0xFFFFD800;
	s24 =	smov.u32 s22;
	s25 =	sadd.s32 $0x280, s22  }
0x31: {  	[tilespmem:s16], [sflag:$0x2] =	stream.indirect.gather [hbm4b:s4+s14], $0x80, s23, s14, $0xb8;
	[tilespmem:$0x1D720] =	vst v63  }
0x32: {  	p0 =	sne.s32 s22, $0x9880;
	_ =	swait.ge [sflag:s17], $0x2800  }
0x33: {  	[sflag:s17] =	ssyncset.done $0x0  }
0x34: {  	s22 =	sadd.s32 $0x2710, s21;
	[sflag:s17] =	ssyncadd.s32 $0xFFFFD800  }
0x35: {  	[spmem:s2] =	stream.indirect.scatter.add.f32 [tilespmem:s15], [sflag:$0x3], $0x80, s22, s14, $0xb8;
	[tilespmem:$0x1D720] =	vst v63  }
0x36: {  	_ =	swait.ge [sflag:s10], $0x2800  }
0x37: {  	[sflag:s10] =	ssyncset.done $0x0  }
0x38: {  	s22 =	sadd.s32 $0xA0, s21;
	[sflag:s10] =	ssyncadd.s32 $0xFFFFD800  }
0x39: {  	[tilespmem:s15], [sflag:$0x1] =	stream.indirect.gather [hbm4b:s4+s14], $0x80, s22, s14, $0xb8;
	[tilespmem:$0x1D720] =	vst v63  }
0x3a: {  	_ =	swait.ge [sflag:s18], $0x2800  }
.Ltmp0:
0x3b: {  	[sflag:s18] =	ssyncset.done $0x0;
	(pc) =	sbr.rel @p0 .LBB2_2-.Ltmp0, $4  }
0x3c: {  	s21 =	sadd.s32 $0x2760, s21;
	[sflag:s18] =	ssyncadd.s32 $0xFFFFD800  }
0x3d: {  	[spmem:s2] =	stream.indirect.scatter.add.f32 [tilespmem:s16], [sflag:$0x3], $0x80, s21, s14, $0xb8;
	[tilespmem:$0x1D720] =	vst v63  }
0x3e: {  	_ =	swait.ge [sflag:s10], $0x2800  }
0x3f: {  	s22 =	smov.u32 s25;
	s21 =	sshra.s32 s24, $0x2;
	[sflag:s10] =	ssyncset.done $0x0  }
0x40: {  	s22 =	sadd.s32 $0x50, s21;
	[sflag:s10] =	ssyncadd.s32 $0xFFFFD800  }
0x41: {  	[tilespmem:s16], [sflag:$0x2] =	stream.indirect.gather [hbm4b:s4+s14], $0x80, s22, s14, $0xb8;
	[tilespmem:$0x1D720] =	vst v63  }
0x42: {  	_ =	swait.ge [sflag:s17], $0x2800  }
0x43: {  	[sflag:s17] =	ssyncset.done $0x0  }
0x44: {  	s29 =	sadd.s32 $0x2710, s21;
	[sflag:s17] =	ssyncadd.s32 $0xFFFFD800  }
0x45: {  	[spmem:s2] =	stream.indirect.scatter.add.f32 [tilespmem:s15], [sflag:$0x3], $0x80, s29, s14, $0xb8;
	[tilespmem:$0x1D720] =	vst v63  }
0x46: {  	_ =	swait.ge [sflag:s10], $0x2800  }
0x47: {  	[sflag:s10] =	ssyncset.done $0x0  }
0x48: {  	s30 =	sadd.s32 $0xA0, s21;
	[sflag:s10] =	ssyncadd.s32 $0xFFFFD800  }
0x49: {  	[tilespmem:s15], [sflag:$0x1] =	stream.indirect.gather [hbm4b:s4+s14], $0x80, s30, s14, $0xb8;
	[tilespmem:$0x1D720] =	vst v63  }
0x4a: {  	_ =	swait.ge [sflag:s18], $0x2800  }
0x4b: {  	[sflag:s18] =	ssyncset.done $0x0  }
0x4c: {  	s31 =	sadd.s32 $0x2760, s21;
	[sflag:s18] =	ssyncadd.s32 $0xFFFFD800  }
0x4d: {  	[spmem:s2] =	stream.indirect.scatter.add.f32 [tilespmem:s16], [sflag:$0x3], $0x80, s31, s14, $0xb8;
	[tilespmem:$0x1D720] =	vst v63  }
0x4e: {  	_ =	swait.ge [sflag:s10], $0x2800  }
0x4f: {  	[sflag:s10] =	ssyncset.done $0x0  }
0x50: {  	[sflag:s10] =	ssyncadd.s32 $0xFFFFD800  }
0x51: {  	_ =	swait.ge [sflag:s17], $0x2800  }
0x52: {  	[sflag:s17] =	ssyncset.done $0x0  }
0x53: {  	[sflag:s17] =	ssyncadd.s32 $0xFFFFD800  }
0x54: {  	[spmem:s2] =	stream.indirect.scatter.add.f32 [tilespmem:s15], [sflag:$0x3], $0x80, s19, s14, $0xb8;
	[tilespmem:$0x1D720] =	vst v63  }
0x55: {  	_ =	swait.ge [sflag:s10], $0x2800  }
0x56: {  	s20 =	sadd.s32 $0x1, s20;
	[sflag:s10] =	ssyncset.done $0x0  }
0x57: {  	p0 =	sne.s32 s20, s9;
	[sflag:s10] =	ssyncadd.s32 $0xFFFFD800  }
.Ltmp1:
0x58: {  	[bflag:$0x0] =	sbarrier.arrive $0xFFFF;
	(pc) =	sbr.rel @p0 .LBB2_1-.Ltmp1, $4  }
0x59: {  	[hbm:s8], [sflag:s12] =	dma.local [spmem:s13], $0x2800  }
0x5a: {  	_ =	swait.ge [sflag:s10], $0x2800  }
0x5b: {  	[sflag:s10] =	ssyncset.done $0x0  }
0x5c: {  	[sflag:s10] =	ssyncadd.s32 $0xFFFFD800  }
0x5d: {  	_ =	sfence.sel $0x180000  }
0x5e: {  	[bflag:$0x0] =	sbarrier.arrive $0xFFFF  }
0x5f: {  	p0 =	sne.s32 s0, $0x0;
	_ =	strace $0x9000004D  }
0x60: {  	s0 =	sadd.s32 @!p0 $0x100000, s1;
	[bflag:$0x2] =	sbarrier.arrive $0xFFFF  }
0x61: {  	[sflag:s0] =	ssyncadd.tile.s32 @!p0 $0x1;
	_ =	shalt  }
.Lfunc_end2:
_tile_overlayer_lowered:
.L_overlay_start_2:
0x62: {  	(tag) =	ssettag $0x2  }
0x63: {  	s0 =	rddreg [dreg:$0x0];
	s2 =	stileid.u32  }
0x64: {  	s1 =	rddreg [dreg:$0x1];
	p0 =	sne.s32 s2, $0x0  }
0x65: {  	s3 =	rddreg [dreg:$0x2];
	[bflag:$0x3] =	sbarrier.arrive $0xFFFF;
	s2 =	simm.s32 @!p0 $0x1C03  }
0x66: {  	[timem:s3], [sflag:s2] =	dma.local @!p0 [hbm:s0], s1  }
0x67: {  	s0 =	simm.s32 @!p0 $0x3  }
0x68: {  	_ =	swait.ge @!p0 [sflag:s0], s1  }
0x69: {  	s1 =	ssub.s32 @!p0 $0x0, s1;
	[sflag:s0] =	ssyncset.done @!p0 $0x0  }
0x6a: {  	[sflag:s0] =	ssyncadd.s32 @!p0 s1  }
0x6b: {  	[bflag:$0x3] =	sbarrier.arrive $0xFFFF  }
0x6c: {  	_ =	shalt  }

// kernel: kernel.19.cloned.1.call-start
scs
__scs_entry_jumppad:
0x0: {  	(pc) =	sbr.rel $0x88, $3  }
0x1: {  	(tag) =	ssettag $0x0;
	lr =	simm.s32 $0x1  }
0x2: {  	[smem:$0x3F95] =	sst lr;
	_ =	strace $0xD0000000  }
0x3: {  	_ = 	snop  }
0x4: {  	_ = 	snop  }
0x5: {  	_ = 	snop  }
0x6: {  	_ = 	snop  }
0x7: {  	_ = 	snop  }
__scs_overlays_trampoline_lowered:
0x8: {  	[smem:$0x3FA4] =	sst s0  }
0x9: {  	[smem:$0x3FA5] =	sst s1  }
0xa: {  	[smem:$0x3FA6] =	sst s2  }
0xb: {  	[smem:$0x3FA7] =	sst s3  }
0xc: {  	[smem:$0x3FA8] =	sst s4  }
0xd: {  	[smem:$0x3FA9] =	sst s5  }
0xe: {  	[smem:$0x3FAA] =	sst s6  }
0xf: {  	[smem:$0x3FAB] =	sst s7  }
0x10: {  	[smem:$0x3FAC] =	sst s8  }
0x11: {  	[smem:$0x3FAD] =	sst s9;
	s0 =	simm.s32 @!p0 $0x0  }
0x12: {  	s1 =	sld [smem:$0x3F93];
	s0 =	simm.s32 @p0 $0x1  }
0x13: {  	[smem:$0x3FAE] =	sst s0;
	s0 =	simm.s32 @!p1 $0x0  }
0x14: {  	s2 =	sld [smem:$0x3F92];
	s0 =	simm.s32 @p1 $0x1  }
0x15: {  	[smem:$0x3FAF] =	sst s0;
	s0 =	simm.s32 @!p2 $0x0  }
0x16: {  	s3 =	sld [smem:$0x3FDB];
	s0 =	simm.s32 @p2 $0x1  }
0x17: {  	s4 =	simm.s32 $0x1BF5;
	[smem:$0x3FB1] =	sst s0  }
0x18: {  	s0 =	sld [smem:$0x3F94];
	_ =	swait.ge [sflag:s4], $0x0  }
0x19: {  	s7 =	sld [smem:$0x3F95]  }
0x1a: {  	s8 =	sadd.s32 $0xFFFFE003, lr  }
0x1b: {  	s9 =	sadd.s32 $0xFFFFFEF7, lr;
	s5 =	simm.s32 $0xFFFFFFFF;
	p2 =	slt.u32 s8, $0xFFFFF086  }
0x1c: {  	p1 =	slt.u32 s9, $0xF7A;
	s5 =	simm.s32 @!p2 $0x0  }
0x1d: {  	s5 =	simm.s32 @p1 $0x1;
	p0 =	seq.s32 s7, s2  }
0x1e: {  	s7 =	smul.u32 @!p0 $0xF7A, s2;
	p2 =	seq.s32 @!p0 s5, $0x0  }
0x1f: {  	s9 =	smul.u32 $0xF7A, s1;
	s8 =	simm.s32 @!p0 $0x1BF5;
	p2 =	por !p2, p0  }
0x20: {  	[sflag:s8] =	ssyncset.s32 @!p0 $0xFFFFF086;
	s6 =	sadd.s32 @!p0 s3, s7;
	s7 =	simm.s32 @!p0 $0x108  }
0x21: {  	s3 =	sadd.s32 s3, s9;
	s6 =	sadd.s32 @!p0 $0x88, s6;
	s7 =	simm.s32 @p2 $0x1082  }
0x22: {  	[simem:s7], [sflag:s8] =	dma.local @!p0 [hbm:s6], $0xF7A  }
0x23: {  	s9 =	sor.u32 $0xD0000000, s2;
	s6 =	simm.s32 $0x108;
	_ =	swait.ge @!p0 [sflag:s8], $0x0  }
0x24: {  	s3 =	sadd.s32 $0x88, s3;
	s6 =	simm.s32 @!p1 $0x1082;
	[sflag:s4] =	ssyncset.s32 $0xFFFFF086  }
0x25: {  	[simem:s6], [sflag:s4] =	dma.local [hbm:s3], $0xF7A  }
0x26: {  	[smem:$0x3F95] =	sst s1;
	(tag) =	ssettag s2;
	_ =	strace s9  }
0x27: {  	s1 =	sld [smem:$0x3FA5]  }
0x28: {  	s2 =	sld [smem:$0x3FA6]  }
0x29: {  	s4 =	sld [smem:$0x3FA8]  }
0x2a: {  	p0 =	seq.s32 s5, $0x0;
	s5 =	sld [smem:$0x3FA9]  }
0x2b: {  	s6 =	sld [smem:$0x3FAA]  }
0x2c: {  	s7 =	sld [smem:$0x3FAB]  }
0x2d: {  	s3 =	simm.s32 $0x108;
	s8 =	sld [smem:$0x3FAC]  }
0x2e: {  	s3 =	simm.s32 @!p0 $0x1082;
	s9 =	sld [smem:$0x3FAD]  }
0x2f: {  	lr =	sadd.s32 s0, s3;
	s0 =	sld [smem:$0x3FA4]  }
0x30: {  	s3 =	sld [smem:$0x3FA7]  }
0x31: {  	[smem:$0x3FB0] =	sst s10  }
0x32: {  	s10 =	sld [smem:$0x3FAE];
	_ =	sdelay $0x3  }
0x33: {  	p0 =	seq.s32 s10, $0x1;
	s10 =	sld [smem:$0x3FB0];
	_ =	sdelay $0x3  }
0x34: {  	[smem:$0x3FB0] =	sst s10  }
0x35: {  	s10 =	sld [smem:$0x3FAF];
	_ =	sdelay $0x3  }
0x36: {  	p1 =	seq.s32 s10, $0x1;
	s10 =	sld [smem:$0x3FB0];
	_ =	sdelay $0x3  }
0x37: {  	[smem:$0x3FB0] =	sst s10  }
0x38: {  	s10 =	sld [smem:$0x3FB1]  }
0x39: {  	_ = 	snop;
	(pc) =	sbr.ind lr, $3  }
0x3a: {  	_ = 	snop  }
0x3b: {  	_ = 	snop  }
0x3c: {  	p2 =	seq.s32 s10, $0x1;
	s10 =	sld [smem:$0x3FB0]  }
0x3d: {  	_ =	shalt  }
0x3e: {  	_ =	shalt  }
0x3f: {  	_ =	shalt  }
0x40: {  	_ =	shalt  }
0x41: {  	_ =	shalt  }
0x42: {  	_ =	shalt  }
0x43: {  	_ =	shalt  }
0x44: {  	_ =	shalt  }
0x45: {  	_ =	shalt  }
0x46: {  	_ =	shalt  }
0x47: {  	_ =	shalt  }
0x48: {  	_ =	shalt  }
0x49: {  	_ =	shalt  }
0x4a: {  	_ =	shalt  }
0x4b: {  	_ =	shalt  }
0x4c: {  	_ =	shalt  }
0x4d: {  	_ =	shalt  }
0x4e: {  	_ =	shalt  }
0x4f: {  	_ =	shalt  }
0x50: {  	_ =	shalt  }
0x51: {  	_ =	shalt  }
0x52: {  	_ =	shalt  }
0x53: {  	_ =	shalt  }
0x54: {  	_ =	shalt  }
0x55: {  	_ =	shalt  }
0x56: {  	_ =	shalt  }
0x57: {  	_ =	shalt  }
0x58: {  	_ =	shalt  }
0x59: {  	_ =	shalt  }
0x5a: {  	_ =	shalt  }
0x5b: {  	_ =	shalt  }
0x5c: {  	_ =	shalt  }
0x5d: {  	_ =	shalt  }
0x5e: {  	_ =	shalt  }
0x5f: {  	_ =	shalt  }
0x60: {  	_ =	shalt  }
0x61: {  	_ =	shalt  }
0x62: {  	_ =	shalt  }
0x63: {  	_ =	shalt  }
0x64: {  	_ =	shalt  }
0x65: {  	_ =	shalt  }
0x66: {  	_ =	shalt  }
0x67: {  	_ =	shalt  }
0x68: {  	_ =	shalt  }
0x69: {  	_ =	shalt  }
0x6a: {  	_ =	shalt  }
0x6b: {  	_ =	shalt  }
0x6c: {  	_ =	shalt  }
0x6d: {  	_ =	shalt  }
0x6e: {  	_ =	shalt  }
0x6f: {  	_ =	shalt  }
0x70: {  	_ =	shalt  }
0x71: {  	_ =	shalt  }
0x72: {  	_ =	shalt  }
0x73: {  	_ =	shalt  }
0x74: {  	_ =	shalt  }
0x75: {  	_ =	shalt  }
0x76: {  	_ =	shalt  }
0x77: {  	_ =	shalt  }
0x78: {  	_ =	shalt  }
0x79: {  	_ =	shalt  }
0x7a: {  	_ =	shalt  }
0x7b: {  	_ =	shalt  }
0x7c: {  	_ =	shalt  }
0x7d: {  	_ =	shalt  }
0x7e: {  	_ =	shalt  }
0x7f: {  	_ =	shalt  }
0x80: {  	_ =	shalt  }
0x81: {  	_ =	shalt  }
0x82: {  	_ =	shalt  }
0x83: {  	_ =	shalt  }
0x84: {  	_ =	shalt  }
0x85: {  	_ =	shalt  }
0x86: {  	_ =	shalt  }
0x87: {  	_ =	shalt  }
.Lfunc_end0:
.L_simem_size_0:
called_computation.3_lowered:
.L_overlay_start_0:
0x88: {  	s2 =	sld [smem:$0x3FD9]  }
0x89: {  	s3 =	sld [smem:$0x3FFE];
	_ =	sdelay $0x1  }
0x8a: {  	s1 =	srdreg.scid  }
0x8b: {  	s0 =	sand.u32 $0x1, s1  }
0x8c: {  	s17 =	sshll.u32 s0, $0xA;
	s2 =	sadd.s32 s3, s2  }
0x8d: {  	s2 =	sadd.s32 s2, s17  }
0x8e: {  	[smem:$0x3FBC] =	sst s2  }
0x8f: {  	_ = 	snop  }
0x90: {  	s2 =	sld [smem:$0x3FD0];
	(tm) =	ssettm $0x1  }
0x91: {  	s18 =	sld [smem:$0x3FFB];
	_ =	sdelay $0x3  }
0x92: {  	_ =	strace s18  }
0x93: {  	s3 =	sld [smem:$0x3FFC];
	_ =	sdelay $0x3  }
0x94: {  	_ =	strace s3  }
0x95: {  	s3 =	sld [smem:$0x3FFD];
	_ =	sdelay $0x3  }
0x96: {  	_ =	strace s3  }
0x97: {  	_ =	strace $0x8FFFFFFF  }
0x98: {  	s19 =	sld [smem:$0x3FDB];
	_ =	sdelay $0x1  }
0x99: {  	s4 =	simm.s32 $_scs_section_size  }
0x9a: {  	s5 =	simm.s32 $_size__tile_overlayer_lowered;
	s6 =	simm.s32 $_tile_overlayer_lowered  }
0x9b: {  	s22 =	simm.s32 $0x1BFF;
	s21 =	sshll.u32 s6, $0x1;
	s3 =	sadd.s32 s4, s19  }
0x9c: {  	s7 =	simm.s32 $0x0;
	s20 =	sshll.u32 s5, $0x1;
	s5 =	sadd.s32 s21, s3  }
0x9d: {  	[timem:s7], [sflag:s22] =	dma.local [hbm:s5], s20  }
0x9e: {  	_ =	swait.ge [sflag:s22], s20  }
0x9f: {  	s4 =	ssub.s32 $0x0, s20;
	[sflag:s22] =	ssyncset.done $0x0  }
0xa0: {  	[sflag:s22] =	ssyncadd.s32 s4;
	_ =	sdelay $0x1  }
0xa1: {  	s23 =	simm.s32 $0x1B8B  }
0xa2: {  	_ =	swait.ge [sflag:s23], $0x1  }
0xa3: {  	[sflag:s23] =	ssyncset.done $0x0  }
0xa4: {  	s25 =	simm.s32 $0x1B8E;
	s24 =	sld [smem:$0x3FFE];
	[sflag:s23] =	ssyncadd.s32 $0xFFFFFFFF  }
0xa5: {  	s26 =	simm.s32 $execute0_lowered;
	[smem:$0x3FD2] =	sst s25  }
0xa6: {  	s5 =	sshll.u32 s26, $0x1;
	_ =	strace $0x8000004F;
	[dreg:$0x1] =	wrdreg $0xFFFFFFFF  }
0xa7: {  	s28 =	simm.s32 $_size_execute0_lowered;
	s3 =	sadd.s32 s3, s5;
	[dreg:$0x0] =	wrdreg $0x0  }
0xa8: {  	s5 =	sshll.u32 s28, $0x1;
	[dreg:$0x2] =	wrdreg s3  }
0xa9: {  	[dreg:$0x3] =	wrdreg s5  }
0xaa: {  	[dreg:$0x4] =	wrdreg $0xC0  }
0xab: {  	_ =	task [dreg:s7], $0x5FFFF  }
0xac: {  	[dreg:$0x1] =	wrdreg $0xFFFFFFFF  }
0xad: {  	[dreg:$0x0] =	wrdreg $0x60  }
0xae: {  	[dreg:$0x2] =	wrdreg s24  }
0xaf: {  	[dreg:$0x3] =	wrdreg s2  }
0xb0: {  	[dreg:$0x4] =	wrdreg $0xA0000  }
0xb1: {  	[dreg:$0x5] =	wrdreg $0x9  }
0xb2: {  	_ =	task.clear_ibuf [dreg:s7], $0x6FFFF;
	_ =	strace $0x9000004F  }
0xb3: {  	s29 =	simm.s32 $0x9;
	_ =	strace $0x80000051  }
0xb4: {  	_ =	swait.ge [sflag:s29], $0x1  }
0xb5: {  	[sflag:s29] =	ssyncadd.s32 $0xFFFFFFFF  }
0xb6: {  	_ =	strace $0x90000051  }
0xb7: {  	_ =	sfence  }
0xb8: {  	s30 =	sld [smem:$0x0];
	_ =	sdelay $0x2  }
0xb9: {  	s31 =	sshll.u32 s1, $0xD;
	s1 =	sshrl.u32 s1, $0x2  }
0xba: {  	s3 =	sand.u32 $0x4000, s31;
	s1 =	sadd.s32 s1, s30  }
0xbb: {  	s0 =	sor.u32 s3, s0;
	s1 =	sshll.u32 s1, $0x11  }
0xbc: {  	s0 =	sor.u32 s1, s0  }
0xbd: {  	s0 =	sadd.s32 $0x8F2B, s0  }
0xbe: {  	[sflag:s0] =	ssyncadd.remote.s32 $0x1  }
0xbf: {  	_ =	sfence.sel $0xFFFF  }
0xc0: {  	[dreg:$0x0] =	wrdreg $0xFFFFFFFF;
	(pc) =	sbr.abs _section_cstart, $3  }
0xc1: {  	[dreg:$0x1] =	wrdreg $0xFFFFFFFF  }
0xc2: {  	_ =	task.clear_ibuf [dreg:s7], $0x2FFFF;
	_ =	strace $0x9FFFFFFF  }
0xc3: {  	(tm) =	ssettm $0x7FFFFFFF  }
tec
execute0_lowered:
.L_overlay_start_1:
0x0: {  	(tag) =	ssettag $0x1  }
0x1: {  	s0 =	rddreg [dreg:$0x0]  }
0x2: {  	s1 =	rddreg [dreg:$0x1]  }
0x3: {  	s2 =	rddreg [dreg:$0x2];
	s13 =	stileid.u32  }
0x4: {  	s4 =	srdreg.scid;
	s3 =	simm.s32 $0x0;
	s14 =	simm.s32 $0x80  }
0x5: {  	s15 =	simm.s32 $0x5000;
	s16 =	simm.s32 $0x6000;
	s18 =	simm.s32 $0x7000  }
0x6: {  	s20 =	simm.s32 $0x8000;
	s29 =	simm.s32 $0x3;
	s31 =	simm.s32 $0x7  }
0x7: {  	s19 =	simm.s32 $0x8;
	s30 =	simm.s32 $0x9;
	s5 =	smul.u32 $0x2800, s13  }
0x8: {  	s17 =	simm.s32 $0xA;
	s28 =	simm.s32 $0x0;
	s7 =	smul.u32 $0x4E00, s13  }
0x9: {  	s6 =	sand.u32 $0x1, s4;
	[smem:$0x7FF] =	sst s3;
	s11 =	smul.u32 $0x9C0, s13  }
0xa: {  	s4 =	sadd.s32 $0xC400, s0;
	s26 =	sshll.u32 s13, $0x6;
	s8 =	smul.u32 $0x4E200, s6  }
0xb: {  	_ =	strace $0x80000050;
	s10 =	smul.u32 $0x28000, s6;
	s12 =	ssub.s32 $0x2, s6  }
0xc: {  	s6 =	smul.u32 $0x9C40, s6;
	s9 =	sshrl.u32 s5, $0x3;
	s21 =	sshrl.u32 s12, $0x1  }
0xd: {  	s25 =	sadd.s32 s7, s2;
	s8 =	sadd.s32 s7, s8;
	s9 =	sadd.s32 s9, s0  }
0xe: {  	s5 =	sadd.s32 s5, s10;
	s22 =	ssub.s32 s12, s21;
	s23 =	sadd.s32 s11, s6  }
0xf: {  	s10 =	simm.s32 $0xB;
	s11 =	simm.s32 $0x2800;
	s12 =	sor.u32 $0x1C0B, s26  }
0x10: {  	s13 =	sshrl.u32 s25, $0x3;
	s26 =	simm.s32 $0x6;
	s25 =	simm.s32 $0x5  }
0x11: {  	s21 =	simm.s32 $0x2780;
	s8 =	sshrl.u32 s8, $0x3;
	s5 =	sshrl.u32 s5, $0x3  }
0x12: {  	s24 =	sadd.s32 $0x7400, s9;
	s7 =	sadd.s32 s4, s23;
	s9 =	smax.u32 s22, $0x1  }
0x13: {  	s22 =	simm.s32 $0x9000;
	s23 =	simm.s32 $0x1;
	s0 =	sadd.s32 s8, s0  }
0x14: {  	s1 =	sadd.s32 s1, s5;
	[dreg:$0x5] =	wrdreg s24;
	s24 =	simm.s32 $0x2  }
0x15: {  	[dreg:$0x4] =	wrdreg s1;
	s8 =	sadd.s32 $0x1FE00, s0;
	s1 =	simm.s32 $0x4  }
.LBB2_1:
0x16: {  	s0 =	rddreg [dreg:$0x4]  }
0x17: {  	[tilespmem:s3], [sflag:$0xB] =	stream.linear.gather [hbm4b:s0+s3], $0x2800, $0x38;
	[tilespmem:$0xEE40] =	vst v63  }
0x18: {  	_ =	swait.ge [sflag:s10], $0x2800  }
0x19: {  	[sflag:s10] =	ssyncset.done $0x0  }
0x1a: {  	s6 =	rddreg [dreg:$0x5];
	[sflag:s10] =	ssyncadd.s32 $0xFFFFD800  }
0x1b: {  	[tilespmem:s11], [sflag:$0xB] =	stream.linear.gather [hbm4b:s6+s3], $0x2800, $0x38;
	[tilespmem:$0xEE40] =	vst v63  }
0x1c: {  	_ =	swait.ge [sflag:s10], $0x2800  }
0x1d: {  	[sflag:s10] =	ssyncset.done $0x0  }
0x1e: {  	[sflag:s10] =	ssyncadd.s32 $0xFFFFD800  }
0x1f: {  	[spmem:s13], [sflag:s12] =	dma.local [hbm:s7], $0xA00  }
0x20: {  	_ =	swait.ge [sflag:s10], $0xA00  }
0x21: {  	[sflag:s10] =	ssyncset.done $0x0  }
0x22: {  	[sflag:s10] =	ssyncadd.s32 $0xFFFFF600  }
0x23: {  	[bflag:$0x0] =	sbarrier.arrive $0xFFFF  }
0x24: {  	[tilespmem:s15], [sflag:$0x1] =	stream.indirect.gather [hbm4b:s4+s14], $0x20, s3, s14, $0xb8;
	[tilespmem:$0xEE40] =	vst v63  }
0x25: {  	_ = 	snop  }
0x26: {  	[tilespmem:s16], [sflag:$0x2] =	stream.indirect.gather [hbm4b:s4+s14], $0x20, s14, s14, $0xb8;
	[tilespmem:$0xEE40] =	vst v63  }
0x27: {  	s5 =	simm.s32 $0x100  }
0x28: {  	[tilespmem:s18], [sflag:$0x3] =	stream.indirect.gather [hbm4b:s4+s14], $0x20, s5, s14, $0xb8;
	[tilespmem:$0xEE40] =	vst v63  }
0x29: {  	s6 =	simm.s32 $0x180  }
0x2a: {  	[tilespmem:s20], [sflag:$0x4] =	stream.indirect.gather [hbm4b:s4+s14], $0x20, s6, s14, $0xb8;
	[tilespmem:$0xEE40] =	vst v63  }
0x2b: {  	s5 =	simm.s32 $0x200  }
0x2c: {  	[tilespmem:s22], [sflag:$0x5] =	stream.indirect.gather [hbm4b:s4+s14], $0x20, s5, s14, $0xb8;
	[tilespmem:$0xEE40] =	vst v63  }
0x2d: {  	_ =	swait.ge [sflag:s23], $0x1000  }
0x2e: {  	[sflag:s23] =	ssyncset.done $0x0  }
0x2f: {  	[sflag:s23] =	ssyncadd.s32 $0xFFFFF000  }
0x30: {  	[spmem:s2] =	stream.indirect.scatter.add.f32 [tilespmem:s15], [sflag:$0x6], $0x20, s11, s14, $0xb8;
	[tilespmem:$0xEE40] =	vst v63  }
0x31: {  	_ =	swait.ge [sflag:s24], $0x1000  }
0x32: {  	[sflag:s24] =	ssyncset.done $0x0  }
0x33: {  	s6 =	simm.s32 $0x2880;
	[sflag:s24] =	ssyncadd.s32 $0xFFFFF000  }
0x34: {  	[spmem:s2] =	stream.indirect.scatter.add.f32 [tilespmem:s16], [sflag:$0x7], $0x20, s6, s14, $0xb8;
	[tilespmem:$0xEE40] =	vst v63  }
0x35: {  	_ =	swait.ge [sflag:s26], $0x1000  }
0x36: {  	[sflag:s26] =	ssyncset.done $0x0  }
0x37: {  	s5 =	simm.s32 $0x280;
	[sflag:s26] =	ssyncadd.s32 $0xFFFFF000  }
0x38: {  	[tilespmem:s15], [sflag:$0x1] =	stream.indirect.gather [hbm4b:s4+s14], $0x20, s5, s14, $0xb8;
	[tilespmem:$0xEE40] =	vst v63  }
0x39: {  	_ =	swait.ge [sflag:s29], $0x1000  }
0x3a: {  	[sflag:s29] =	ssyncset.done $0x0  }
0x3b: {  	s6 =	simm.s32 $0x2900;
	[sflag:s29] =	ssyncadd.s32 $0xFFFFF000  }
0x3c: {  	[spmem:s2] =	stream.indirect.scatter.add.f32 [tilespmem:s18], [sflag:$0x8], $0x20, s6, s14, $0xb8;
	[tilespmem:$0xEE40] =	vst v63  }
0x3d: {  	_ =	swait.ge [sflag:s31], $0x1000  }
0x3e: {  	[sflag:s31] =	ssyncset.done $0x0  }
0x3f: {  	s5 =	simm.s32 $0x300;
	[sflag:s31] =	ssyncadd.s32 $0xFFFFF000  }
0x40: {  	[tilespmem:s16], [sflag:$0x2] =	stream.indirect.gather [hbm4b:s4+s14], $0x20, s5, s14, $0xb8;
	[tilespmem:$0xEE40] =	vst v63  }
0x41: {  	_ =	swait.ge [sflag:s1], $0x1000  }
0x42: {  	[sflag:s1] =	ssyncset.done $0x0  }
0x43: {  	s6 =	simm.s32 $0x2980;
	[sflag:s1] =	ssyncadd.s32 $0xFFFFF000  }
0x44: {  	[spmem:s2] =	stream.indirect.scatter.add.f32 [tilespmem:s20], [sflag:$0x9], $0x20, s6, s14, $0xb8;
	[tilespmem:$0xEE40] =	vst v63  }
0x45: {  	_ =	swait.ge [sflag:s19], $0x1000  }
0x46: {  	[sflag:s19] =	ssyncset.done $0x0  }
0x47: {  	s5 =	simm.s32 $0x380;
	[sflag:s19] =	ssyncadd.s32 $0xFFFFF000  }
0x48: {  	[tilespmem:s18], [sflag:$0x3] =	stream.indirect.gather [hbm4b:s4+s14], $0x20, s5, s14, $0xb8;
	[tilespmem:$0xEE40] =	vst v63  }
0x49: {  	_ =	swait.ge [sflag:s25], $0x1000  }
0x4a: {  	[sflag:s25] =	ssyncset.done $0x0  }
0x4b: {  	s6 =	simm.s32 $0x2A00;
	[sflag:s25] =	ssyncadd.s32 $0xFFFFF000  }
0x4c: {  	[spmem:s2] =	stream.indirect.scatter.add.f32 [tilespmem:s22], [sflag:$0xA], $0x20, s6, s14, $0xb8;
	[tilespmem:$0xEE40] =	vst v63  }
0x4d: {  	_ =	swait.ge [sflag:s30], $0x1000  }
0x4e: {  	[sflag:s30] =	ssyncset.done $0x0  }
0x4f: {  	s5 =	simm.s32 $0x400;
	[sflag:s30] =	ssyncadd.s32 $0xFFFFF000  }
0x50: {  	[tilespmem:s20], [sflag:$0x4] =	stream.indirect.gather [hbm4b:s4+s14], $0x20, s5, s14, $0xb8;
	[tilespmem:$0xEE40] =	vst v63  }
0x51: {  	_ =	swait.ge [sflag:s23], $0x1000  }
0x52: {  	[sflag:s23] =	ssyncset.done $0x0  }
0x53: {  	s6 =	simm.s32 $0x2A80;
	[sflag:s23] =	ssyncadd.s32 $0xFFFFF000  }
0x54: {  	[spmem:s2] =	stream.indirect.scatter.add.f32 [tilespmem:s15], [sflag:$0x6], $0x20, s6, s14, $0xb8;
	[tilespmem:$0xEE40] =	vst v63  }
0x55: {  	_ =	swait.ge [sflag:s17], $0x1000  }
0x56: {  	[sflag:s17] =	ssyncset.done $0x0  }
0x57: {  	s5 =	simm.s32 $0x480;
	[sflag:s17] =	ssyncadd.s32 $0xFFFFF000  }
0x58: {  	[tilespmem:s22], [sflag:$0x5] =	stream.indirect.gather [hbm4b:s4+s14], $0x20, s5, s14, $0xb8;
	[tilespmem:$0xEE40] =	vst v63  }
0x59: {  	_ =	swait.ge [sflag:s24], $0x1000  }
0x5a: {  	[sflag:s24] =	ssyncset.done $0x0  }
0x5b: {  	s6 =	simm.s32 $0x2B00;
	[sflag:s24] =	ssyncadd.s32 $0xFFFFF000  }
0x5c: {  	[spmem:s2] =	stream.indirect.scatter.add.f32 [tilespmem:s16], [sflag:$0x7], $0x20, s6, s14, $0xb8;
	[tilespmem:$0xEE40] =	vst v63  }
0x5d: {  	_ =	swait.ge [sflag:s26], $0x1000  }
0x5e: {  	[sflag:s26] =	ssyncset.done $0x0  }
0x5f: {  	s5 =	simm.s32 $0x500;
	[sflag:s26] =	ssyncadd.s32 $0xFFFFF000  }
0x60: {  	[tilespmem:s15], [sflag:$0x1] =	stream.indirect.gather [hbm4b:s4+s14], $0x20, s5, s14, $0xb8;
	[tilespmem:$0xEE40] =	vst v63  }
0x61: {  	_ =	swait.ge [sflag:s29], $0x1000  }
0x62: {  	[sflag:s29] =	ssyncset.done $0x0  }
0x63: {  	s6 =	simm.s32 $0x2B80;
	[sflag:s29] =	ssyncadd.s32 $0xFFFFF000  }
0x64: {  	[spmem:s2] =	stream.indirect.scatter.add.f32 [tilespmem:s18], [sflag:$0x8], $0x20, s6, s14, $0xb8;
	[tilespmem:$0xEE40] =	vst v63  }
0x65: {  	_ =	swait.ge [sflag:s31], $0x1000  }
0x66: {  	[sflag:s31] =	ssyncset.done $0x0  }
0x67: {  	s5 =	simm.s32 $0x580;
	[sflag:s31] =	ssyncadd.s32 $0xFFFFF000  }
0x68: {  	[tilespmem:s16], [sflag:$0x2] =	stream.indirect.gather [hbm4b:s4+s14], $0x20, s5, s14, $0xb8;
	[tilespmem:$0xEE40] =	vst v63  }
0x69: {  	_ =	swait.ge [sflag:s1], $0x1000  }
0x6a: {  	[sflag:s1] =	ssyncset.done $0x0  }
0x6b: {  	s6 =	simm.s32 $0x2C00;
	[sflag:s1] =	ssyncadd.s32 $0xFFFFF000  }
0x6c: {  	[spmem:s2] =	stream.indirect.scatter.add.f32 [tilespmem:s20], [sflag:$0x9], $0x20, s6, s14, $0xb8;
	[tilespmem:$0xEE40] =	vst v63  }
0x6d: {  	_ =	swait.ge [sflag:s19], $0x1000  }
0x6e: {  	[sflag:s19] =	ssyncset.done $0x0  }
0x6f: {  	s5 =	simm.s32 $0x600;
	[sflag:s19] =	ssyncadd.s32 $0xFFFFF000  }
0x70: {  	[tilespmem:s18], [sflag:$0x3] =	stream.indirect.gather [hbm4b:s4+s14], $0x20, s5, s14, $0xb8;
	[tilespmem:$0xEE40] =	vst v63  }
0x71: {  	_ =	swait.ge [sflag:s25], $0x1000  }
0x72: {  	[sflag:s25] =	ssyncset.done $0x0  }
0x73: {  	s6 =	simm.s32 $0x2C80;
	[sflag:s25] =	ssyncadd.s32 $0xFFFFF000  }
0x74: {  	[spmem:s2] =	stream.indirect.scatter.add.f32 [tilespmem:s22], [sflag:$0xA], $0x20, s6, s14, $0xb8;
	[tilespmem:$0xEE40] =	vst v63  }
0x75: {  	_ =	swait.ge [sflag:s30], $0x1000  }
0x76: {  	[sflag:s30] =	ssyncset.done $0x0  }
0x77: {  	s0 =	simm.s32 $0xA00;
	s5 =	simm.s32 $0x680;
	[sflag:s30] =	ssyncadd.s32 $0xFFFFF000  }
.LBB2_2:
0x78: {  	[tilespmem:s20], [sflag:$0x4] =	stream.indirect.gather [hbm4b:s4+s14], $0x20, s5, s14, $0xb8;
	[tilespmem:$0xEE40] =	vst v63  }
0x79: {  	s5 =	smov.u32 s0;
	s0 =	sadd.s32 $0xA00, s0;
	_ =	swait.ge [sflag:s23], $0x1000  }
0x7a: {  	s5 =	sshra.s32 s5, $0x2;
	p0 =	sne.s32 s0, $0x8C00;
	[sflag:s23] =	ssyncset.done $0x0  }
0x7b: {  	s6 =	sadd.s32 $0x2A80, s5;
	[sflag:s23] =	ssyncadd.s32 $0xFFFFF000  }
0x7c: {  	[spmem:s2] =	stream.indirect.scatter.add.f32 [tilespmem:s15], [sflag:$0x6], $0x20, s6, s14, $0xb8;
	[tilespmem:$0xEE40] =	vst v63  }
0x7d: {  	_ =	swait.ge [sflag:s17], $0x1000  }
0x7e: {  	[sflag:s17] =	ssyncset.done $0x0  }
0x7f: {  	s6 =	sadd.s32 $0x480, s5;
	[sflag:s17] =	ssyncadd.s32 $0xFFFFF000  }
0x80: {  	[tilespmem:s22], [sflag:$0x5] =	stream.indirect.gather [hbm4b:s4+s14], $0x20, s6, s14, $0xb8;
	[tilespmem:$0xEE40] =	vst v63  }
0x81: {  	_ =	swait.ge [sflag:s24], $0x1000  }
0x82: {  	[sflag:s24] =	ssyncset.done $0x0  }
0x83: {  	s6 =	sadd.s32 $0x2B00, s5;
	[sflag:s24] =	ssyncadd.s32 $0xFFFFF000  }
0x84: {  	[spmem:s2] =	stream.indirect.scatter.add.f32 [tilespmem:s16], [sflag:$0x7], $0x20, s6, s14, $0xb8;
	[tilespmem:$0xEE40] =	vst v63  }
0x85: {  	_ =	swait.ge [sflag:s26], $0x1000  }
0x86: {  	[sflag:s26] =	ssyncset.done $0x0  }
0x87: {  	s6 =	sadd.s32 $0x500, s5;
	[sflag:s26] =	ssyncadd.s32 $0xFFFFF000  }
0x88: {  	[tilespmem:s15], [sflag:$0x1] =	stream.indirect.gather [hbm4b:s4+s14], $0x20, s6, s14, $0xb8;
	[tilespmem:$0xEE40] =	vst v63  }
0x89: {  	_ =	swait.ge [sflag:s29], $0x1000  }
0x8a: {  	[sflag:s29] =	ssyncset.done $0x0  }
0x8b: {  	s6 =	sadd.s32 $0x2B80, s5;
	[sflag:s29] =	ssyncadd.s32 $0xFFFFF000  }
0x8c: {  	[spmem:s2] =	stream.indirect.scatter.add.f32 [tilespmem:s18], [sflag:$0x8], $0x20, s6, s14, $0xb8;
	[tilespmem:$0xEE40] =	vst v63  }
0x8d: {  	_ =	swait.ge [sflag:s31], $0x1000  }
0x8e: {  	[sflag:s31] =	ssyncset.done $0x0  }
0x8f: {  	s6 =	sadd.s32 $0x580, s5;
	[sflag:s31] =	ssyncadd.s32 $0xFFFFF000  }
0x90: {  	[tilespmem:s16], [sflag:$0x2] =	stream.indirect.gather [hbm4b:s4+s14], $0x20, s6, s14, $0xb8;
	[tilespmem:$0xEE40] =	vst v63  }
0x91: {  	_ =	swait.ge [sflag:s1], $0x1000  }
0x92: {  	[sflag:s1] =	ssyncset.done $0x0  }
0x93: {  	s6 =	sadd.s32 $0x2C00, s5;
	[sflag:s1] =	ssyncadd.s32 $0xFFFFF000  }
0x94: {  	[spmem:s2] =	stream.indirect.scatter.add.f32 [tilespmem:s20], [sflag:$0x9], $0x20, s6, s14, $0xb8;
	[tilespmem:$0xEE40] =	vst v63  }
0x95: {  	_ =	swait.ge [sflag:s19], $0x1000  }
0x96: {  	[sflag:s19] =	ssyncset.done $0x0  }
0x97: {  	s6 =	sadd.s32 $0x600, s5;
	[sflag:s19] =	ssyncadd.s32 $0xFFFFF000  }
0x98: {  	[tilespmem:s18], [sflag:$0x3] =	stream.indirect.gather [hbm4b:s4+s14], $0x20, s6, s14, $0xb8;
	[tilespmem:$0xEE40] =	vst v63  }
0x99: {  	_ =	swait.ge [sflag:s25], $0x1000  }
0x9a: {  	[sflag:s25] =	ssyncset.done $0x0  }
.Ltmp0:
0x9b: {  	s6 =	sadd.s32 $0x2C80, s5;
	[sflag:s25] =	ssyncadd.s32 $0xFFFFF000;
	(pc) =	sbr.rel @p0 .LBB2_2-.Ltmp0, $4  }
0x9c: {  	[spmem:s2] =	stream.indirect.scatter.add.f32 [tilespmem:s22], [sflag:$0xA], $0x20, s6, s14, $0xb8;
	[tilespmem:$0xEE40] =	vst v63  }
0x9d: {  	_ =	swait.ge [sflag:s30], $0x1000  }
0x9e: {  	[sflag:s30] =	ssyncset.done $0x0  }
0x9f: {  	s5 =	sadd.s32 $0x680, s5;
	[sflag:s30] =	ssyncadd.s32 $0xFFFFF000  }
0xa0: {  	[tilespmem:s20], [sflag:$0x4] =	stream.indirect.gather [hbm4b:s4+s14], $0x20, s5, s14, $0xb8;
	[tilespmem:$0xEE40] =	vst v63  }
0xa1: {  	_ =	swait.ge [sflag:s23], $0x1000  }
0xa2: {  	s0 =	sshra.s32 s0, $0x2;
	[sflag:s23] =	ssyncset.done $0x0  }
0xa3: {  	s6 =	sadd.s32 $0x2A80, s0;
	[sflag:s23] =	ssyncadd.s32 $0xFFFFF000  }
0xa4: {  	[spmem:s2] =	stream.indirect.scatter.add.f32 [tilespmem:s15], [sflag:$0x6], $0x20, s6, s14, $0xb8;
	[tilespmem:$0xEE40] =	vst v63  }
0xa5: {  	_ =	swait.ge [sflag:s17], $0x1000  }
0xa6: {  	[sflag:s17] =	ssyncset.done $0x0  }
0xa7: {  	s6 =	sadd.s32 $0x480, s0;
	[sflag:s17] =	ssyncadd.s32 $0xFFFFF000  }
0xa8: {  	[tilespmem:s22], [sflag:$0x5] =	stream.indirect.gather [hbm4b:s4+s14], $0x20, s6, s14, $0xb8;
	[tilespmem:$0xEE40] =	vst v63  }
0xa9: {  	_ =	swait.ge [sflag:s24], $0x1000  }
0xaa: {  	[sflag:s24] =	ssyncset.done $0x0  }
0xab: {  	s6 =	sadd.s32 $0x2B00, s0;
	[sflag:s24] =	ssyncadd.s32 $0xFFFFF000  }
0xac: {  	[spmem:s2] =	stream.indirect.scatter.add.f32 [tilespmem:s16], [sflag:$0x7], $0x20, s6, s14, $0xb8;
	[tilespmem:$0xEE40] =	vst v63  }
0xad: {  	_ =	swait.ge [sflag:s26], $0x1000  }
0xae: {  	[sflag:s26] =	ssyncset.done $0x0  }
0xaf: {  	[sflag:s26] =	ssyncadd.s32 $0xFFFFF000  }
0xb0: {  	[tilespmem:s15], [sflag:$0x1] =	stream.indirect.gather [hbm4b:s4+s14], $0x20, s21, s14, $0xb8;
	[tilespmem:$0xEE40] =	vst v63  }
0xb1: {  	_ =	swait.ge [sflag:s29], $0x1000  }
0xb2: {  	[sflag:s29] =	ssyncset.done $0x0  }
0xb3: {  	s6 =	sadd.s32 $0x2B80, s0;
	[sflag:s29] =	ssyncadd.s32 $0xFFFFF000  }
0xb4: {  	[spmem:s2] =	stream.indirect.scatter.add.f32 [tilespmem:s18], [sflag:$0x8], $0x20, s6, s14, $0xb8;
	[tilespmem:$0xEE40] =	vst v63  }
0xb5: {  	_ =	swait.ge [sflag:s31], $0x1000  }
0xb6: {  	[sflag:s31] =	ssyncset.done $0x0  }
0xb7: {  	[sflag:s31] =	ssyncadd.s32 $0xFFFFF000  }
0xb8: {  	[tilespmem:s16], [sflag:$0x2] =	stream.indirect.gather [hbm4b:s4+s14], $0x20, s21, s14, $0xb8;
	[tilespmem:$0xEE40] =	vst v63  }
0xb9: {  	_ =	swait.ge [sflag:s1], $0x1000  }
0xba: {  	[sflag:s1] =	ssyncset.done $0x0  }
0xbb: {  	s6 =	sadd.s32 $0x2C00, s0;
	[sflag:s1] =	ssyncadd.s32 $0xFFFFF000  }
0xbc: {  	[spmem:s2] =	stream.indirect.scatter.add.f32 [tilespmem:s20], [sflag:$0x9], $0x20, s6, s14, $0xb8;
	[tilespmem:$0xEE40] =	vst v63  }
0xbd: {  	_ =	swait.ge [sflag:s19], $0x1000  }
0xbe: {  	[sflag:s19] =	ssyncset.done $0x0  }
0xbf: {  	[sflag:s19] =	ssyncadd.s32 $0xFFFFF000  }
0xc0: {  	[tilespmem:s18], [sflag:$0x3] =	stream.indirect.gather [hbm4b:s4+s14], $0x20, s21, s14, $0xb8;
	[tilespmem:$0xEE40] =	vst v63  }
0xc1: {  	_ =	swait.ge [sflag:s25], $0x1000  }
0xc2: {  	[sflag:s25] =	ssyncset.done $0x0  }
0xc3: {  	s0 =	sadd.s32 $0x2C80, s0;
	[sflag:s25] =	ssyncadd.s32 $0xFFFFF000  }
0xc4: {  	[spmem:s2] =	stream.indirect.scatter.add.f32 [tilespmem:s22], [sflag:$0xA], $0x20, s0, s14, $0xb8;
	[tilespmem:$0xEE40] =	vst v63  }
0xc5: {  	_ =	swait.ge [sflag:s30], $0x1000  }
0xc6: {  	[sflag:s30] =	ssyncset.done $0x0  }
0xc7: {  	[sflag:s30] =	ssyncadd.s32 $0xFFFFF000  }
0xc8: {  	[tilespmem:s20], [sflag:$0x4] =	stream.indirect.gather [hbm4b:s4+s14], $0x20, s21, s14, $0xb8;
	[tilespmem:$0xEE40] =	vst v63  }
0xc9: {  	_ =	swait.ge [sflag:s23], $0x1000  }
0xca: {  	[sflag:s23] =	ssyncset.done $0x0  }
0xcb: {  	[sflag:s23] =	ssyncadd.s32 $0xFFFFF000  }
0xcc: {  	_ =	swait.ge [sflag:s24], $0x1000  }
0xcd: {  	[sflag:s24] =	ssyncset.done $0x0  }
0xce: {  	[sflag:s24] =	ssyncadd.s32 $0xFFFFF000  }
0xcf: {  	_ =	swait.ge [sflag:s29], $0x1000  }
0xd0: {  	[sflag:s29] =	ssyncset.done $0x0  }
0xd1: {  	[sflag:s29] =	ssyncadd.s32 $0xFFFFF000  }
0xd2: {  	_ =	swait.ge [sflag:s1], $0x1000  }
0xd3: {  	[sflag:s1] =	ssyncset.done $0x0  }
0xd4: {  	[sflag:s1] =	ssyncadd.s32 $0xFFFFF000  }
0xd5: {  	_ =	swait.ge [sflag:s17], $0x1000  }
0xd6: {  	s28 =	sadd.s32 $0x1, s28;
	[sflag:s17] =	ssyncset.done $0x0  }
0xd7: {  	p0 =	sne.s32 s28, s9;
	[sflag:s17] =	ssyncadd.s32 $0xFFFFF000  }
.Ltmp1:
0xd8: {  	[bflag:$0x0] =	sbarrier.arrive $0xFFFF;
	(pc) =	sbr.rel @p0 .LBB2_1-.Ltmp1, $4  }
0xd9: {  	[hbm:s8], [sflag:s12] =	dma.local [spmem:s13], $0xA00  }
0xda: {  	_ =	swait.ge [sflag:s10], $0xA00  }
0xdb: {  	[sflag:s10] =	ssyncset.done $0x0  }
0xdc: {  	[sflag:s10] =	ssyncadd.s32 $0xFFFFF600  }
0xdd: {  	_ =	sfence.sel $0x180000  }
0xde: {  	[bflag:$0x0] =	sbarrier.arrive $0xFFFF  }
0xdf: {  	_ =	strace $0x90000050  }
0xe0: {  	s0 =	stileid.u32;
	[bflag:$0x2] =	sbarrier.arrive $0xFFFF  }
0xe1: {  	p0 =	sne.s32 s0, $0x0;
	s0 =	rddreg [dreg:$0x3]  }
0xe2: {  	s0 =	sadd.s32 @!p0 $0x100000, s0  }
0xe3: {  	[sflag:s0] =	ssyncadd.tile.s32 @!p0 $0x1;
	_ =	shalt  }
.Lfunc_end2:
_tile_overlayer_lowered:
.L_overlay_start_2:
0xe4: {  	(tag) =	ssettag $0x2  }
0xe5: {  	s0 =	rddreg [dreg:$0x0];
	s2 =	stileid.u32  }
0xe6: {  	s1 =	rddreg [dreg:$0x1];
	p0 =	sne.s32 s2, $0x0  }
0xe7: {  	s3 =	rddreg [dreg:$0x2];
	[bflag:$0x3] =	sbarrier.arrive $0xFFFF;
	s2 =	simm.s32 @!p0 $0x1C0B  }
0xe8: {  	[timem:s3], [sflag:s2] =	dma.local @!p0 [hbm:s0], s1  }
0xe9: {  	s0 =	simm.s32 @!p0 $0xB  }
0xea: {  	_ =	swait.ge @!p0 [sflag:s0], s1  }
0xeb: {  	s1 =	ssub.s32 @!p0 $0x0, s1;
	[sflag:s0] =	ssyncset.done @!p0 $0x0  }
0xec: {  	[sflag:s0] =	ssyncadd.s32 @!p0 s1  }
0xed: {  	[bflag:$0x3] =	sbarrier.arrive $0xFFFF  }
0xee: {  	_ =	shalt  }

</sc_bundles>
